<compile_context>
chip_gen: v7x
topology: tpu7x:2x2x1
jax: 0.10.2.dev20260603
libtpu: 0.0.44.dev20260713+nightly
codegen_flags: <defaults>
</compile_context>

<pallas_src>
import jax
import jax.numpy as jnp
import numpy as np
from jax import lax
from jax.experimental import pallas as pl
from jax.experimental.pallas import tpu as pltpu
from jax.experimental.pallas import tpu_sc as plsc

_VOCAB = 1000000
_HIDDEN = 64
_SEQ = 200
_BATCH = 4096

_NC = 2
_NS = 16
_NW = _NC * _NS
_SEQ_PER_W = _BATCH // _NW

_G0 = 128
_G1 = _SEQ - _G0
_UNROLL = 4
_IDXN = 208

_RB = 16384


_SUB = 128

_A_NP = np.zeros((2, _SUB // 2, _SUB), np.float32)
_A_NP[0, np.arange(_SUB // 2), 2 * np.arange(_SUB // 2)] = 1.0
_A_NP[1, np.arange(_SUB // 2), 2 * np.arange(_SUB // 2) + 1] = 1.0


def _repack_body(a_ref, in_ref, out_ref):
    x = in_ref[...]
    a = a_ref[...]
    a_e = a[: _SUB // 2]
    a_o = a[_SUB // 2:]
    dn = (((1,), (1,)), ((), ()))
    parts = []
    for k in range(_RB // _SUB):
        xs = x[:, k * _SUB:(k + 1) * _SUB]
        e = jax.lax.dot_general(a_e, xs, dn,
                                preferred_element_type=jnp.float32)
        o = jax.lax.dot_general(a_o, xs, dn,
                                preferred_element_type=jnp.float32)
        parts.append(jnp.concatenate([e, o], axis=1))
    out_ref[...] = jnp.concatenate(parts, axis=0)


def _repack(emb_t):
    grid = (pl.cdiv(_VOCAB, _RB),)
    return pl.pallas_call(
        _repack_body,
        grid=grid,
        in_specs=[pl.BlockSpec((_SUB, _SUB), lambda j: (0, 0)),
                  pl.BlockSpec((_HIDDEN, _RB), lambda j: (0, j))],
        out_specs=pl.BlockSpec((_RB // 2, 128), lambda j: (j, 0)),
        out_shape=jax.ShapeDtypeStruct((_VOCAB * _HIDDEN // 128, 128),
                                       jnp.float32),
    )(jnp.asarray(_A_NP.reshape(_SUB, _SUB)), emb_t)


def _body(tok_hbm, emb_hbm, pos_hbm, out_hbm, pos_v,
          idxr0, idxr1, rows0, rows1, wb0, wb1,
          si0, si1, sg0, sg1, so0, so1):
    c = lax.axis_index("c")
    s = lax.axis_index("s")
    wid = s * _NC + c

    idxr = (idxr0, idxr1)
    rows = (rows0, rows1)
    wb = (wb0, wb1)
    si = (si0, si1)
    sg = (sg0, sg1)
    so = (so0, so1)

    def fire_idx(i, b):
        base = (wid * _SEQ_PER_W + i) * _SEQ
        pltpu.async_copy(
            tok_hbm.at[pl.ds(base, _SEQ)], idxr[b].at[pl.ds(0, _SEQ)], si[b])

    def wait_idx(b):
        pltpu.make_async_copy(
            tok_hbm.at[pl.ds(0, _SEQ)], idxr[b].at[pl.ds(0, _SEQ)],
            si[b]).wait()

    def fire_gather(b):
        pltpu.async_copy(
            emb_hbm.at[idxr[b].at[pl.ds(0, _G0)]], rows[b].at[pl.ds(0, _G0)],
            sg[b])
        pltpu.async_copy(
            emb_hbm.at[idxr[b].at[pl.ds(_G0, _G1)]],
            rows[b].at[pl.ds(_G0, _G1)], sg[b])

    def wait_gather(b):
        pltpu.make_async_copy(
            emb_hbm.at[pl.ds(0, _SEQ)], rows[b], sg[b]).wait()

    def fire_wb(i, b):
        seq = wid * _SEQ_PER_W + i
        pltpu.async_copy(wb[b], out_hbm.at[seq, :, pl.ds(0, _HIDDEN)],
                         so[b])

    def wait_wb(b):
        pltpu.make_async_copy(
            out_hbm.at[0, :, pl.ds(0, _HIDDEN)], wb[b], so[b]).wait()

    pltpu.sync_copy(pos_hbm, pos_v)

    fire_idx(0, 0)
    fire_idx(1, 1)
    wait_idx(0)
    fire_gather(0)

    def seq_body(i, carry):
        b = lax.rem(i, 2)

        def for_buf(bb):
            nb = 1 - bb

            @pl.when(i + 1 < _SEQ_PER_W)
            def _():
                wait_idx(nb)
                fire_gather(nb)

            wait_gather(bb)

            @pl.when(i >= 2)
            def _():
                wait_wb(bb)

            def l_body(j, c2):
                for u in range(_UNROLL):
                    l = j * _UNROLL + u
                    for g in range(_HIDDEN // 16):
                        sl = pl.ds(g * 16, 16)
                        wb[bb][l, sl] = rows[bb][l, sl] + pos_v[l, sl]
                return c2

            lax.fori_loop(0, _SEQ // _UNROLL, l_body, 0)

            fire_wb(i, bb)

            @pl.when(i + 2 < _SEQ_PER_W)
            def _():
                fire_idx(i + 2, bb)

        @pl.when(b == 0)
        def _():
            for_buf(0)

        @pl.when(b == 1)
        def _():
            for_buf(1)

        return carry

    lax.fori_loop(0, _SEQ_PER_W, seq_body, 0)

    wait_wb((_SEQ_PER_W - 1) % 2)


def _emb_lookup(tokens_flat, emb_pad, pos_table):
    kfn = pl.kernel(
        _body,
        mesh=plsc.VectorSubcoreMesh(core_axis_name="c", subcore_axis_name="s"),
        out_type=jax.ShapeDtypeStruct((_BATCH, _SEQ, 128), jnp.float32),
        scratch_types=[
            pltpu.VMEM((_SEQ, _HIDDEN), jnp.float32),
            pltpu.VMEM((_IDXN,), jnp.int32),
            pltpu.VMEM((_IDXN,), jnp.int32),
            pltpu.VMEM((_SEQ, _HIDDEN), jnp.float32),
            pltpu.VMEM((_SEQ, _HIDDEN), jnp.float32),
            pltpu.VMEM((_SEQ, _HIDDEN), jnp.float32),
            pltpu.VMEM((_SEQ, _HIDDEN), jnp.float32),
            pltpu.SemaphoreType.DMA,
            pltpu.SemaphoreType.DMA,
            pltpu.SemaphoreType.DMA,
            pltpu.SemaphoreType.DMA,
            pltpu.SemaphoreType.DMA,
            pltpu.SemaphoreType.DMA,
        ],
        compiler_params=pltpu.CompilerParams(use_tc_tiling_on_sc=False),
    )
    return kfn(tokens_flat, emb_pad, pos_table)


def kernel(tokens, emb_table, pos_table):
    batch, seq = tokens.shape
    hid = emb_table.shape[1]
    emb_repack = _repack(emb_table.T)
    emb_lin = emb_repack.reshape(_VOCAB, _HIDDEN)
    out3 = _emb_lookup(tokens.reshape(-1), emb_lin, pos_table)
    return out3[:, :, :hid]

# --- scband reference (transcript-rebuilt; emitter-appended) ---
"""Pipeline reference for scband-embedding-47038481826279 (READ-ONLY COPY).

The authoritative reference and input builder live on the scoring server;
editing this copy changes nothing except your own understanding.
"""

import jax, jax.numpy as jnp
import numpy as np

VOCAB = 1000000
HIDDEN = 64
SEQ = 200
BATCH = 4096


def setup_inputs(seed: int = 0) -> dict:
    key = jax.random.key(seed)
    k1, k2, k3 = jax.random.split(key, 3)
    tokens = jax.random.randint(k1, (BATCH, SEQ), 0, VOCAB, dtype=jnp.int64 if jax.config.jax_enable_x64 else jnp.int32).astype(jnp.int32)
    emb_table = jax.random.normal(k2, (VOCAB, HIDDEN), dtype=jnp.float32) * 0.02
    pos_table = jax.random.normal(k3, (SEQ, HIDDEN), dtype=jnp.float32) * 0.02
    return {"tokens": tokens, "emb_table": emb_table, "pos_table": pos_table}


def reference(tokens, emb_table, pos_table):
    # Faithful translation of Embedding.embedding(tokens):
    #   token embedding lookup + positional embedding lookup (broadcast over batch)
    curr_seqlength = tokens.shape[1]
    positions = jnp.arange(curr_seqlength)[None, :]  # [1, Lq]
    tok_emb = jnp.take(emb_table, tokens, axis=0)      # [B, Lq, D] gather
    pos_emb = jnp.take(pos_table, positions, axis=0)   # [1, Lq, D] gather
    return tok_emb + pos_emb

if __name__ == "__main__":
    import jax
    _d = setup_inputs()
    print(jax.jit(kernel)(*tuple(_d.values())))

</pallas_src>

<mosaic_0001>
#map = affine_map<(d0, d1) -> (0)>
#map1 = affine_map<(d0, d1) -> (0, 0)>
#map2 = affine_map<(d0, d1) -> (0, 0, 0)>
module attributes {stable_mosaic.version = 14 : i64} {
  func.func @_body(%arg0: i32, %arg1: i32, %arg2: memref<819200xi32, #tpu.memory_space<hbm>>, %arg3: memref<1000000x64xf32, #tpu.memory_space<hbm>>, %arg4: memref<200x64xf32, #tpu.memory_space<hbm>>, %arg5: memref<4096x200x128xf32, #tpu.memory_space<hbm>>, %arg6: memref<200x64xf32, #tpu.memory_space<vmem>>, %arg7: memref<208xi32, #tpu.memory_space<vmem>>, %arg8: memref<208xi32, #tpu.memory_space<vmem>>, %arg9: memref<200x64xf32, #tpu.memory_space<vmem>>, %arg10: memref<200x64xf32, #tpu.memory_space<vmem>>, %arg11: memref<200x64xf32, #tpu.memory_space<vmem>>, %arg12: memref<200x64xf32, #tpu.memory_space<vmem>>, %arg13: memref<!tpu.dma_semaphore, #tpu.memory_space<semaphore_mem>>, %arg14: memref<!tpu.dma_semaphore, #tpu.memory_space<semaphore_mem>>, %arg15: memref<!tpu.dma_semaphore, #tpu.memory_space<semaphore_mem>>, %arg16: memref<!tpu.dma_semaphore, #tpu.memory_space<semaphore_mem>>, %arg17: memref<!tpu.dma_semaphore, #tpu.memory_space<semaphore_mem>>, %arg18: memref<!tpu.dma_semaphore, #tpu.memory_space<semaphore_mem>>) attributes {dimension_semantics = [#tpu.dimension_semantics<core_parallel>, #tpu.dimension_semantics<subcore_parallel>], iteration_bounds = array<i64: 2, 16>, scalar_prefetch = 0 : i64, scratch_operands = 13 : i64, tpu.core_type = #tpu.core_type<sc_vector_subcore>, window_params = [{transform_indices = #map}, {transform_indices = #map1}, {transform_indices = #map1}, {transform_indices = #map2}]} {
    %mul3A = arith.constant 2 : i32
    %mul3A_0 = arith.muli %arg1, %mul3A : i32
    %add3A = arith.addi %mul3A_0, %arg0 : i32
    "tpu.region"() ({
      %run_scoped3A = tpu.sem_alloc : memref<!tpu.dma_semaphore, #tpu.memory_space<semaphore_mem>>
      tpu.enqueue_dma source(%arg4 : memref<200x64xf32, #tpu.memory_space<hbm>>) target(%arg6 : memref<200x64xf32, #tpu.memory_space<vmem>>) target_semaphore(%run_scoped3A : memref<!tpu.dma_semaphore, #tpu.memory_space<semaphore_mem>>)
      tpu.wait_dma2 semaphore(%run_scoped3A : memref<!tpu.dma_semaphore, #tpu.memory_space<semaphore_mem>>) src(%arg4 : memref<200x64xf32, #tpu.memory_space<hbm>>) dst(%arg6 : memref<200x64xf32, #tpu.memory_space<vmem>>)
      tpu.yield
    }) : () -> ()
    %mul3A_1 = arith.constant 128 : i32
    %mul3A_2 = arith.muli %add3A, %mul3A_1 : i32
    %add3A_3 = arith.constant 0 : i32
    %add3A_4 = arith.addi %mul3A_2, %add3A_3 : i32
    %mul3A_5 = arith.constant 200 : i32
    %mul3A_6 = arith.muli %add3A_4, %mul3A_5 : i32
    %dma_start3A = arith.constant 0 : i32
    %dma_start3A_7 = tpu.memref_slice %arg7[%dma_start3A] : memref<208xi32, #tpu.memory_space<vmem>> -> memref<200xi32, #tpu.memory_space<vmem>>
    %dma_start3A_8 = tpu.memref_slice %arg2[%mul3A_6] : memref<819200xi32, #tpu.memory_space<hbm>> -> memref<200xi32, #tpu.memory_space<hbm>>
    %dma_start3A_9 = arith.constant 0 : i32
    %dma_start3A_10 = tpu.memref_slice %arg7[%dma_start3A_9] : memref<208xi32, #tpu.memory_space<vmem>> -> memref<200xi32, #tpu.memory_space<vmem>>
    %dma_start3A_11 = tpu.memref_slice %arg2[%mul3A_6] : memref<819200xi32, #tpu.memory_space<hbm>> -> memref<200xi32, #tpu.memory_space<hbm>>
    tpu.enqueue_dma source(%dma_start3A_11 : memref<200xi32, #tpu.memory_space<hbm>>) target(%dma_start3A_10 : memref<200xi32, #tpu.memory_space<vmem>>) target_semaphore(%arg13 : memref<!tpu.dma_semaphore, #tpu.memory_space<semaphore_mem>>)
    %mul3A_12 = arith.constant 128 : i32
    %mul3A_13 = arith.muli %add3A, %mul3A_12 : i32
    %add3A_14 = arith.constant 1 : i32
    %add3A_15 = arith.addi %mul3A_13, %add3A_14 : i32
    %mul3A_16 = arith.constant 200 : i32
    %mul3A_17 = arith.muli %add3A_15, %mul3A_16 : i32
    %dma_start3A_18 = arith.constant 0 : i32
    %dma_start3A_19 = tpu.memref_slice %arg8[%dma_start3A_18] : memref<208xi32, #tpu.memory_space<vmem>> -> memref<200xi32, #tpu.memory_space<vmem>>
    %dma_start3A_20 = tpu.memref_slice %arg2[%mul3A_17] : memref<819200xi32, #tpu.memory_space<hbm>> -> memref<200xi32, #tpu.memory_space<hbm>>
    %dma_start3A_21 = arith.constant 0 : i32
    %dma_start3A_22 = tpu.memref_slice %arg8[%dma_start3A_21] : memref<208xi32, #tpu.memory_space<vmem>> -> memref<200xi32, #tpu.memory_space<vmem>>
    %dma_start3A_23 = tpu.memref_slice %arg2[%mul3A_17] : memref<819200xi32, #tpu.memory_space<hbm>> -> memref<200xi32, #tpu.memory_space<hbm>>
    tpu.enqueue_dma source(%dma_start3A_23 : memref<200xi32, #tpu.memory_space<hbm>>) target(%dma_start3A_22 : memref<200xi32, #tpu.memory_space<vmem>>) target_semaphore(%arg14 : memref<!tpu.dma_semaphore, #tpu.memory_space<semaphore_mem>>)
    %dma_wait3A = arith.constant 0 : i32
    %dma_wait3A_24 = tpu.memref_slice %arg7[%dma_wait3A] : memref<208xi32, #tpu.memory_space<vmem>> -> memref<200xi32, #tpu.memory_space<vmem>>
    %dma_wait3A_25 = arith.constant 0 : i32
    %dma_wait3A_26 = tpu.memref_slice %arg2[%dma_wait3A_25] : memref<819200xi32, #tpu.memory_space<hbm>> -> memref<200xi32, #tpu.memory_space<hbm>>
    %dma_wait3A_27 = arith.constant 0 : i32
    %dma_wait3A_28 = tpu.memref_slice %arg7[%dma_wait3A_27] : memref<208xi32, #tpu.memory_space<vmem>> -> memref<200xi32, #tpu.memory_space<vmem>>
    %dma_wait3A_29 = arith.constant 0 : i32
    %dma_wait3A_30 = tpu.memref_slice %arg2[%dma_wait3A_29] : memref<819200xi32, #tpu.memory_space<hbm>> -> memref<200xi32, #tpu.memory_space<hbm>>
    tpu.wait_dma2 semaphore(%arg13 : memref<!tpu.dma_semaphore, #tpu.memory_space<semaphore_mem>>) src(%dma_wait3A_30 : memref<200xi32, #tpu.memory_space<hbm>>) dst(%dma_wait3A_28 : memref<200xi32, #tpu.memory_space<vmem>>)
    %dma_start3A_31 = arith.constant 0 : i32
    %dma_start3A_32 = arith.constant 0 : i32
    %dma_start3A_33 = tpu.memref_slice %arg9[%dma_start3A_31, %dma_start3A_32] : memref<200x64xf32, #tpu.memory_space<vmem>> -> memref<128x64xf32, #tpu.memory_space<vmem>>
    %dma_start3A_34 = arith.constant 0 : i32
    %dma_start3A_35 = tpu.memref_slice %arg7[%dma_start3A_34] : memref<208xi32, #tpu.memory_space<vmem>> -> memref<128xi32, #tpu.memory_space<vmem>>
    %dma_start3A_36 = arith.constant 0 : i32
    %dma_start3A_37 = arith.constant 0 : i32
    %dma_start3A_38 = tpu.memref_slice %arg3[%dma_start3A_36, %dma_start3A_37] : memref<1000000x64xf32, #tpu.memory_space<hbm>> -> memref<1000000x64xf32, #tpu.memory_space<hbm>>
    tpu.enqueue_indirect_dma source(%dma_start3A_38 : memref<1000000x64xf32, #tpu.memory_space<hbm>>) target(%dma_start3A_33 : memref<128x64xf32, #tpu.memory_space<vmem>>) offsets(%dma_start3A_35 : memref<128xi32, #tpu.memory_space<vmem>>) semaphore(%arg15 : memref<!tpu.dma_semaphore, #tpu.memory_space<semaphore_mem>>)
    %dma_start3A_39 = arith.constant 128 : i32
    %dma_start3A_40 = arith.constant 0 : i32
    %dma_start3A_41 = tpu.memref_slice %arg9[%dma_start3A_39, %dma_start3A_40] : memref<200x64xf32, #tpu.memory_space<vmem>> -> memref<72x64xf32, #tpu.memory_space<vmem>>
    %dma_start3A_42 = arith.constant 128 : i32
    %dma_start3A_43 = tpu.memref_slice %arg7[%dma_start3A_42] : memref<208xi32, #tpu.memory_space<vmem>> -> memref<72xi32, #tpu.memory_space<vmem>>
    %dma_start3A_44 = arith.constant 0 : i32
    %dma_start3A_45 = arith.constant 0 : i32
    %dma_start3A_46 = tpu.memref_slice %arg3[%dma_start3A_44, %dma_start3A_45] : memref<1000000x64xf32, #tpu.memory_space<hbm>> -> memref<1000000x64xf32, #tpu.memory_space<hbm>>
    tpu.enqueue_indirect_dma source(%dma_start3A_46 : memref<1000000x64xf32, #tpu.memory_space<hbm>>) target(%dma_start3A_41 : memref<72x64xf32, #tpu.memory_space<vmem>>) offsets(%dma_start3A_43 : memref<72xi32, #tpu.memory_space<vmem>>) semaphore(%arg15 : memref<!tpu.dma_semaphore, #tpu.memory_space<semaphore_mem>>)
    %scan3A = arith.constant 0 : i32
    %scan3A_47 = arith.constant 0 : i32
    %scan3A_48 = arith.constant 128 : i32
    %scan3A_49 = arith.addi %scan3A_47, %scan3A_48 : i32
    %scan3A_50 = arith.constant 1 : i32
    scf.for %scan3A_61 = %scan3A_47 to %scan3A_49 step %scan3A_50  : i32 {
      %rem3A = arith.constant 2 : i32
      %rem3A_62 = arith.remsi %scan3A_61, %rem3A : i32
      %eq3A = arith.constant 0 : i32
      %eq3A_63 = arith.cmpi eq, %rem3A_62, %eq3A : i32
      %convert_element_type3A = arith.extui %eq3A_63 : i1 to i32
      %cond3A = arith.constant 0 : i32
      %cond3A_64 = arith.cmpi ne, %convert_element_type3A, %cond3A : i32
      scf.if %cond3A_64 {
        %add3A_70 = arith.constant 1 : i32
        %add3A_71 = arith.addi %scan3A_61, %add3A_70 : i32
        %lt3A = arith.constant 128 : i32
        %lt3A_72 = arith.cmpi slt, %add3A_71, %lt3A : i32
        %convert_element_type3A_73 = arith.extui %lt3A_72 : i1 to i32
        %cond3A_74 = arith.constant 0 : i32
        %cond3A_75 = arith.cmpi ne, %convert_element_type3A_73, %cond3A_74 : i32
        scf.if %cond3A_75 {
          %dma_wait3A_110 = arith.constant 0 : i32
          %dma_wait3A_111 = tpu.memref_slice %arg8[%dma_wait3A_110] : memref<208xi32, #tpu.memory_space<vmem>> -> memref<200xi32, #tpu.memory_space<vmem>>
          %dma_wait3A_112 = arith.constant 0 : i32
          %dma_wait3A_113 = tpu.memref_slice %arg2[%dma_wait3A_112] : memref<819200xi32, #tpu.memory_space<hbm>> -> memref<200xi32, #tpu.memory_space<hbm>>
          %dma_wait3A_114 = arith.constant 0 : i32
          %dma_wait3A_115 = tpu.memref_slice %arg8[%dma_wait3A_114] : memref<208xi32, #tpu.memory_space<vmem>> -> memref<200xi32, #tpu.memory_space<vmem>>
          %dma_wait3A_116 = arith.constant 0 : i32
          %dma_wait3A_117 = tpu.memref_slice %arg2[%dma_wait3A_116] : memref<819200xi32, #tpu.memory_space<hbm>> -> memref<200xi32, #tpu.memory_space<hbm>>
          tpu.wait_dma2 semaphore(%arg14 : memref<!tpu.dma_semaphore, #tpu.memory_space<semaphore_mem>>) src(%dma_wait3A_117 : memref<200xi32, #tpu.memory_space<hbm>>) dst(%dma_wait3A_115 : memref<200xi32, #tpu.memory_space<vmem>>)
          %dma_start3A_118 = arith.constant 0 : i32
          %dma_start3A_119 = arith.constant 0 : i32
          %dma_start3A_120 = tpu.memref_slice %arg10[%dma_start3A_118, %dma_start3A_119] : memref<200x64xf32, #tpu.memory_space<vmem>> -> memref<128x64xf32, #tpu.memory_space<vmem>>
          %dma_start3A_121 = arith.constant 0 : i32
          %dma_start3A_122 = tpu.memref_slice %arg8[%dma_start3A_121] : memref<208xi32, #tpu.memory_space<vmem>> -> memref<128xi32, #tpu.memory_space<vmem>>
          %dma_start3A_123 = arith.constant 0 : i32
          %dma_start3A_124 = arith.constant 0 : i32
          %dma_start3A_125 = tpu.memref_slice %arg3[%dma_start3A_123, %dma_start3A_124] : memref<1000000x64xf32, #tpu.memory_space<hbm>> -> memref<1000000x64xf32, #tpu.memory_space<hbm>>
          tpu.enqueue_indirect_dma source(%dma_start3A_125 : memref<1000000x64xf32, #tpu.memory_space<hbm>>) target(%dma_start3A_120 : memref<128x64xf32, #tpu.memory_space<vmem>>) offsets(%dma_start3A_122 : memref<128xi32, #tpu.memory_space<vmem>>) semaphore(%arg16 : memref<!tpu.dma_semaphore, #tpu.memory_space<semaphore_mem>>)
          %dma_start3A_126 = arith.constant 128 : i32
          %dma_start3A_127 = arith.constant 0 : i32
          %dma_start3A_128 = tpu.memref_slice %arg10[%dma_start3A_126, %dma_start3A_127] : memref<200x64xf32, #tpu.memory_space<vmem>> -> memref<72x64xf32, #tpu.memory_space<vmem>>
          %dma_start3A_129 = arith.constant 128 : i32
          %dma_start3A_130 = tpu.memref_slice %arg8[%dma_start3A_129] : memref<208xi32, #tpu.memory_space<vmem>> -> memref<72xi32, #tpu.memory_space<vmem>>
          %dma_start3A_131 = arith.constant 0 : i32
          %dma_start3A_132 = arith.constant 0 : i32
          %dma_start3A_133 = tpu.memref_slice %arg3[%dma_start3A_131, %dma_start3A_132] : memref<1000000x64xf32, #tpu.memory_space<hbm>> -> memref<1000000x64xf32, #tpu.memory_space<hbm>>
          tpu.enqueue_indirect_dma source(%dma_start3A_133 : memref<1000000x64xf32, #tpu.memory_space<hbm>>) target(%dma_start3A_128 : memref<72x64xf32, #tpu.memory_space<vmem>>) offsets(%dma_start3A_130 : memref<72xi32, #tpu.memory_space<vmem>>) semaphore(%arg16 : memref<!tpu.dma_semaphore, #tpu.memory_space<semaphore_mem>>)
        } else {
        }
        %dma_wait3A_76 = arith.constant 0 : i32
        %dma_wait3A_77 = arith.constant 0 : i32
        %dma_wait3A_78 = tpu.memref_slice %arg3[%dma_wait3A_76, %dma_wait3A_77] : memref<1000000x64xf32, #tpu.memory_space<hbm>> -> memref<200x64xf32, #tpu.memory_space<hbm>>
        %dma_wait3A_79 = arith.constant 0 : i32
        %dma_wait3A_80 = arith.constant 0 : i32
        %dma_wait3A_81 = tpu.memref_slice %arg3[%dma_wait3A_79, %dma_wait3A_80] : memref<1000000x64xf32, #tpu.memory_space<hbm>> -> memref<200x64xf32, #tpu.memory_space<hbm>>
        tpu.wait_dma2 semaphore(%arg15 : memref<!tpu.dma_semaphore, #tpu.memory_space<semaphore_mem>>) src(%dma_wait3A_81 : memref<200x64xf32, #tpu.memory_space<hbm>>) dst(%arg9 : memref<200x64xf32, #tpu.memory_space<vmem>>)
        %ge3A = arith.constant 2 : i32
        %ge3A_82 = arith.cmpi sge, %scan3A_61, %ge3A : i32
        %convert_element_type3A_83 = arith.extui %ge3A_82 : i1 to i32
        %cond3A_84 = arith.constant 0 : i32
        %cond3A_85 = arith.cmpi ne, %convert_element_type3A_83, %cond3A_84 : i32
        scf.if %cond3A_85 {
          %dma_wait3A_110 = arith.constant 0 : i32
          %dma_wait3A_111 = arith.constant 0 : i32
          %dma_wait3A_112 = arith.constant 0 : i32
          %dma_wait3A_113 = tpu.memref_slice %arg5[%dma_wait3A_110, %dma_wait3A_111, %dma_wait3A_112] : memref<4096x200x128xf32, #tpu.memory_space<hbm>> -> memref<1x200x64xf32, #tpu.memory_space<hbm>>
          %dma_wait3A_114 = tpu.memref_squeeze %dma_wait3A_113 : memref<1x200x64xf32, #tpu.memory_space<hbm>> -> memref<200x64xf32, #tpu.memory_space<hbm>>
          %dma_wait3A_115 = arith.constant 0 : i32
          %dma_wait3A_116 = arith.constant 0 : i32
          %dma_wait3A_117 = tpu.memref_slice %arg5[%dma_wait3A_110, %dma_wait3A_115, %dma_wait3A_116] : memref<4096x200x128xf32, #tpu.memory_space<hbm>> -> memref<1x200x64xf32, #tpu.memory_space<hbm>>
          %dma_wait3A_118 = tpu.memref_squeeze %dma_wait3A_117 : memref<1x200x64xf32, #tpu.memory_space<hbm>> -> memref<200x64xf32, #tpu.memory_space<hbm>>
          tpu.wait_dma2 semaphore(%arg17 : memref<!tpu.dma_semaphore, #tpu.memory_space<semaphore_mem>>) src(%dma_wait3A_118 : memref<200x64xf32, #tpu.memory_space<hbm>>) dst(%arg11 : memref<200x64xf32, #tpu.memory_space<vmem>>)
        } else {
        }
        %scan3A_86 = arith.constant 0 : i32
        %scan3A_87 = arith.constant 0 : i32
        %scan3A_88 = arith.constant 50 : i32
        %scan3A_89 = arith.addi %scan3A_87, %scan3A_88 : i32
        %scan3A_90 = arith.constant 1 : i32
        scf.for %scan3A_110 = %scan3A_87 to %scan3A_89 step %scan3A_90  : i32 {
          %mul3A_111 = arith.constant 4 : i32
          %mul3A_112 = arith.muli %scan3A_110, %mul3A_111 : i32
          %add3A_113 = arith.constant 0 : i32
          %add3A_114 = arith.addi %mul3A_112, %add3A_113 : i32
          %get3A = arith.index_cast %add3A_114 : i32 to index
          %get3A_115 = arith.constant 0 : index
          %get3A_116 = tpu.vector_load %arg9[%get3A, %get3A_115] {strides = array<i32>} : memref<200x64xf32, #tpu.memory_space<vmem>>, vector<1x16xf32>,
          %get3A_117 = vector.shape_cast %get3A_116 : vector<1x16xf32> to vector<16xf32>
          %get3A_118 = arith.index_cast %add3A_114 : i32 to index
          %get3A_119 = arith.constant 0 : index
          %get3A_120 = tpu.vector_load %arg6[%get3A_118, %get3A_119] {strides = array<i32>} : memref<200x64xf32, #tpu.memory_space<vmem>>, vector<1x16xf32>,
          %get3A_121 = vector.shape_cast %get3A_120 : vector<1x16xf32> to vector<16xf32>
          %add3A_122 = arith.addf %get3A_117, %get3A_121 : vector<16xf32>
          %swap3A = arith.index_cast %add3A_114 : i32 to index
          %swap3A_123 = arith.constant 0 : index
          %swap3A_124 = tpu.vector_load %arg11[%swap3A, %swap3A_123] {strides = array<i32>} : memref<200x64xf32, #tpu.memory_space<vmem>>, vector<1x16xf32>,
          %swap3A_125 = vector.shape_cast %swap3A_124 : vector<1x16xf32> to vector<16xf32>
          %swap3A_126 = vector.shape_cast %add3A_122 : vector<16xf32> to vector<1x16xf32>
          tpu.vector_store %arg11[%swap3A, %swap3A_123], %swap3A_126 {strides = array<i32>} : memref<200x64xf32, #tpu.memory_space<vmem>>, vector<1x16xf32>,
          %get3A_127 = arith.index_cast %add3A_114 : i32 to index
          %get3A_128 = arith.constant 16 : index
          %get3A_129 = tpu.vector_load %arg9[%get3A_127, %get3A_128] {strides = array<i32>} : memref<200x64xf32, #tpu.memory_space<vmem>>, vector<1x16xf32>,
          %get3A_130 = vector.shape_cast %get3A_129 : vector<1x16xf32> to vector<16xf32>
          %get3A_131 = arith.index_cast %add3A_114 : i32 to index
          %get3A_132 = arith.constant 16 : index
          %get3A_133 = tpu.vector_load %arg6[%get3A_131, %get3A_132] {strides = array<i32>} : memref<200x64xf32, #tpu.memory_space<vmem>>, vector<1x16xf32>,
          %get3A_134 = vector.shape_cast %get3A_133 : vector<1x16xf32> to vector<16xf32>
          %add3A_135 = arith.addf %get3A_130, %get3A_134 : vector<16xf32>
          %swap3A_136 = arith.index_cast %add3A_114 : i32 to index
          %swap3A_137 = arith.constant 16 : index
          %swap3A_138 = tpu.vector_load %arg11[%swap3A_136, %swap3A_137] {strides = array<i32>} : memref<200x64xf32, #tpu.memory_space<vmem>>, vector<1x16xf32>,
          %swap3A_139 = vector.shape_cast %swap3A_138 : vector<1x16xf32> to vector<16xf32>
          %swap3A_140 = vector.shape_cast %add3A_135 : vector<16xf32> to vector<1x16xf32>
          tpu.vector_store %arg11[%swap3A_136, %swap3A_137], %swap3A_140 {strides = array<i32>} : memref<200x64xf32, #tpu.memory_space<vmem>>, vector<1x16xf32>,
          %get3A_141 = arith.index_cast %add3A_114 : i32 to index
          %get3A_142 = arith.constant 32 : index
          %get3A_143 = tpu.vector_load %arg9[%get3A_141, %get3A_142] {strides = array<i32>} : memref<200x64xf32, #tpu.memory_space<vmem>>, vector<1x16xf32>,
          %get3A_144 = vector.shape_cast %get3A_143 : vector<1x16xf32> to vector<16xf32>
          %get3A_145 = arith.index_cast %add3A_114 : i32 to index
          %get3A_146 = arith.constant 32 : index
          %get3A_147 = tpu.vector_load %arg6[%get3A_145, %get3A_146] {strides = array<i32>} : memref<200x64xf32, #tpu.memory_space<vmem>>, vector<1x16xf32>,
          %get3A_148 = vector.shape_cast %get3A_147 : vector<1x16xf32> to vector<16xf32>
          %add3A_149 = arith.addf %get3A_144, %get3A_148 : vector<16xf32>
          %swap3A_150 = arith.index_cast %add3A_114 : i32 to index
          %swap3A_151 = arith.constant 32 : index
          %swap3A_152 = tpu.vector_load %arg11[%swap3A_150, %swap3A_151] {strides = array<i32>} : memref<200x64xf32, #tpu.memory_space<vmem>>, vector<1x16xf32>,
          %swap3A_153 = vector.shape_cast %swap3A_152 : vector<1x16xf32> to vector<16xf32>
          %swap3A_154 = vector.shape_cast %add3A_149 : vector<16xf32> to vector<1x16xf32>
          tpu.vector_store %arg11[%swap3A_150, %swap3A_151], %swap3A_154 {strides = array<i32>} : memref<200x64xf32, #tpu.memory_space<vmem>>, vector<1x16xf32>,
          %get3A_155 = arith.index_cast %add3A_114 : i32 to index
          %get3A_156 = arith.constant 48 : index
          %get3A_157 = tpu.vector_load %arg9[%get3A_155, %get3A_156] {strides = array<i32>} : memref<200x64xf32, #tpu.memory_space<vmem>>, vector<1x16xf32>,
          %get3A_158 = vector.shape_cast %get3A_157 : vector<1x16xf32> to vector<16xf32>
          %get3A_159 = arith.index_cast %add3A_114 : i32 to index
          %get3A_160 = arith.constant 48 : index
          %get3A_161 = tpu.vector_load %arg6[%get3A_159, %get3A_160] {strides = array<i32>} : memref<200x64xf32, #tpu.memory_space<vmem>>, vector<1x16xf32>,
          %get3A_162 = vector.shape_cast %get3A_161 : vector<1x16xf32> to vector<16xf32>
          %add3A_163 = arith.addf %get3A_158, %get3A_162 : vector<16xf32>
          %swap3A_164 = arith.index_cast %add3A_114 : i32 to index
          %swap3A_165 = arith.constant 48 : index
          %swap3A_166 = tpu.vector_load %arg11[%swap3A_164, %swap3A_165] {strides = array<i32>} : memref<200x64xf32, #tpu.memory_space<vmem>>, vector<1x16xf32>,
          %swap3A_167 = vector.shape_cast %swap3A_166 : vector<1x16xf32> to vector<16xf32>
          %swap3A_168 = vector.shape_cast %add3A_163 : vector<16xf32> to vector<1x16xf32>
          tpu.vector_store %arg11[%swap3A_164, %swap3A_165], %swap3A_168 {strides = array<i32>} : memref<200x64xf32, #tpu.memory_space<vmem>>, vector<1x16xf32>,
          %mul3A_169 = arith.constant 4 : i32
          %mul3A_170 = arith.muli %scan3A_110, %mul3A_169 : i32
          %add3A_171 = arith.constant 1 : i32
          %add3A_172 = arith.addi %mul3A_170, %add3A_171 : i32
          %get3A_173 = arith.index_cast %add3A_172 : i32 to index
          %get3A_174 = arith.constant 0 : index
          %get3A_175 = tpu.vector_load %arg9[%get3A_173, %get3A_174] {strides = array<i32>} : memref<200x64xf32, #tpu.memory_space<vmem>>, vector<1x16xf32>,
          %get3A_176 = vector.shape_cast %get3A_175 : vector<1x16xf32> to vector<16xf32>
          %get3A_177 = arith.index_cast %add3A_172 : i32 to index
          %get3A_178 = arith.constant 0 : index
          %get3A_179 = tpu.vector_load %arg6[%get3A_177, %get3A_178] {strides = array<i32>} : memref<200x64xf32, #tpu.memory_space<vmem>>, vector<1x16xf32>,
          %get3A_180 = vector.shape_cast %get3A_179 : vector<1x16xf32> to vector<16xf32>
          %add3A_181 = arith.addf %get3A_176, %get3A_180 : vector<16xf32>
          %swap3A_182 = arith.index_cast %add3A_172 : i32 to index
          %swap3A_183 = arith.constant 0 : index
          %swap3A_184 = tpu.vector_load %arg11[%swap3A_182, %swap3A_183] {strides = array<i32>} : memref<200x64xf32, #tpu.memory_space<vmem>>, vector<1x16xf32>,
          %swap3A_185 = vector.shape_cast %swap3A_184 : vector<1x16xf32> to vector<16xf32>
          %swap3A_186 = vector.shape_cast %add3A_181 : vector<16xf32> to vector<1x16xf32>
          tpu.vector_store %arg11[%swap3A_182, %swap3A_183], %swap3A_186 {strides = array<i32>} : memref<200x64xf32, #tpu.memory_space<vmem>>, vector<1x16xf32>,
          %get3A_187 = arith.index_cast %add3A_172 : i32 to index
          %get3A_188 = arith.constant 16 : index
          %get3A_189 = tpu.vector_load %arg9[%get3A_187, %get3A_188] {strides = array<i32>} : memref<200x64xf32, #tpu.memory_space<vmem>>, vector<1x16xf32>,
          %get3A_190 = vector.shape_cast %get3A_189 : vector<1x16xf32> to vector<16xf32>
          %get3A_191 = arith.index_cast %add3A_172 : i32 to index
          %get3A_192 = arith.constant 16 : index
          %get3A_193 = tpu.vector_load %arg6[%get3A_191, %get3A_192] {strides = array<i32>} : memref<200x64xf32, #tpu.memory_space<vmem>>, vector<1x16xf32>,
          %get3A_194 = vector.shape_cast %get3A_193 : vector<1x16xf32> to vector<16xf32>
          %add3A_195 = arith.addf %get3A_190, %get3A_194 : vector<16xf32>
          %swap3A_196 = arith.index_cast %add3A_172 : i32 to index
          %swap3A_197 = arith.constant 16 : index
          %swap3A_198 = tpu.vector_load %arg11[%swap3A_196, %swap3A_197] {strides = array<i32>} : memref<200x64xf32, #tpu.memory_space<vmem>>, vector<1x16xf32>,
          %swap3A_199 = vector.shape_cast %swap3A_198 : vector<1x16xf32> to vector<16xf32>
          %swap3A_200 = vector.shape_cast %add3A_195 : vector<16xf32> to vector<1x16xf32>
          tpu.vector_store %arg11[%swap3A_196, %swap3A_197], %swap3A_200 {strides = array<i32>} : memref<200x64xf32, #tpu.memory_space<vmem>>, vector<1x16xf32>,
          %get3A_201 = arith.index_cast %add3A_172 : i32 to index
          %get3A_202 = arith.constant 32 : index
          %get3A_203 = tpu.vector_load %arg9[%get3A_201, %get3A_202] {strides = array<i32>} : memref<200x64xf32, #tpu.memory_space<vmem>>, vector<1x16xf32>,
          %get3A_204 = vector.shape_cast %get3A_203 : vector<1x16xf32> to vector<16xf32>
          %get3A_205 = arith.index_cast %add3A_172 : i32 to index
          %get3A_206 = arith.constant 32 : index
          %get3A_207 = tpu.vector_load %arg6[%get3A_205, %get3A_206] {strides = array<i32>} : memref<200x64xf32, #tpu.memory_space<vmem>>, vector<1x16xf32>,
          %get3A_208 = vector.shape_cast %get3A_207 : vector<1x16xf32> to vector<16xf32>
          %add3A_209 = arith.addf %get3A_204, %get3A_208 : vector<16xf32>
          %swap3A_210 = arith.index_cast %add3A_172 : i32 to index
          %swap3A_211 = arith.constant 32 : index
          %swap3A_212 = tpu.vector_load %arg11[%swap3A_210, %swap3A_211] {strides = array<i32>} : memref<200x64xf32, #tpu.memory_space<vmem>>, vector<1x16xf32>,
          %swap3A_213 = vector.shape_cast %swap3A_212 : vector<1x16xf32> to vector<16xf32>
          %swap3A_214 = vector.shape_cast %add3A_209 : vector<16xf32> to vector<1x16xf32>
          tpu.vector_store %arg11[%swap3A_210, %swap3A_211], %swap3A_214 {strides = array<i32>} : memref<200x64xf32, #tpu.memory_space<vmem>>, vector<1x16xf32>,
          %get3A_215 = arith.index_cast %add3A_172 : i32 to index
          %get3A_216 = arith.constant 48 : index
          %get3A_217 = tpu.vector_load %arg9[%get3A_215, %get3A_216] {strides = array<i32>} : memref<200x64xf32, #tpu.memory_space<vmem>>, vector<1x16xf32>,
          %get3A_218 = vector.shape_cast %get3A_217 : vector<1x16xf32> to vector<16xf32>
          %get3A_219 = arith.index_cast %add3A_172 : i32 to index
          %get3A_220 = arith.constant 48 : index
          %get3A_221 = tpu.vector_load %arg6[%get3A_219, %get3A_220] {strides = array<i32>} : memref<200x64xf32, #tpu.memory_space<vmem>>, vector<1x16xf32>,
          %get3A_222 = vector.shape_cast %get3A_221 : vector<1x16xf32> to vector<16xf32>
          %add3A_223 = arith.addf %get3A_218, %get3A_222 : vector<16xf32>
          %swap3A_224 = arith.index_cast %add3A_172 : i32 to index
          %swap3A_225 = arith.constant 48 : index
          %swap3A_226 = tpu.vector_load %arg11[%swap3A_224, %swap3A_225] {strides = array<i32>} : memref<200x64xf32, #tpu.memory_space<vmem>>, vector<1x16xf32>,
          %swap3A_227 = vector.shape_cast %swap3A_226 : vector<1x16xf32> to vector<16xf32>
          %swap3A_228 = vector.shape_cast %add3A_223 : vector<16xf32> to vector<1x16xf32>
          tpu.vector_store %arg11[%swap3A_224, %swap3A_225], %swap3A_228 {strides = array<i32>} : memref<200x64xf32, #tpu.memory_space<vmem>>, vector<1x16xf32>,
          %mul3A_229 = arith.constant 4 : i32
          %mul3A_230 = arith.muli %scan3A_110, %mul3A_229 : i32
          %add3A_231 = arith.constant 2 : i32
          %add3A_232 = arith.addi %mul3A_230, %add3A_231 : i32
          %get3A_233 = arith.index_cast %add3A_232 : i32 to index
          %get3A_234 = arith.constant 0 : index
          %get3A_235 = tpu.vector_load %arg9[%get3A_233, %get3A_234] {strides = array<i32>} : memref<200x64xf32, #tpu.memory_space<vmem>>, vector<1x16xf32>,
          %get3A_236 = vector.shape_cast %get3A_235 : vector<1x16xf32> to vector<16xf32>
          %get3A_237 = arith.index_cast %add3A_232 : i32 to index
          %get3A_238 = arith.constant 0 : index
          %get3A_239 = tpu.vector_load %arg6[%get3A_237, %get3A_238] {strides = array<i32>} : memref<200x64xf32, #tpu.memory_space<vmem>>, vector<1x16xf32>,
          %get3A_240 = vector.shape_cast %get3A_239 : vector<1x16xf32> to vector<16xf32>
          %add3A_241 = arith.addf %get3A_236, %get3A_240 : vector<16xf32>
          %swap3A_242 = arith.index_cast %add3A_232 : i32 to index
          %swap3A_243 = arith.constant 0 : index
          %swap3A_244 = tpu.vector_load %arg11[%swap3A_242, %swap3A_243] {strides = array<i32>} : memref<200x64xf32, #tpu.memory_space<vmem>>, vector<1x16xf32>,
          %swap3A_245 = vector.shape_cast %swap3A_244 : vector<1x16xf32> to vector<16xf32>
          %swap3A_246 = vector.shape_cast %add3A_241 : vector<16xf32> to vector<1x16xf32>
          tpu.vector_store %arg11[%swap3A_242, %swap3A_243], %swap3A_246 {strides = array<i32>} : memref<200x64xf32, #tpu.memory_space<vmem>>, vector<1x16xf32>,
          %get3A_247 = arith.index_cast %add3A_232 : i32 to index
          %get3A_248 = arith.constant 16 : index
          %get3A_249 = tpu.vector_load %arg9[%get3A_247, %get3A_248] {strides = array<i32>} : memref<200x64xf32, #tpu.memory_space<vmem>>, vector<1x16xf32>,
          %get3A_250 = vector.shape_cast %get3A_249 : vector<1x16xf32> to vector<16xf32>
          %get3A_251 = arith.index_cast %add3A_232 : i32 to index
          %get3A_252 = arith.constant 16 : index
          %get3A_253 = tpu.vector_load %arg6[%get3A_251, %get3A_252] {strides = array<i32>} : memref<200x64xf32, #tpu.memory_space<vmem>>, vector<1x16xf32>,
          %get3A_254 = vector.shape_cast %get3A_253 : vector<1x16xf32> to vector<16xf32>
          %add3A_255 = arith.addf %get3A_250, %get3A_254 : vector<16xf32>
          %swap3A_256 = arith.index_cast %add3A_232 : i32 to index
          %swap3A_257 = arith.constant 16 : index
          %swap3A_258 = tpu.vector_load %arg11[%swap3A_256, %swap3A_257] {strides = array<i32>} : memref<200x64xf32, #tpu.memory_space<vmem>>, vector<1x16xf32>,
          %swap3A_259 = vector.shape_cast %swap3A_258 : vector<1x16xf32> to vector<16xf32>
          %swap3A_260 = vector.shape_cast %add3A_255 : vector<16xf32> to vector<1x16xf32>
          tpu.vector_store %arg11[%swap3A_256, %swap3A_257], %swap3A_260 {strides = array<i32>} : memref<200x64xf32, #tpu.memory_space<vmem>>, vector<1x16xf32>,
          %get3A_261 = arith.index_cast %add3A_232 : i32 to index
          %get3A_262 = arith.constant 32 : index
          %get3A_263 = tpu.vector_load %arg9[%get3A_261, %get3A_262] {strides = array<i32>} : memref<200x64xf32, #tpu.memory_space<vmem>>, vector<1x16xf32>,
          %get3A_264 = vector.shape_cast %get3A_263 : vector<1x16xf32> to vector<16xf32>
          %get3A_265 = arith.index_cast %add3A_232 : i32 to index
          %get3A_266 = arith.constant 32 : index
          %get3A_267 = tpu.vector_load %arg6[%get3A_265, %get3A_266] {strides = array<i32>} : memref<200x64xf32, #tpu.memory_space<vmem>>, vector<1x16xf32>,
          %get3A_268 = vector.shape_cast %get3A_267 : vector<1x16xf32> to vector<16xf32>
          %add3A_269 = arith.addf %get3A_264, %get3A_268 : vector<16xf32>
          %swap3A_270 = arith.index_cast %add3A_232 : i32 to index
          %swap3A_271 = arith.constant 32 : index
          %swap3A_272 = tpu.vector_load %arg11[%swap3A_270, %swap3A_271] {strides = array<i32>} : memref<200x64xf32, #tpu.memory_space<vmem>>, vector<1x16xf32>,
          %swap3A_273 = vector.shape_cast %swap3A_272 : vector<1x16xf32> to vector<16xf32>
          %swap3A_274 = vector.shape_cast %add3A_269 : vector<16xf32> to vector<1x16xf32>
          tpu.vector_store %arg11[%swap3A_270, %swap3A_271], %swap3A_274 {strides = array<i32>} : memref<200x64xf32, #tpu.memory_space<vmem>>, vector<1x16xf32>,
          %get3A_275 = arith.index_cast %add3A_232 : i32 to index
          %get3A_276 = arith.constant 48 : index
          %get3A_277 = tpu.vector_load %arg9[%get3A_275, %get3A_276] {strides = array<i32>} : memref<200x64xf32, #tpu.memory_space<vmem>>, vector<1x16xf32>,
          %get3A_278 = vector.shape_cast %get3A_277 : vector<1x16xf32> to vector<16xf32>
          %get3A_279 = arith.index_cast %add3A_232 : i32 to index
          %get3A_280 = arith.constant 48 : index
          %get3A_281 = tpu.vector_load %arg6[%get3A_279, %get3A_280] {strides = array<i32>} : memref<200x64xf32, #tpu.memory_space<vmem>>, vector<1x16xf32>,
          %get3A_282 = vector.shape_cast %get3A_281 : vector<1x16xf32> to vector<16xf32>
          %add3A_283 = arith.addf %get3A_278, %get3A_282 : vector<16xf32>
          %swap3A_284 = arith.index_cast %add3A_232 : i32 to index
          %swap3A_285 = arith.constant 48 : index
          %swap3A_286 = tpu.vector_load %arg11[%swap3A_284, %swap3A_285] {strides = array<i32>} : memref<200x64xf32, #tpu.memory_space<vmem>>, vector<1x16xf32>,
          %swap3A_287 = vector.shape_cast %swap3A_286 : vector<1x16xf32> to vector<16xf32>
          %swap3A_288 = vector.shape_cast %add3A_283 : vector<16xf32> to vector<1x16xf32>
          tpu.vector_store %arg11[%swap3A_284, %swap3A_285], %swap3A_288 {strides = array<i32>} : memref<200x64xf32, #tpu.memory_space<vmem>>, vector<1x16xf32>,
          %mul3A_289 = arith.constant 4 : i32
          %mul3A_290 = arith.muli %scan3A_110, %mul3A_289 : i32
          %add3A_291 = arith.constant 3 : i32
          %add3A_292 = arith.addi %mul3A_290, %add3A_291 : i32
          %get3A_293 = arith.index_cast %add3A_292 : i32 to index
          %get3A_294 = arith.constant 0 : index
          %get3A_295 = tpu.vector_load %arg9[%get3A_293, %get3A_294] {strides = array<i32>} : memref<200x64xf32, #tpu.memory_space<vmem>>, vector<1x16xf32>,
          %get3A_296 = vector.shape_cast %get3A_295 : vector<1x16xf32> to vector<16xf32>
          %get3A_297 = arith.index_cast %add3A_292 : i32 to index
          %get3A_298 = arith.constant 0 : index
          %get3A_299 = tpu.vector_load %arg6[%get3A_297, %get3A_298] {strides = array<i32>} : memref<200x64xf32, #tpu.memory_space<vmem>>, vector<1x16xf32>,
          %get3A_300 = vector.shape_cast %get3A_299 : vector<1x16xf32> to vector<16xf32>
          %add3A_301 = arith.addf %get3A_296, %get3A_300 : vector<16xf32>
          %swap3A_302 = arith.index_cast %add3A_292 : i32 to index
          %swap3A_303 = arith.constant 0 : index
          %swap3A_304 = tpu.vector_load %arg11[%swap3A_302, %swap3A_303] {strides = array<i32>} : memref<200x64xf32, #tpu.memory_space<vmem>>, vector<1x16xf32>,
          %swap3A_305 = vector.shape_cast %swap3A_304 : vector<1x16xf32> to vector<16xf32>
          %swap3A_306 = vector.shape_cast %add3A_301 : vector<16xf32> to vector<1x16xf32>
          tpu.vector_store %arg11[%swap3A_302, %swap3A_303], %swap3A_306 {strides = array<i32>} : memref<200x64xf32, #tpu.memory_space<vmem>>, vector<1x16xf32>,
          %get3A_307 = arith.index_cast %add3A_292 : i32 to index
          %get3A_308 = arith.constant 16 : index
          %get3A_309 = tpu.vector_load %arg9[%get3A_307, %get3A_308] {strides = array<i32>} : memref<200x64xf32, #tpu.memory_space<vmem>>, vector<1x16xf32>,
          %get3A_310 = vector.shape_cast %get3A_309 : vector<1x16xf32> to vector<16xf32>
          %get3A_311 = arith.index_cast %add3A_292 : i32 to index
          %get3A_312 = arith.constant 16 : index
          %get3A_313 = tpu.vector_load %arg6[%get3A_311, %get3A_312] {strides = array<i32>} : memref<200x64xf32, #tpu.memory_space<vmem>>, vector<1x16xf32>,
          %get3A_314 = vector.shape_cast %get3A_313 : vector<1x16xf32> to vector<16xf32>
          %add3A_315 = arith.addf %get3A_310, %get3A_314 : vector<16xf32>
          %swap3A_316 = arith.index_cast %add3A_292 : i32 to index
          %swap3A_317 = arith.constant 16 : index
          %swap3A_318 = tpu.vector_load %arg11[%swap3A_316, %swap3A_317] {strides = array<i32>} : memref<200x64xf32, #tpu.memory_space<vmem>>, vector<1x16xf32>,
          %swap3A_319 = vector.shape_cast %swap3A_318 : vector<1x16xf32> to vector<16xf32>
          %swap3A_320 = vector.shape_cast %add3A_315 : vector<16xf32> to vector<1x16xf32>
          tpu.vector_store %arg11[%swap3A_316, %swap3A_317], %swap3A_320 {strides = array<i32>} : memref<200x64xf32, #tpu.memory_space<vmem>>, vector<1x16xf32>,
          %get3A_321 = arith.index_cast %add3A_292 : i32 to index
          %get3A_322 = arith.constant 32 : index
          %get3A_323 = tpu.vector_load %arg9[%get3A_321, %get3A_322] {strides = array<i32>} : memref<200x64xf32, #tpu.memory_space<vmem>>, vector<1x16xf32>,
          %get3A_324 = vector.shape_cast %get3A_323 : vector<1x16xf32> to vector<16xf32>
          %get3A_325 = arith.index_cast %add3A_292 : i32 to index
          %get3A_326 = arith.constant 32 : index
          %get3A_327 = tpu.vector_load %arg6[%get3A_325, %get3A_326] {strides = array<i32>} : memref<200x64xf32, #tpu.memory_space<vmem>>, vector<1x16xf32>,
          %get3A_328 = vector.shape_cast %get3A_327 : vector<1x16xf32> to vector<16xf32>
          %add3A_329 = arith.addf %get3A_324, %get3A_328 : vector<16xf32>
          %swap3A_330 = arith.index_cast %add3A_292 : i32 to index
          %swap3A_331 = arith.constant 32 : index
          %swap3A_332 = tpu.vector_load %arg11[%swap3A_330, %swap3A_331] {strides = array<i32>} : memref<200x64xf32, #tpu.memory_space<vmem>>, vector<1x16xf32>,
          %swap3A_333 = vector.shape_cast %swap3A_332 : vector<1x16xf32> to vector<16xf32>
          %swap3A_334 = vector.shape_cast %add3A_329 : vector<16xf32> to vector<1x16xf32>
          tpu.vector_store %arg11[%swap3A_330, %swap3A_331], %swap3A_334 {strides = array<i32>} : memref<200x64xf32, #tpu.memory_space<vmem>>, vector<1x16xf32>,
          %get3A_335 = arith.index_cast %add3A_292 : i32 to index
          %get3A_336 = arith.constant 48 : index
          %get3A_337 = tpu.vector_load %arg9[%get3A_335, %get3A_336] {strides = array<i32>} : memref<200x64xf32, #tpu.memory_space<vmem>>, vector<1x16xf32>,
          %get3A_338 = vector.shape_cast %get3A_337 : vector<1x16xf32> to vector<16xf32>
          %get3A_339 = arith.index_cast %add3A_292 : i32 to index
          %get3A_340 = arith.constant 48 : index
          %get3A_341 = tpu.vector_load %arg6[%get3A_339, %get3A_340] {strides = array<i32>} : memref<200x64xf32, #tpu.memory_space<vmem>>, vector<1x16xf32>,
          %get3A_342 = vector.shape_cast %get3A_341 : vector<1x16xf32> to vector<16xf32>
          %add3A_343 = arith.addf %get3A_338, %get3A_342 : vector<16xf32>
          %swap3A_344 = arith.index_cast %add3A_292 : i32 to index
          %swap3A_345 = arith.constant 48 : index
          %swap3A_346 = tpu.vector_load %arg11[%swap3A_344, %swap3A_345] {strides = array<i32>} : memref<200x64xf32, #tpu.memory_space<vmem>>, vector<1x16xf32>,
          %swap3A_347 = vector.shape_cast %swap3A_346 : vector<1x16xf32> to vector<16xf32>
          %swap3A_348 = vector.shape_cast %add3A_343 : vector<16xf32> to vector<1x16xf32>
          tpu.vector_store %arg11[%swap3A_344, %swap3A_345], %swap3A_348 {strides = array<i32>} : memref<200x64xf32, #tpu.memory_space<vmem>>, vector<1x16xf32>,
        }
        %scan3A_91 = arith.constant 50 : i32
        %mul3A_92 = arith.constant 128 : i32
        %mul3A_93 = arith.muli %add3A, %mul3A_92 : i32
        %add3A_94 = arith.addi %mul3A_93, %scan3A_61 : i32
        %dma_start3A_95 = arith.constant 0 : i32
        %dma_start3A_96 = arith.constant 0 : i32
        %dma_start3A_97 = tpu.memref_slice %arg5[%add3A_94, %dma_start3A_95, %dma_start3A_96] : memref<4096x200x128xf32, #tpu.memory_space<hbm>> -> memref<1x200x64xf32, #tpu.memory_space<hbm>>
        %dma_start3A_98 = tpu.memref_squeeze %dma_start3A_97 : memref<1x200x64xf32, #tpu.memory_space<hbm>> -> memref<200x64xf32, #tpu.memory_space<hbm>>
        %dma_start3A_99 = arith.constant 0 : i32
        %dma_start3A_100 = arith.constant 0 : i32
        %dma_start3A_101 = tpu.memref_slice %arg5[%add3A_94, %dma_start3A_99, %dma_start3A_100] : memref<4096x200x128xf32, #tpu.memory_space<hbm>> -> memref<1x200x64xf32, #tpu.memory_space<hbm>>
        %dma_start3A_102 = tpu.memref_squeeze %dma_start3A_101 : memref<1x200x64xf32, #tpu.memory_space<hbm>> -> memref<200x64xf32, #tpu.memory_space<hbm>>
        tpu.enqueue_dma source(%arg11 : memref<200x64xf32, #tpu.memory_space<vmem>>) target(%dma_start3A_102 : memref<200x64xf32, #tpu.memory_space<hbm>>) target_semaphore(%arg17 : memref<!tpu.dma_semaphore, #tpu.memory_space<semaphore_mem>>)
        %add3A_103 = arith.constant 2 : i32
        %add3A_104 = arith.addi %scan3A_61, %add3A_103 : i32
        %lt3A_105 = arith.constant 128 : i32
        %lt3A_106 = arith.cmpi slt, %add3A_104, %lt3A_105 : i32
        %convert_element_type3A_107 = arith.extui %lt3A_106 : i1 to i32
        %cond3A_108 = arith.constant 0 : i32
        %cond3A_109 = arith.cmpi ne, %convert_element_type3A_107, %cond3A_108 : i32
        scf.if %cond3A_109 {
          %add3A_110 = arith.constant 2 : i32
          %add3A_111 = arith.addi %scan3A_61, %add3A_110 : i32
          %mul3A_112 = arith.constant 128 : i32
          %mul3A_113 = arith.muli %add3A, %mul3A_112 : i32
          %add3A_114 = arith.addi %mul3A_113, %add3A_111 : i32
          %mul3A_115 = arith.constant 200 : i32
          %mul3A_116 = arith.muli %add3A_114, %mul3A_115 : i32
          %dma_start3A_117 = arith.constant 0 : i32
          %dma_start3A_118 = tpu.memref_slice %arg7[%dma_start3A_117] : memref<208xi32, #tpu.memory_space<vmem>> -> memref<200xi32, #tpu.memory_space<vmem>>
          %dma_start3A_119 = tpu.memref_slice %arg2[%mul3A_116] : memref<819200xi32, #tpu.memory_space<hbm>> -> memref<200xi32, #tpu.memory_space<hbm>>
          %dma_start3A_120 = arith.constant 0 : i32
          %dma_start3A_121 = tpu.memref_slice %arg7[%dma_start3A_120] : memref<208xi32, #tpu.memory_space<vmem>> -> memref<200xi32, #tpu.memory_space<vmem>>
          %dma_start3A_122 = tpu.memref_slice %arg2[%mul3A_116] : memref<819200xi32, #tpu.memory_space<hbm>> -> memref<200xi32, #tpu.memory_space<hbm>>
          tpu.enqueue_dma source(%dma_start3A_122 : memref<200xi32, #tpu.memory_space<hbm>>) target(%dma_start3A_121 : memref<200xi32, #tpu.memory_space<vmem>>) target_semaphore(%arg13 : memref<!tpu.dma_semaphore, #tpu.memory_space<semaphore_mem>>)
        } else {
        }
      } else {
      }
      %eq3A_65 = arith.constant 1 : i32
      %eq3A_66 = arith.cmpi eq, %rem3A_62, %eq3A_65 : i32
      %convert_element_type3A_67 = arith.extui %eq3A_66 : i1 to i32
      %cond3A_68 = arith.constant 0 : i32
      %cond3A_69 = arith.cmpi ne, %convert_element_type3A_67, %cond3A_68 : i32
      scf.if %cond3A_69 {
        %add3A_70 = arith.constant 1 : i32
        %add3A_71 = arith.addi %scan3A_61, %add3A_70 : i32
        %lt3A = arith.constant 128 : i32
        %lt3A_72 = arith.cmpi slt, %add3A_71, %lt3A : i32
        %convert_element_type3A_73 = arith.extui %lt3A_72 : i1 to i32
        %cond3A_74 = arith.constant 0 : i32
        %cond3A_75 = arith.cmpi ne, %convert_element_type3A_73, %cond3A_74 : i32
        scf.if %cond3A_75 {
          %dma_wait3A_110 = arith.constant 0 : i32
          %dma_wait3A_111 = tpu.memref_slice %arg7[%dma_wait3A_110] : memref<208xi32, #tpu.memory_space<vmem>> -> memref<200xi32, #tpu.memory_space<vmem>>
          %dma_wait3A_112 = arith.constant 0 : i32
          %dma_wait3A_113 = tpu.memref_slice %arg2[%dma_wait3A_112] : memref<819200xi32, #tpu.memory_space<hbm>> -> memref<200xi32, #tpu.memory_space<hbm>>
          %dma_wait3A_114 = arith.constant 0 : i32
          %dma_wait3A_115 = tpu.memref_slice %arg7[%dma_wait3A_114] : memref<208xi32, #tpu.memory_space<vmem>> -> memref<200xi32, #tpu.memory_space<vmem>>
          %dma_wait3A_116 = arith.constant 0 : i32
          %dma_wait3A_117 = tpu.memref_slice %arg2[%dma_wait3A_116] : memref<819200xi32, #tpu.memory_space<hbm>> -> memref<200xi32, #tpu.memory_space<hbm>>
          tpu.wait_dma2 semaphore(%arg13 : memref<!tpu.dma_semaphore, #tpu.memory_space<semaphore_mem>>) src(%dma_wait3A_117 : memref<200xi32, #tpu.memory_space<hbm>>) dst(%dma_wait3A_115 : memref<200xi32, #tpu.memory_space<vmem>>)
          %dma_start3A_118 = arith.constant 0 : i32
          %dma_start3A_119 = arith.constant 0 : i32
          %dma_start3A_120 = tpu.memref_slice %arg9[%dma_start3A_118, %dma_start3A_119] : memref<200x64xf32, #tpu.memory_space<vmem>> -> memref<128x64xf32, #tpu.memory_space<vmem>>
          %dma_start3A_121 = arith.constant 0 : i32
          %dma_start3A_122 = tpu.memref_slice %arg7[%dma_start3A_121] : memref<208xi32, #tpu.memory_space<vmem>> -> memref<128xi32, #tpu.memory_space<vmem>>
          %dma_start3A_123 = arith.constant 0 : i32
          %dma_start3A_124 = arith.constant 0 : i32
          %dma_start3A_125 = tpu.memref_slice %arg3[%dma_start3A_123, %dma_start3A_124] : memref<1000000x64xf32, #tpu.memory_space<hbm>> -> memref<1000000x64xf32, #tpu.memory_space<hbm>>
          tpu.enqueue_indirect_dma source(%dma_start3A_125 : memref<1000000x64xf32, #tpu.memory_space<hbm>>) target(%dma_start3A_120 : memref<128x64xf32, #tpu.memory_space<vmem>>) offsets(%dma_start3A_122 : memref<128xi32, #tpu.memory_space<vmem>>) semaphore(%arg15 : memref<!tpu.dma_semaphore, #tpu.memory_space<semaphore_mem>>)
          %dma_start3A_126 = arith.constant 128 : i32
          %dma_start3A_127 = arith.constant 0 : i32
          %dma_start3A_128 = tpu.memref_slice %arg9[%dma_start3A_126, %dma_start3A_127] : memref<200x64xf32, #tpu.memory_space<vmem>> -> memref<72x64xf32, #tpu.memory_space<vmem>>
          %dma_start3A_129 = arith.constant 128 : i32
          %dma_start3A_130 = tpu.memref_slice %arg7[%dma_start3A_129] : memref<208xi32, #tpu.memory_space<vmem>> -> memref<72xi32, #tpu.memory_space<vmem>>
          %dma_start3A_131 = arith.constant 0 : i32
          %dma_start3A_132 = arith.constant 0 : i32
          %dma_start3A_133 = tpu.memref_slice %arg3[%dma_start3A_131, %dma_start3A_132] : memref<1000000x64xf32, #tpu.memory_space<hbm>> -> memref<1000000x64xf32, #tpu.memory_space<hbm>>
          tpu.enqueue_indirect_dma source(%dma_start3A_133 : memref<1000000x64xf32, #tpu.memory_space<hbm>>) target(%dma_start3A_128 : memref<72x64xf32, #tpu.memory_space<vmem>>) offsets(%dma_start3A_130 : memref<72xi32, #tpu.memory_space<vmem>>) semaphore(%arg15 : memref<!tpu.dma_semaphore, #tpu.memory_space<semaphore_mem>>)
        } else {
        }
        %dma_wait3A_76 = arith.constant 0 : i32
        %dma_wait3A_77 = arith.constant 0 : i32
        %dma_wait3A_78 = tpu.memref_slice %arg3[%dma_wait3A_76, %dma_wait3A_77] : memref<1000000x64xf32, #tpu.memory_space<hbm>> -> memref<200x64xf32, #tpu.memory_space<hbm>>
        %dma_wait3A_79 = arith.constant 0 : i32
        %dma_wait3A_80 = arith.constant 0 : i32
        %dma_wait3A_81 = tpu.memref_slice %arg3[%dma_wait3A_79, %dma_wait3A_80] : memref<1000000x64xf32, #tpu.memory_space<hbm>> -> memref<200x64xf32, #tpu.memory_space<hbm>>
        tpu.wait_dma2 semaphore(%arg16 : memref<!tpu.dma_semaphore, #tpu.memory_space<semaphore_mem>>) src(%dma_wait3A_81 : memref<200x64xf32, #tpu.memory_space<hbm>>) dst(%arg10 : memref<200x64xf32, #tpu.memory_space<vmem>>)
        %ge3A = arith.constant 2 : i32
        %ge3A_82 = arith.cmpi sge, %scan3A_61, %ge3A : i32
        %convert_element_type3A_83 = arith.extui %ge3A_82 : i1 to i32
        %cond3A_84 = arith.constant 0 : i32
        %cond3A_85 = arith.cmpi ne, %convert_element_type3A_83, %cond3A_84 : i32
        scf.if %cond3A_85 {
          %dma_wait3A_110 = arith.constant 0 : i32
          %dma_wait3A_111 = arith.constant 0 : i32
          %dma_wait3A_112 = arith.constant 0 : i32
          %dma_wait3A_113 = tpu.memref_slice %arg5[%dma_wait3A_110, %dma_wait3A_111, %dma_wait3A_112] : memref<4096x200x128xf32, #tpu.memory_space<hbm>> -> memref<1x200x64xf32, #tpu.memory_space<hbm>>
          %dma_wait3A_114 = tpu.memref_squeeze %dma_wait3A_113 : memref<1x200x64xf32, #tpu.memory_space<hbm>> -> memref<200x64xf32, #tpu.memory_space<hbm>>
          %dma_wait3A_115 = arith.constant 0 : i32
          %dma_wait3A_116 = arith.constant 0 : i32
          %dma_wait3A_117 = tpu.memref_slice %arg5[%dma_wait3A_110, %dma_wait3A_115, %dma_wait3A_116] : memref<4096x200x128xf32, #tpu.memory_space<hbm>> -> memref<1x200x64xf32, #tpu.memory_space<hbm>>
          %dma_wait3A_118 = tpu.memref_squeeze %dma_wait3A_117 : memref<1x200x64xf32, #tpu.memory_space<hbm>> -> memref<200x64xf32, #tpu.memory_space<hbm>>
          tpu.wait_dma2 semaphore(%arg18 : memref<!tpu.dma_semaphore, #tpu.memory_space<semaphore_mem>>) src(%dma_wait3A_118 : memref<200x64xf32, #tpu.memory_space<hbm>>) dst(%arg12 : memref<200x64xf32, #tpu.memory_space<vmem>>)
        } else {
        }
        %scan3A_86 = arith.constant 0 : i32
        %scan3A_87 = arith.constant 0 : i32
        %scan3A_88 = arith.constant 50 : i32
        %scan3A_89 = arith.addi %scan3A_87, %scan3A_88 : i32
        %scan3A_90 = arith.constant 1 : i32
        scf.for %scan3A_110 = %scan3A_87 to %scan3A_89 step %scan3A_90  : i32 {
          %mul3A_111 = arith.constant 4 : i32
          %mul3A_112 = arith.muli %scan3A_110, %mul3A_111 : i32
          %add3A_113 = arith.constant 0 : i32
          %add3A_114 = arith.addi %mul3A_112, %add3A_113 : i32
          %get3A = arith.index_cast %add3A_114 : i32 to index
          %get3A_115 = arith.constant 0 : index
          %get3A_116 = tpu.vector_load %arg10[%get3A, %get3A_115] {strides = array<i32>} : memref<200x64xf32, #tpu.memory_space<vmem>>, vector<1x16xf32>,
          %get3A_117 = vector.shape_cast %get3A_116 : vector<1x16xf32> to vector<16xf32>
          %get3A_118 = arith.index_cast %add3A_114 : i32 to index
          %get3A_119 = arith.constant 0 : index
          %get3A_120 = tpu.vector_load %arg6[%get3A_118, %get3A_119] {strides = array<i32>} : memref<200x64xf32, #tpu.memory_space<vmem>>, vector<1x16xf32>,
          %get3A_121 = vector.shape_cast %get3A_120 : vector<1x16xf32> to vector<16xf32>
          %add3A_122 = arith.addf %get3A_117, %get3A_121 : vector<16xf32>
          %swap3A = arith.index_cast %add3A_114 : i32 to index
          %swap3A_123 = arith.constant 0 : index
          %swap3A_124 = tpu.vector_load %arg12[%swap3A, %swap3A_123] {strides = array<i32>} : memref<200x64xf32, #tpu.memory_space<vmem>>, vector<1x16xf32>,
          %swap3A_125 = vector.shape_cast %swap3A_124 : vector<1x16xf32> to vector<16xf32>
          %swap3A_126 = vector.shape_cast %add3A_122 : vector<16xf32> to vector<1x16xf32>
          tpu.vector_store %arg12[%swap3A, %swap3A_123], %swap3A_126 {strides = array<i32>} : memref<200x64xf32, #tpu.memory_space<vmem>>, vector<1x16xf32>,
          %get3A_127 = arith.index_cast %add3A_114 : i32 to index
          %get3A_128 = arith.constant 16 : index
          %get3A_129 = tpu.vector_load %arg10[%get3A_127, %get3A_128] {strides = array<i32>} : memref<200x64xf32, #tpu.memory_space<vmem>>, vector<1x16xf32>,
          %get3A_130 = vector.shape_cast %get3A_129 : vector<1x16xf32> to vector<16xf32>
          %get3A_131 = arith.index_cast %add3A_114 : i32 to index
          %get3A_132 = arith.constant 16 : index
          %get3A_133 = tpu.vector_load %arg6[%get3A_131, %get3A_132] {strides = array<i32>} : memref<200x64xf32, #tpu.memory_space<vmem>>, vector<1x16xf32>,
          %get3A_134 = vector.shape_cast %get3A_133 : vector<1x16xf32> to vector<16xf32>
          %add3A_135 = arith.addf %get3A_130, %get3A_134 : vector<16xf32>
          %swap3A_136 = arith.index_cast %add3A_114 : i32 to index
          %swap3A_137 = arith.constant 16 : index
          %swap3A_138 = tpu.vector_load %arg12[%swap3A_136, %swap3A_137] {strides = array<i32>} : memref<200x64xf32, #tpu.memory_space<vmem>>, vector<1x16xf32>,
          %swap3A_139 = vector.shape_cast %swap3A_138 : vector<1x16xf32> to vector<16xf32>
          %swap3A_140 = vector.shape_cast %add3A_135 : vector<16xf32> to vector<1x16xf32>
          tpu.vector_store %arg12[%swap3A_136, %swap3A_137], %swap3A_140 {strides = array<i32>} : memref<200x64xf32, #tpu.memory_space<vmem>>, vector<1x16xf32>,
          %get3A_141 = arith.index_cast %add3A_114 : i32 to index
          %get3A_142 = arith.constant 32 : index
          %get3A_143 = tpu.vector_load %arg10[%get3A_141, %get3A_142] {strides = array<i32>} : memref<200x64xf32, #tpu.memory_space<vmem>>, vector<1x16xf32>,
          %get3A_144 = vector.shape_cast %get3A_143 : vector<1x16xf32> to vector<16xf32>
          %get3A_145 = arith.index_cast %add3A_114 : i32 to index
          %get3A_146 = arith.constant 32 : index
          %get3A_147 = tpu.vector_load %arg6[%get3A_145, %get3A_146] {strides = array<i32>} : memref<200x64xf32, #tpu.memory_space<vmem>>, vector<1x16xf32>,
          %get3A_148 = vector.shape_cast %get3A_147 : vector<1x16xf32> to vector<16xf32>
          %add3A_149 = arith.addf %get3A_144, %get3A_148 : vector<16xf32>
          %swap3A_150 = arith.index_cast %add3A_114 : i32 to index
          %swap3A_151 = arith.constant 32 : index
          %swap3A_152 = tpu.vector_load %arg12[%swap3A_150, %swap3A_151] {strides = array<i32>} : memref<200x64xf32, #tpu.memory_space<vmem>>, vector<1x16xf32>,
          %swap3A_153 = vector.shape_cast %swap3A_152 : vector<1x16xf32> to vector<16xf32>
          %swap3A_154 = vector.shape_cast %add3A_149 : vector<16xf32> to vector<1x16xf32>
          tpu.vector_store %arg12[%swap3A_150, %swap3A_151], %swap3A_154 {strides = array<i32>} : memref<200x64xf32, #tpu.memory_space<vmem>>, vector<1x16xf32>,
          %get3A_155 = arith.index_cast %add3A_114 : i32 to index
          %get3A_156 = arith.constant 48 : index
          %get3A_157 = tpu.vector_load %arg10[%get3A_155, %get3A_156] {strides = array<i32>} : memref<200x64xf32, #tpu.memory_space<vmem>>, vector<1x16xf32>,
          %get3A_158 = vector.shape_cast %get3A_157 : vector<1x16xf32> to vector<16xf32>
          %get3A_159 = arith.index_cast %add3A_114 : i32 to index
          %get3A_160 = arith.constant 48 : index
          %get3A_161 = tpu.vector_load %arg6[%get3A_159, %get3A_160] {strides = array<i32>} : memref<200x64xf32, #tpu.memory_space<vmem>>, vector<1x16xf32>,
          %get3A_162 = vector.shape_cast %get3A_161 : vector<1x16xf32> to vector<16xf32>
          %add3A_163 = arith.addf %get3A_158, %get3A_162 : vector<16xf32>
          %swap3A_164 = arith.index_cast %add3A_114 : i32 to index
          %swap3A_165 = arith.constant 48 : index
          %swap3A_166 = tpu.vector_load %arg12[%swap3A_164, %swap3A_165] {strides = array<i32>} : memref<200x64xf32, #tpu.memory_space<vmem>>, vector<1x16xf32>,
          %swap3A_167 = vector.shape_cast %swap3A_166 : vector<1x16xf32> to vector<16xf32>
          %swap3A_168 = vector.shape_cast %add3A_163 : vector<16xf32> to vector<1x16xf32>
          tpu.vector_store %arg12[%swap3A_164, %swap3A_165], %swap3A_168 {strides = array<i32>} : memref<200x64xf32, #tpu.memory_space<vmem>>, vector<1x16xf32>,
          %mul3A_169 = arith.constant 4 : i32
          %mul3A_170 = arith.muli %scan3A_110, %mul3A_169 : i32
          %add3A_171 = arith.constant 1 : i32
          %add3A_172 = arith.addi %mul3A_170, %add3A_171 : i32
          %get3A_173 = arith.index_cast %add3A_172 : i32 to index
          %get3A_174 = arith.constant 0 : index
          %get3A_175 = tpu.vector_load %arg10[%get3A_173, %get3A_174] {strides = array<i32>} : memref<200x64xf32, #tpu.memory_space<vmem>>, vector<1x16xf32>,
          %get3A_176 = vector.shape_cast %get3A_175 : vector<1x16xf32> to vector<16xf32>
          %get3A_177 = arith.index_cast %add3A_172 : i32 to index
          %get3A_178 = arith.constant 0 : index
          %get3A_179 = tpu.vector_load %arg6[%get3A_177, %get3A_178] {strides = array<i32>} : memref<200x64xf32, #tpu.memory_space<vmem>>, vector<1x16xf32>,
          %get3A_180 = vector.shape_cast %get3A_179 : vector<1x16xf32> to vector<16xf32>
          %add3A_181 = arith.addf %get3A_176, %get3A_180 : vector<16xf32>
          %swap3A_182 = arith.index_cast %add3A_172 : i32 to index
          %swap3A_183 = arith.constant 0 : index
          %swap3A_184 = tpu.vector_load %arg12[%swap3A_182, %swap3A_183] {strides = array<i32>} : memref<200x64xf32, #tpu.memory_space<vmem>>, vector<1x16xf32>,
          %swap3A_185 = vector.shape_cast %swap3A_184 : vector<1x16xf32> to vector<16xf32>
          %swap3A_186 = vector.shape_cast %add3A_181 : vector<16xf32> to vector<1x16xf32>
          tpu.vector_store %arg12[%swap3A_182, %swap3A_183], %swap3A_186 {strides = array<i32>} : memref<200x64xf32, #tpu.memory_space<vmem>>, vector<1x16xf32>,
          %get3A_187 = arith.index_cast %add3A_172 : i32 to index
          %get3A_188 = arith.constant 16 : index
          %get3A_189 = tpu.vector_load %arg10[%get3A_187, %get3A_188] {strides = array<i32>} : memref<200x64xf32, #tpu.memory_space<vmem>>, vector<1x16xf32>,
          %get3A_190 = vector.shape_cast %get3A_189 : vector<1x16xf32> to vector<16xf32>
          %get3A_191 = arith.index_cast %add3A_172 : i32 to index
          %get3A_192 = arith.constant 16 : index
          %get3A_193 = tpu.vector_load %arg6[%get3A_191, %get3A_192] {strides = array<i32>} : memref<200x64xf32, #tpu.memory_space<vmem>>, vector<1x16xf32>,
          %get3A_194 = vector.shape_cast %get3A_193 : vector<1x16xf32> to vector<16xf32>
          %add3A_195 = arith.addf %get3A_190, %get3A_194 : vector<16xf32>
          %swap3A_196 = arith.index_cast %add3A_172 : i32 to index
          %swap3A_197 = arith.constant 16 : index
          %swap3A_198 = tpu.vector_load %arg12[%swap3A_196, %swap3A_197] {strides = array<i32>} : memref<200x64xf32, #tpu.memory_space<vmem>>, vector<1x16xf32>,
          %swap3A_199 = vector.shape_cast %swap3A_198 : vector<1x16xf32> to vector<16xf32>
          %swap3A_200 = vector.shape_cast %add3A_195 : vector<16xf32> to vector<1x16xf32>
          tpu.vector_store %arg12[%swap3A_196, %swap3A_197], %swap3A_200 {strides = array<i32>} : memref<200x64xf32, #tpu.memory_space<vmem>>, vector<1x16xf32>,
          %get3A_201 = arith.index_cast %add3A_172 : i32 to index
          %get3A_202 = arith.constant 32 : index
          %get3A_203 = tpu.vector_load %arg10[%get3A_201, %get3A_202] {strides = array<i32>} : memref<200x64xf32, #tpu.memory_space<vmem>>, vector<1x16xf32>,
          %get3A_204 = vector.shape_cast %get3A_203 : vector<1x16xf32> to vector<16xf32>
          %get3A_205 = arith.index_cast %add3A_172 : i32 to index
          %get3A_206 = arith.constant 32 : index
          %get3A_207 = tpu.vector_load %arg6[%get3A_205, %get3A_206] {strides = array<i32>} : memref<200x64xf32, #tpu.memory_space<vmem>>, vector<1x16xf32>,
          %get3A_208 = vector.shape_cast %get3A_207 : vector<1x16xf32> to vector<16xf32>
          %add3A_209 = arith.addf %get3A_204, %get3A_208 : vector<16xf32>
          %swap3A_210 = arith.index_cast %add3A_172 : i32 to index
          %swap3A_211 = arith.constant 32 : index
          %swap3A_212 = tpu.vector_load %arg12[%swap3A_210, %swap3A_211] {strides = array<i32>} : memref<200x64xf32, #tpu.memory_space<vmem>>, vector<1x16xf32>,
          %swap3A_213 = vector.shape_cast %swap3A_212 : vector<1x16xf32> to vector<16xf32>
          %swap3A_214 = vector.shape_cast %add3A_209 : vector<16xf32> to vector<1x16xf32>
          tpu.vector_store %arg12[%swap3A_210, %swap3A_211], %swap3A_214 {strides = array<i32>} : memref<200x64xf32, #tpu.memory_space<vmem>>, vector<1x16xf32>,
          %get3A_215 = arith.index_cast %add3A_172 : i32 to index
          %get3A_216 = arith.constant 48 : index
          %get3A_217 = tpu.vector_load %arg10[%get3A_215, %get3A_216] {strides = array<i32>} : memref<200x64xf32, #tpu.memory_space<vmem>>, vector<1x16xf32>,
          %get3A_218 = vector.shape_cast %get3A_217 : vector<1x16xf32> to vector<16xf32>
          %get3A_219 = arith.index_cast %add3A_172 : i32 to index
          %get3A_220 = arith.constant 48 : index
          %get3A_221 = tpu.vector_load %arg6[%get3A_219, %get3A_220] {strides = array<i32>} : memref<200x64xf32, #tpu.memory_space<vmem>>, vector<1x16xf32>,
          %get3A_222 = vector.shape_cast %get3A_221 : vector<1x16xf32> to vector<16xf32>
          %add3A_223 = arith.addf %get3A_218, %get3A_222 : vector<16xf32>
          %swap3A_224 = arith.index_cast %add3A_172 : i32 to index
          %swap3A_225 = arith.constant 48 : index
          %swap3A_226 = tpu.vector_load %arg12[%swap3A_224, %swap3A_225] {strides = array<i32>} : memref<200x64xf32, #tpu.memory_space<vmem>>, vector<1x16xf32>,
          %swap3A_227 = vector.shape_cast %swap3A_226 : vector<1x16xf32> to vector<16xf32>
          %swap3A_228 = vector.shape_cast %add3A_223 : vector<16xf32> to vector<1x16xf32>
          tpu.vector_store %arg12[%swap3A_224, %swap3A_225], %swap3A_228 {strides = array<i32>} : memref<200x64xf32, #tpu.memory_space<vmem>>, vector<1x16xf32>,
          %mul3A_229 = arith.constant 4 : i32
          %mul3A_230 = arith.muli %scan3A_110, %mul3A_229 : i32
          %add3A_231 = arith.constant 2 : i32
          %add3A_232 = arith.addi %mul3A_230, %add3A_231 : i32
          %get3A_233 = arith.index_cast %add3A_232 : i32 to index
          %get3A_234 = arith.constant 0 : index
          %get3A_235 = tpu.vector_load %arg10[%get3A_233, %get3A_234] {strides = array<i32>} : memref<200x64xf32, #tpu.memory_space<vmem>>, vector<1x16xf32>,
          %get3A_236 = vector.shape_cast %get3A_235 : vector<1x16xf32> to vector<16xf32>
          %get3A_237 = arith.index_cast %add3A_232 : i32 to index
          %get3A_238 = arith.constant 0 : index
          %get3A_239 = tpu.vector_load %arg6[%get3A_237, %get3A_238] {strides = array<i32>} : memref<200x64xf32, #tpu.memory_space<vmem>>, vector<1x16xf32>,
          %get3A_240 = vector.shape_cast %get3A_239 : vector<1x16xf32> to vector<16xf32>
          %add3A_241 = arith.addf %get3A_236, %get3A_240 : vector<16xf32>
          %swap3A_242 = arith.index_cast %add3A_232 : i32 to index
          %swap3A_243 = arith.constant 0 : index
          %swap3A_244 = tpu.vector_load %arg12[%swap3A_242, %swap3A_243] {strides = array<i32>} : memref<200x64xf32, #tpu.memory_space<vmem>>, vector<1x16xf32>,
          %swap3A_245 = vector.shape_cast %swap3A_244 : vector<1x16xf32> to vector<16xf32>
          %swap3A_246 = vector.shape_cast %add3A_241 : vector<16xf32> to vector<1x16xf32>
          tpu.vector_store %arg12[%swap3A_242, %swap3A_243], %swap3A_246 {strides = array<i32>} : memref<200x64xf32, #tpu.memory_space<vmem>>, vector<1x16xf32>,
          %get3A_247 = arith.index_cast %add3A_232 : i32 to index
          %get3A_248 = arith.constant 16 : index
          %get3A_249 = tpu.vector_load %arg10[%get3A_247, %get3A_248] {strides = array<i32>} : memref<200x64xf32, #tpu.memory_space<vmem>>, vector<1x16xf32>,
          %get3A_250 = vector.shape_cast %get3A_249 : vector<1x16xf32> to vector<16xf32>
          %get3A_251 = arith.index_cast %add3A_232 : i32 to index
          %get3A_252 = arith.constant 16 : index
          %get3A_253 = tpu.vector_load %arg6[%get3A_251, %get3A_252] {strides = array<i32>} : memref<200x64xf32, #tpu.memory_space<vmem>>, vector<1x16xf32>,
          %get3A_254 = vector.shape_cast %get3A_253 : vector<1x16xf32> to vector<16xf32>
          %add3A_255 = arith.addf %get3A_250, %get3A_254 : vector<16xf32>
          %swap3A_256 = arith.index_cast %add3A_232 : i32 to index
          %swap3A_257 = arith.constant 16 : index
          %swap3A_258 = tpu.vector_load %arg12[%swap3A_256, %swap3A_257] {strides = array<i32>} : memref<200x64xf32, #tpu.memory_space<vmem>>, vector<1x16xf32>,
          %swap3A_259 = vector.shape_cast %swap3A_258 : vector<1x16xf32> to vector<16xf32>
          %swap3A_260 = vector.shape_cast %add3A_255 : vector<16xf32> to vector<1x16xf32>
          tpu.vector_store %arg12[%swap3A_256, %swap3A_257], %swap3A_260 {strides = array<i32>} : memref<200x64xf32, #tpu.memory_space<vmem>>, vector<1x16xf32>,
          %get3A_261 = arith.index_cast %add3A_232 : i32 to index
          %get3A_262 = arith.constant 32 : index
          %get3A_263 = tpu.vector_load %arg10[%get3A_261, %get3A_262] {strides = array<i32>} : memref<200x64xf32, #tpu.memory_space<vmem>>, vector<1x16xf32>,
          %get3A_264 = vector.shape_cast %get3A_263 : vector<1x16xf32> to vector<16xf32>
          %get3A_265 = arith.index_cast %add3A_232 : i32 to index
          %get3A_266 = arith.constant 32 : index
          %get3A_267 = tpu.vector_load %arg6[%get3A_265, %get3A_266] {strides = array<i32>} : memref<200x64xf32, #tpu.memory_space<vmem>>, vector<1x16xf32>,
          %get3A_268 = vector.shape_cast %get3A_267 : vector<1x16xf32> to vector<16xf32>
          %add3A_269 = arith.addf %get3A_264, %get3A_268 : vector<16xf32>
          %swap3A_270 = arith.index_cast %add3A_232 : i32 to index
          %swap3A_271 = arith.constant 32 : index
          %swap3A_272 = tpu.vector_load %arg12[%swap3A_270, %swap3A_271] {strides = array<i32>} : memref<200x64xf32, #tpu.memory_space<vmem>>, vector<1x16xf32>,
          %swap3A_273 = vector.shape_cast %swap3A_272 : vector<1x16xf32> to vector<16xf32>
          %swap3A_274 = vector.shape_cast %add3A_269 : vector<16xf32> to vector<1x16xf32>
          tpu.vector_store %arg12[%swap3A_270, %swap3A_271], %swap3A_274 {strides = array<i32>} : memref<200x64xf32, #tpu.memory_space<vmem>>, vector<1x16xf32>,
          %get3A_275 = arith.index_cast %add3A_232 : i32 to index
          %get3A_276 = arith.constant 48 : index
          %get3A_277 = tpu.vector_load %arg10[%get3A_275, %get3A_276] {strides = array<i32>} : memref<200x64xf32, #tpu.memory_space<vmem>>, vector<1x16xf32>,
          %get3A_278 = vector.shape_cast %get3A_277 : vector<1x16xf32> to vector<16xf32>
          %get3A_279 = arith.index_cast %add3A_232 : i32 to index
          %get3A_280 = arith.constant 48 : index
          %get3A_281 = tpu.vector_load %arg6[%get3A_279, %get3A_280] {strides = array<i32>} : memref<200x64xf32, #tpu.memory_space<vmem>>, vector<1x16xf32>,
          %get3A_282 = vector.shape_cast %get3A_281 : vector<1x16xf32> to vector<16xf32>
          %add3A_283 = arith.addf %get3A_278, %get3A_282 : vector<16xf32>
          %swap3A_284 = arith.index_cast %add3A_232 : i32 to index
          %swap3A_285 = arith.constant 48 : index
          %swap3A_286 = tpu.vector_load %arg12[%swap3A_284, %swap3A_285] {strides = array<i32>} : memref<200x64xf32, #tpu.memory_space<vmem>>, vector<1x16xf32>,
          %swap3A_287 = vector.shape_cast %swap3A_286 : vector<1x16xf32> to vector<16xf32>
          %swap3A_288 = vector.shape_cast %add3A_283 : vector<16xf32> to vector<1x16xf32>
          tpu.vector_store %arg12[%swap3A_284, %swap3A_285], %swap3A_288 {strides = array<i32>} : memref<200x64xf32, #tpu.memory_space<vmem>>, vector<1x16xf32>,
          %mul3A_289 = arith.constant 4 : i32
          %mul3A_290 = arith.muli %scan3A_110, %mul3A_289 : i32
          %add3A_291 = arith.constant 3 : i32
          %add3A_292 = arith.addi %mul3A_290, %add3A_291 : i32
          %get3A_293 = arith.index_cast %add3A_292 : i32 to index
          %get3A_294 = arith.constant 0 : index
          %get3A_295 = tpu.vector_load %arg10[%get3A_293, %get3A_294] {strides = array<i32>} : memref<200x64xf32, #tpu.memory_space<vmem>>, vector<1x16xf32>,
          %get3A_296 = vector.shape_cast %get3A_295 : vector<1x16xf32> to vector<16xf32>
          %get3A_297 = arith.index_cast %add3A_292 : i32 to index
          %get3A_298 = arith.constant 0 : index
          %get3A_299 = tpu.vector_load %arg6[%get3A_297, %get3A_298] {strides = array<i32>} : memref<200x64xf32, #tpu.memory_space<vmem>>, vector<1x16xf32>,
          %get3A_300 = vector.shape_cast %get3A_299 : vector<1x16xf32> to vector<16xf32>
          %add3A_301 = arith.addf %get3A_296, %get3A_300 : vector<16xf32>
          %swap3A_302 = arith.index_cast %add3A_292 : i32 to index
          %swap3A_303 = arith.constant 0 : index
          %swap3A_304 = tpu.vector_load %arg12[%swap3A_302, %swap3A_303] {strides = array<i32>} : memref<200x64xf32, #tpu.memory_space<vmem>>, vector<1x16xf32>,
          %swap3A_305 = vector.shape_cast %swap3A_304 : vector<1x16xf32> to vector<16xf32>
          %swap3A_306 = vector.shape_cast %add3A_301 : vector<16xf32> to vector<1x16xf32>
          tpu.vector_store %arg12[%swap3A_302, %swap3A_303], %swap3A_306 {strides = array<i32>} : memref<200x64xf32, #tpu.memory_space<vmem>>, vector<1x16xf32>,
          %get3A_307 = arith.index_cast %add3A_292 : i32 to index
          %get3A_308 = arith.constant 16 : index
          %get3A_309 = tpu.vector_load %arg10[%get3A_307, %get3A_308] {strides = array<i32>} : memref<200x64xf32, #tpu.memory_space<vmem>>, vector<1x16xf32>,
          %get3A_310 = vector.shape_cast %get3A_309 : vector<1x16xf32> to vector<16xf32>
          %get3A_311 = arith.index_cast %add3A_292 : i32 to index
          %get3A_312 = arith.constant 16 : index
          %get3A_313 = tpu.vector_load %arg6[%get3A_311, %get3A_312] {strides = array<i32>} : memref<200x64xf32, #tpu.memory_space<vmem>>, vector<1x16xf32>,
          %get3A_314 = vector.shape_cast %get3A_313 : vector<1x16xf32> to vector<16xf32>
          %add3A_315 = arith.addf %get3A_310, %get3A_314 : vector<16xf32>
          %swap3A_316 = arith.index_cast %add3A_292 : i32 to index
          %swap3A_317 = arith.constant 16 : index
          %swap3A_318 = tpu.vector_load %arg12[%swap3A_316, %swap3A_317] {strides = array<i32>} : memref<200x64xf32, #tpu.memory_space<vmem>>, vector<1x16xf32>,
          %swap3A_319 = vector.shape_cast %swap3A_318 : vector<1x16xf32> to vector<16xf32>
          %swap3A_320 = vector.shape_cast %add3A_315 : vector<16xf32> to vector<1x16xf32>
          tpu.vector_store %arg12[%swap3A_316, %swap3A_317], %swap3A_320 {strides = array<i32>} : memref<200x64xf32, #tpu.memory_space<vmem>>, vector<1x16xf32>,
          %get3A_321 = arith.index_cast %add3A_292 : i32 to index
          %get3A_322 = arith.constant 32 : index
          %get3A_323 = tpu.vector_load %arg10[%get3A_321, %get3A_322] {strides = array<i32>} : memref<200x64xf32, #tpu.memory_space<vmem>>, vector<1x16xf32>,
          %get3A_324 = vector.shape_cast %get3A_323 : vector<1x16xf32> to vector<16xf32>
          %get3A_325 = arith.index_cast %add3A_292 : i32 to index
          %get3A_326 = arith.constant 32 : index
          %get3A_327 = tpu.vector_load %arg6[%get3A_325, %get3A_326] {strides = array<i32>} : memref<200x64xf32, #tpu.memory_space<vmem>>, vector<1x16xf32>,
          %get3A_328 = vector.shape_cast %get3A_327 : vector<1x16xf32> to vector<16xf32>
          %add3A_329 = arith.addf %get3A_324, %get3A_328 : vector<16xf32>
          %swap3A_330 = arith.index_cast %add3A_292 : i32 to index
          %swap3A_331 = arith.constant 32 : index
          %swap3A_332 = tpu.vector_load %arg12[%swap3A_330, %swap3A_331] {strides = array<i32>} : memref<200x64xf32, #tpu.memory_space<vmem>>, vector<1x16xf32>,
          %swap3A_333 = vector.shape_cast %swap3A_332 : vector<1x16xf32> to vector<16xf32>
          %swap3A_334 = vector.shape_cast %add3A_329 : vector<16xf32> to vector<1x16xf32>
          tpu.vector_store %arg12[%swap3A_330, %swap3A_331], %swap3A_334 {strides = array<i32>} : memref<200x64xf32, #tpu.memory_space<vmem>>, vector<1x16xf32>,
          %get3A_335 = arith.index_cast %add3A_292 : i32 to index
          %get3A_336 = arith.constant 48 : index
          %get3A_337 = tpu.vector_load %arg10[%get3A_335, %get3A_336] {strides = array<i32>} : memref<200x64xf32, #tpu.memory_space<vmem>>, vector<1x16xf32>,
          %get3A_338 = vector.shape_cast %get3A_337 : vector<1x16xf32> to vector<16xf32>
          %get3A_339 = arith.index_cast %add3A_292 : i32 to index
          %get3A_340 = arith.constant 48 : index
          %get3A_341 = tpu.vector_load %arg6[%get3A_339, %get3A_340] {strides = array<i32>} : memref<200x64xf32, #tpu.memory_space<vmem>>, vector<1x16xf32>,
          %get3A_342 = vector.shape_cast %get3A_341 : vector<1x16xf32> to vector<16xf32>
          %add3A_343 = arith.addf %get3A_338, %get3A_342 : vector<16xf32>
          %swap3A_344 = arith.index_cast %add3A_292 : i32 to index
          %swap3A_345 = arith.constant 48 : index
          %swap3A_346 = tpu.vector_load %arg12[%swap3A_344, %swap3A_345] {strides = array<i32>} : memref<200x64xf32, #tpu.memory_space<vmem>>, vector<1x16xf32>,
          %swap3A_347 = vector.shape_cast %swap3A_346 : vector<1x16xf32> to vector<16xf32>
          %swap3A_348 = vector.shape_cast %add3A_343 : vector<16xf32> to vector<1x16xf32>
          tpu.vector_store %arg12[%swap3A_344, %swap3A_345], %swap3A_348 {strides = array<i32>} : memref<200x64xf32, #tpu.memory_space<vmem>>, vector<1x16xf32>,
        }
        %scan3A_91 = arith.constant 50 : i32
        %mul3A_92 = arith.constant 128 : i32
        %mul3A_93 = arith.muli %add3A, %mul3A_92 : i32
        %add3A_94 = arith.addi %mul3A_93, %scan3A_61 : i32
        %dma_start3A_95 = arith.constant 0 : i32
        %dma_start3A_96 = arith.constant 0 : i32
        %dma_start3A_97 = tpu.memref_slice %arg5[%add3A_94, %dma_start3A_95, %dma_start3A_96] : memref<4096x200x128xf32, #tpu.memory_space<hbm>> -> memref<1x200x64xf32, #tpu.memory_space<hbm>>
        %dma_start3A_98 = tpu.memref_squeeze %dma_start3A_97 : memref<1x200x64xf32, #tpu.memory_space<hbm>> -> memref<200x64xf32, #tpu.memory_space<hbm>>
        %dma_start3A_99 = arith.constant 0 : i32
        %dma_start3A_100 = arith.constant 0 : i32
        %dma_start3A_101 = tpu.memref_slice %arg5[%add3A_94, %dma_start3A_99, %dma_start3A_100] : memref<4096x200x128xf32, #tpu.memory_space<hbm>> -> memref<1x200x64xf32, #tpu.memory_space<hbm>>
        %dma_start3A_102 = tpu.memref_squeeze %dma_start3A_101 : memref<1x200x64xf32, #tpu.memory_space<hbm>> -> memref<200x64xf32, #tpu.memory_space<hbm>>
        tpu.enqueue_dma source(%arg12 : memref<200x64xf32, #tpu.memory_space<vmem>>) target(%dma_start3A_102 : memref<200x64xf32, #tpu.memory_space<hbm>>) target_semaphore(%arg18 : memref<!tpu.dma_semaphore, #tpu.memory_space<semaphore_mem>>)
        %add3A_103 = arith.constant 2 : i32
        %add3A_104 = arith.addi %scan3A_61, %add3A_103 : i32
        %lt3A_105 = arith.constant 128 : i32
        %lt3A_106 = arith.cmpi slt, %add3A_104, %lt3A_105 : i32
        %convert_element_type3A_107 = arith.extui %lt3A_106 : i1 to i32
        %cond3A_108 = arith.constant 0 : i32
        %cond3A_109 = arith.cmpi ne, %convert_element_type3A_107, %cond3A_108 : i32
        scf.if %cond3A_109 {
          %add3A_110 = arith.constant 2 : i32
          %add3A_111 = arith.addi %scan3A_61, %add3A_110 : i32
          %mul3A_112 = arith.constant 128 : i32
          %mul3A_113 = arith.muli %add3A, %mul3A_112 : i32
          %add3A_114 = arith.addi %mul3A_113, %add3A_111 : i32
          %mul3A_115 = arith.constant 200 : i32
          %mul3A_116 = arith.muli %add3A_114, %mul3A_115 : i32
          %dma_start3A_117 = arith.constant 0 : i32
          %dma_start3A_118 = tpu.memref_slice %arg8[%dma_start3A_117] : memref<208xi32, #tpu.memory_space<vmem>> -> memref<200xi32, #tpu.memory_space<vmem>>
          %dma_start3A_119 = tpu.memref_slice %arg2[%mul3A_116] : memref<819200xi32, #tpu.memory_space<hbm>> -> memref<200xi32, #tpu.memory_space<hbm>>
          %dma_start3A_120 = arith.constant 0 : i32
          %dma_start3A_121 = tpu.memref_slice %arg8[%dma_start3A_120] : memref<208xi32, #tpu.memory_space<vmem>> -> memref<200xi32, #tpu.memory_space<vmem>>
          %dma_start3A_122 = tpu.memref_slice %arg2[%mul3A_116] : memref<819200xi32, #tpu.memory_space<hbm>> -> memref<200xi32, #tpu.memory_space<hbm>>
          tpu.enqueue_dma source(%dma_start3A_122 : memref<200xi32, #tpu.memory_space<hbm>>) target(%dma_start3A_121 : memref<200xi32, #tpu.memory_space<vmem>>) target_semaphore(%arg14 : memref<!tpu.dma_semaphore, #tpu.memory_space<semaphore_mem>>)
        } else {
        }
      } else {
      }
    }
    %scan3A_51 = arith.constant 128 : i32
    %dma_wait3A_52 = arith.constant 0 : i32
    %dma_wait3A_53 = arith.constant 0 : i32
    %dma_wait3A_54 = arith.constant 0 : i32
    %dma_wait3A_55 = tpu.memref_slice %arg5[%dma_wait3A_52, %dma_wait3A_53, %dma_wait3A_54] : memref<4096x200x128xf32, #tpu.memory_space<hbm>> -> memref<1x200x64xf32, #tpu.memory_space<hbm>>
    %dma_wait3A_56 = tpu.memref_squeeze %dma_wait3A_55 : memref<1x200x64xf32, #tpu.memory_space<hbm>> -> memref<200x64xf32, #tpu.memory_space<hbm>>
    %dma_wait3A_57 = arith.constant 0 : i32
    %dma_wait3A_58 = arith.constant 0 : i32
    %dma_wait3A_59 = tpu.memref_slice %arg5[%dma_wait3A_52, %dma_wait3A_57, %dma_wait3A_58] : memref<4096x200x128xf32, #tpu.memory_space<hbm>> -> memref<1x200x64xf32, #tpu.memory_space<hbm>>
    %dma_wait3A_60 = tpu.memref_squeeze %dma_wait3A_59 : memref<1x200x64xf32, #tpu.memory_space<hbm>> -> memref<200x64xf32, #tpu.memory_space<hbm>>
    tpu.wait_dma2 semaphore(%arg18 : memref<!tpu.dma_semaphore, #tpu.memory_space<semaphore_mem>>) src(%dma_wait3A_60 : memref<200x64xf32, #tpu.memory_space<hbm>>) dst(%arg12 : memref<200x64xf32, #tpu.memory_space<vmem>>)
    return
  }
}

module attributes {stable_mosaic.version = 14 : i64} {
  func.func @_repack_body(%arg0: i32, %arg1: memref<128x128xf32, #tpu.memory_space<vmem>>, %arg2: memref<64x16384xf32, #tpu.memory_space<vmem>>, %arg3: memref<8192x128xf32, #tpu.memory_space<vmem>>) attributes {dimension_semantics = [#tpu.dimension_semantics<arbitrary>], iteration_bounds = array<i64: 62>, scalar_prefetch = 0 : i64, scratch_operands = 0 : i64, tpu.core_type = #tpu.core_type<tc>, window_params = [{pipeline_mode = #tpu.pipeline_mode<synchronous>, transform_indices = @transform_0, window_bounds = array<i64: 128, 128>}, {transform_indices = @transform_1, window_bounds = array<i64: 64, 16384>}, {transform_indices = @transform_2, window_bounds = array<i64: 8192, 128>}]} {
    %get3A = arith.constant 0 : index
    %get3A_0 = arith.constant 0 : index
    %get3A_1 = vector.load %arg2[%get3A, %get3A_0] : memref<64x16384xf32, #tpu.memory_space<vmem>>, vector<64x16384xf32>
    %get3A_2 = arith.constant 0 : index
    %get3A_3 = arith.constant 0 : index
    %get3A_4 = vector.load %arg1[%get3A_2, %get3A_3] : memref<128x128xf32, #tpu.memory_space<vmem>>, vector<128x128xf32>
    %slice3A = vector.extract_strided_slice %get3A_4 {offsets = [0, 0], sizes = [64, 128], strides = [1, 1]} : vector<128x128xf32> to vector<64x128xf32>
    %slice3A_5 = vector.extract_strided_slice %get3A_4 {offsets = [64, 0], sizes = [64, 128], strides = [1, 1]} : vector<128x128xf32> to vector<64x128xf32>
    %slice3A_6 = vector.extract_strided_slice %get3A_1 {offsets = [0, 0], sizes = [64, 128], strides = [1, 1]} : vector<64x16384xf32> to vector<64x128xf32>
    %dot_general3A = arith.constant dense<0.000000e+00> : vector<64x64xf32>
    %dot_general3A_7 = tpu.matmul %slice3A, %slice3A_6, %dot_general3A {dimension_numbers = #tpu.dot_dimension_numbers<[1], [1], [0], [0], [0, 0, 1, 0], [], []>, transpose_lhs_hint = false} : vector<64x128xf32>, vector<64x128xf32>, vector<64x64xf32> -> vector<64x64xf32>
    %dot_general3A_8 = arith.constant dense<0.000000e+00> : vector<64x64xf32>
    %dot_general3A_9 = tpu.matmul %slice3A_5, %slice3A_6, %dot_general3A_8 {dimension_numbers = #tpu.dot_dimension_numbers<[1], [1], [0], [0], [0, 0, 1, 0], [], []>, transpose_lhs_hint = false} : vector<64x128xf32>, vector<64x128xf32>, vector<64x64xf32> -> vector<64x64xf32>
    %concatenate3A = tpu.concatenate %dot_general3A_7, %dot_general3A_9 in 1 : vector<64x64xf32>, vector<64x64xf32> -> vector<64x128xf32>
    %slice3A_10 = vector.extract_strided_slice %get3A_1 {offsets = [0, 128], sizes = [64, 128], strides = [1, 1]} : vector<64x16384xf32> to vector<64x128xf32>
    %dot_general3A_11 = arith.constant dense<0.000000e+00> : vector<64x64xf32>
    %dot_general3A_12 = tpu.matmul %slice3A, %slice3A_10, %dot_general3A_11 {dimension_numbers = #tpu.dot_dimension_numbers<[1], [1], [0], [0], [0, 0, 1, 0], [], []>, transpose_lhs_hint = false} : vector<64x128xf32>, vector<64x128xf32>, vector<64x64xf32> -> vector<64x64xf32>
    %dot_general3A_13 = arith.constant dense<0.000000e+00> : vector<64x64xf32>
    %dot_general3A_14 = tpu.matmul %slice3A_5, %slice3A_10, %dot_general3A_13 {dimension_numbers = #tpu.dot_dimension_numbers<[1], [1], [0], [0], [0, 0, 1, 0], [], []>, transpose_lhs_hint = false} : vector<64x128xf32>, vector<64x128xf32>, vector<64x64xf32> -> vector<64x64xf32>
    %concatenate3A_15 = tpu.concatenate %dot_general3A_12, %dot_general3A_14 in 1 : vector<64x64xf32>, vector<64x64xf32> -> vector<64x128xf32>
    %slice3A_16 = vector.extract_strided_slice %get3A_1 {offsets = [0, 256], sizes = [64, 128], strides = [1, 1]} : vector<64x16384xf32> to vector<64x128xf32>
    %dot_general3A_17 = arith.constant dense<0.000000e+00> : vector<64x64xf32>
    %dot_general3A_18 = tpu.matmul %slice3A, %slice3A_16, %dot_general3A_17 {dimension_numbers = #tpu.dot_dimension_numbers<[1], [1], [0], [0], [0, 0, 1, 0], [], []>, transpose_lhs_hint = false} : vector<64x128xf32>, vector<64x128xf32>, vector<64x64xf32> -> vector<64x64xf32>
    %dot_general3A_19 = arith.constant dense<0.000000e+00> : vector<64x64xf32>
    %dot_general3A_20 = tpu.matmul %slice3A_5, %slice3A_16, %dot_general3A_19 {dimension_numbers = #tpu.dot_dimension_numbers<[1], [1], [0], [0], [0, 0, 1, 0], [], []>, transpose_lhs_hint = false} : vector<64x128xf32>, vector<64x128xf32>, vector<64x64xf32> -> vector<64x64xf32>
    %concatenate3A_21 = tpu.concatenate %dot_general3A_18, %dot_general3A_20 in 1 : vector<64x64xf32>, vector<64x64xf32> -> vector<64x128xf32>
    %slice3A_22 = vector.extract_strided_slice %get3A_1 {offsets = [0, 384], sizes = [64, 128], strides = [1, 1]} : vector<64x16384xf32> to vector<64x128xf32>
    %dot_general3A_23 = arith.constant dense<0.000000e+00> : vector<64x64xf32>
    %dot_general3A_24 = tpu.matmul %slice3A, %slice3A_22, %dot_general3A_23 {dimension_numbers = #tpu.dot_dimension_numbers<[1], [1], [0], [0], [0, 0, 1, 0], [], []>, transpose_lhs_hint = false} : vector<64x128xf32>, vector<64x128xf32>, vector<64x64xf32> -> vector<64x64xf32>
    %dot_general3A_25 = arith.constant dense<0.000000e+00> : vector<64x64xf32>
    %dot_general3A_26 = tpu.matmul %slice3A_5, %slice3A_22, %dot_general3A_25 {dimension_numbers = #tpu.dot_dimension_numbers<[1], [1], [0], [0], [0, 0, 1, 0], [], []>, transpose_lhs_hint = false} : vector<64x128xf32>, vector<64x128xf32>, vector<64x64xf32> -> vector<64x64xf32>
    %concatenate3A_27 = tpu.concatenate %dot_general3A_24, %dot_general3A_26 in 1 : vector<64x64xf32>, vector<64x64xf32> -> vector<64x128xf32>
    %slice3A_28 = vector.extract_strided_slice %get3A_1 {offsets = [0, 512], sizes = [64, 128], strides = [1, 1]} : vector<64x16384xf32> to vector<64x128xf32>
    %dot_general3A_29 = arith.constant dense<0.000000e+00> : vector<64x64xf32>
    %dot_general3A_30 = tpu.matmul %slice3A, %slice3A_28, %dot_general3A_29 {dimension_numbers = #tpu.dot_dimension_numbers<[1], [1], [0], [0], [0, 0, 1, 0], [], []>, transpose_lhs_hint = false} : vector<64x128xf32>, vector<64x128xf32>, vector<64x64xf32> -> vector<64x64xf32>
    %dot_general3A_31 = arith.constant dense<0.000000e+00> : vector<64x64xf32>
    %dot_general3A_32 = tpu.matmul %slice3A_5, %slice3A_28, %dot_general3A_31 {dimension_numbers = #tpu.dot_dimension_numbers<[1], [1], [0], [0], [0, 0, 1, 0], [], []>, transpose_lhs_hint = false} : vector<64x128xf32>, vector<64x128xf32>, vector<64x64xf32> -> vector<64x64xf32>
    %concatenate3A_33 = tpu.concatenate %dot_general3A_30, %dot_general3A_32 in 1 : vector<64x64xf32>, vector<64x64xf32> -> vector<64x128xf32>
    %slice3A_34 = vector.extract_strided_slice %get3A_1 {offsets = [0, 640], sizes = [64, 128], strides = [1, 1]} : vector<64x16384xf32> to vector<64x128xf32>
    %dot_general3A_35 = arith.constant dense<0.000000e+00> : vector<64x64xf32>
    %dot_general3A_36 = tpu.matmul %slice3A, %slice3A_34, %dot_general3A_35 {dimension_numbers = #tpu.dot_dimension_numbers<[1], [1], [0], [0], [0, 0, 1, 0], [], []>, transpose_lhs_hint = false} : vector<64x128xf32>, vector<64x128xf32>, vector<64x64xf32> -> vector<64x64xf32>
    %dot_general3A_37 = arith.constant dense<0.000000e+00> : vector<64x64xf32>
    %dot_general3A_38 = tpu.matmul %slice3A_5, %slice3A_34, %dot_general3A_37 {dimension_numbers = #tpu.dot_dimension_numbers<[1], [1], [0], [0], [0, 0, 1, 0], [], []>, transpose_lhs_hint = false} : vector<64x128xf32>, vector<64x128xf32>, vector<64x64xf32> -> vector<64x64xf32>
    %concatenate3A_39 = tpu.concatenate %dot_general3A_36, %dot_general3A_38 in 1 : vector<64x64xf32>, vector<64x64xf32> -> vector<64x128xf32>
    %slice3A_40 = vector.extract_strided_slice %get3A_1 {offsets = [0, 768], sizes = [64, 128], strides = [1, 1]} : vector<64x16384xf32> to vector<64x128xf32>
    %dot_general3A_41 = arith.constant dense<0.000000e+00> : vector<64x64xf32>
    %dot_general3A_42 = tpu.matmul %slice3A, %slice3A_40, %dot_general3A_41 {dimension_numbers = #tpu.dot_dimension_numbers<[1], [1], [0], [0], [0, 0, 1, 0], [], []>, transpose_lhs_hint = false} : vector<64x128xf32>, vector<64x128xf32>, vector<64x64xf32> -> vector<64x64xf32>
    %dot_general3A_43 = arith.constant dense<0.000000e+00> : vector<64x64xf32>
    %dot_general3A_44 = tpu.matmul %slice3A_5, %slice3A_40, %dot_general3A_43 {dimension_numbers = #tpu.dot_dimension_numbers<[1], [1], [0], [0], [0, 0, 1, 0], [], []>, transpose_lhs_hint = false} : vector<64x128xf32>, vector<64x128xf32>, vector<64x64xf32> -> vector<64x64xf32>
    %concatenate3A_45 = tpu.concatenate %dot_general3A_42, %dot_general3A_44 in 1 : vector<64x64xf32>, vector<64x64xf32> -> vector<64x128xf32>
    %slice3A_46 = vector.extract_strided_slice %get3A_1 {offsets = [0, 896], sizes = [64, 128], strides = [1, 1]} : vector<64x16384xf32> to vector<64x128xf32>
    %dot_general3A_47 = arith.constant dense<0.000000e+00> : vector<64x64xf32>
    %dot_general3A_48 = tpu.matmul %slice3A, %slice3A_46, %dot_general3A_47 {dimension_numbers = #tpu.dot_dimension_numbers<[1], [1], [0], [0], [0, 0, 1, 0], [], []>, transpose_lhs_hint = false} : vector<64x128xf32>, vector<64x128xf32>, vector<64x64xf32> -> vector<64x64xf32>
    %dot_general3A_49 = arith.constant dense<0.000000e+00> : vector<64x64xf32>
    %dot_general3A_50 = tpu.matmul %slice3A_5, %slice3A_46, %dot_general3A_49 {dimension_numbers = #tpu.dot_dimension_numbers<[1], [1], [0], [0], [0, 0, 1, 0], [], []>, transpose_lhs_hint = false} : vector<64x128xf32>, vector<64x128xf32>, vector<64x64xf32> -> vector<64x64xf32>
    %concatenate3A_51 = tpu.concatenate %dot_general3A_48, %dot_general3A_50 in 1 : vector<64x64xf32>, vector<64x64xf32> -> vector<64x128xf32>
    %slice3A_52 = vector.extract_strided_slice %get3A_1 {offsets = [0, 1024], sizes = [64, 128], strides = [1, 1]} : vector<64x16384xf32> to vector<64x128xf32>
    %dot_general3A_53 = arith.constant dense<0.000000e+00> : vector<64x64xf32>
    %dot_general3A_54 = tpu.matmul %slice3A, %slice3A_52, %dot_general3A_53 {dimension_numbers = #tpu.dot_dimension_numbers<[1], [1], [0], [0], [0, 0, 1, 0], [], []>, transpose_lhs_hint = false} : vector<64x128xf32>, vector<64x128xf32>, vector<64x64xf32> -> vector<64x64xf32>
    %dot_general3A_55 = arith.constant dense<0.000000e+00> : vector<64x64xf32>
    %dot_general3A_56 = tpu.matmul %slice3A_5, %slice3A_52, %dot_general3A_55 {dimension_numbers = #tpu.dot_dimension_numbers<[1], [1], [0], [0], [0, 0, 1, 0], [], []>, transpose_lhs_hint = false} : vector<64x128xf32>, vector<64x128xf32>, vector<64x64xf32> -> vector<64x64xf32>
    %concatenate3A_57 = tpu.concatenate %dot_general3A_54, %dot_general3A_56 in 1 : vector<64x64xf32>, vector<64x64xf32> -> vector<64x128xf32>
    %slice3A_58 = vector.extract_strided_slice %get3A_1 {offsets = [0, 1152], sizes = [64, 128], strides = [1, 1]} : vector<64x16384xf32> to vector<64x128xf32>
    %dot_general3A_59 = arith.constant dense<0.000000e+00> : vector<64x64xf32>
    %dot_general3A_60 = tpu.matmul %slice3A, %slice3A_58, %dot_general3A_59 {dimension_numbers = #tpu.dot_dimension_numbers<[1], [1], [0], [0], [0, 0, 1, 0], [], []>, transpose_lhs_hint = false} : vector<64x128xf32>, vector<64x128xf32>, vector<64x64xf32> -> vector<64x64xf32>
    %dot_general3A_61 = arith.constant dense<0.000000e+00> : vector<64x64xf32>
    %dot_general3A_62 = tpu.matmul %slice3A_5, %slice3A_58, %dot_general3A_61 {dimension_numbers = #tpu.dot_dimension_numbers<[1], [1], [0], [0], [0, 0, 1, 0], [], []>, transpose_lhs_hint = false} : vector<64x128xf32>, vector<64x128xf32>, vector<64x64xf32> -> vector<64x64xf32>
    %concatenate3A_63 = tpu.concatenate %dot_general3A_60, %dot_general3A_62 in 1 : vector<64x64xf32>, vector<64x64xf32> -> vector<64x128xf32>
    %slice3A_64 = vector.extract_strided_slice %get3A_1 {offsets = [0, 1280], sizes = [64, 128], strides = [1, 1]} : vector<64x16384xf32> to vector<64x128xf32>
    %dot_general3A_65 = arith.constant dense<0.000000e+00> : vector<64x64xf32>
    %dot_general3A_66 = tpu.matmul %slice3A, %slice3A_64, %dot_general3A_65 {dimension_numbers = #tpu.dot_dimension_numbers<[1], [1], [0], [0], [0, 0, 1, 0], [], []>, transpose_lhs_hint = false} : vector<64x128xf32>, vector<64x128xf32>, vector<64x64xf32> -> vector<64x64xf32>
    %dot_general3A_67 = arith.constant dense<0.000000e+00> : vector<64x64xf32>
    %dot_general3A_68 = tpu.matmul %slice3A_5, %slice3A_64, %dot_general3A_67 {dimension_numbers = #tpu.dot_dimension_numbers<[1], [1], [0], [0], [0, 0, 1, 0], [], []>, transpose_lhs_hint = false} : vector<64x128xf32>, vector<64x128xf32>, vector<64x64xf32> -> vector<64x64xf32>
    %concatenate3A_69 = tpu.concatenate %dot_general3A_66, %dot_general3A_68 in 1 : vector<64x64xf32>, vector<64x64xf32> -> vector<64x128xf32>
    %slice3A_70 = vector.extract_strided_slice %get3A_1 {offsets = [0, 1408], sizes = [64, 128], strides = [1, 1]} : vector<64x16384xf32> to vector<64x128xf32>
    %dot_general3A_71 = arith.constant dense<0.000000e+00> : vector<64x64xf32>
    %dot_general3A_72 = tpu.matmul %slice3A, %slice3A_70, %dot_general3A_71 {dimension_numbers = #tpu.dot_dimension_numbers<[1], [1], [0], [0], [0, 0, 1, 0], [], []>, transpose_lhs_hint = false} : vector<64x128xf32>, vector<64x128xf32>, vector<64x64xf32> -> vector<64x64xf32>
    %dot_general3A_73 = arith.constant dense<0.000000e+00> : vector<64x64xf32>
    %dot_general3A_74 = tpu.matmul %slice3A_5, %slice3A_70, %dot_general3A_73 {dimension_numbers = #tpu.dot_dimension_numbers<[1], [1], [0], [0], [0, 0, 1, 0], [], []>, transpose_lhs_hint = false} : vector<64x128xf32>, vector<64x128xf32>, vector<64x64xf32> -> vector<64x64xf32>
    %concatenate3A_75 = tpu.concatenate %dot_general3A_72, %dot_general3A_74 in 1 : vector<64x64xf32>, vector<64x64xf32> -> vector<64x128xf32>
    %slice3A_76 = vector.extract_strided_slice %get3A_1 {offsets = [0, 1536], sizes = [64, 128], strides = [1, 1]} : vector<64x16384xf32> to vector<64x128xf32>
    %dot_general3A_77 = arith.constant dense<0.000000e+00> : vector<64x64xf32>
    %dot_general3A_78 = tpu.matmul %slice3A, %slice3A_76, %dot_general3A_77 {dimension_numbers = #tpu.dot_dimension_numbers<[1], [1], [0], [0], [0, 0, 1, 0], [], []>, transpose_lhs_hint = false} : vector<64x128xf32>, vector<64x128xf32>, vector<64x64xf32> -> vector<64x64xf32>
    %dot_general3A_79 = arith.constant dense<0.000000e+00> : vector<64x64xf32>
    %dot_general3A_80 = tpu.matmul %slice3A_5, %slice3A_76, %dot_general3A_79 {dimension_numbers = #tpu.dot_dimension_numbers<[1], [1], [0], [0], [0, 0, 1, 0], [], []>, transpose_lhs_hint = false} : vector<64x128xf32>, vector<64x128xf32>, vector<64x64xf32> -> vector<64x64xf32>
    %concatenate3A_81 = tpu.concatenate %dot_general3A_78, %dot_general3A_80 in 1 : vector<64x64xf32>, vector<64x64xf32> -> vector<64x128xf32>
    %slice3A_82 = vector.extract_strided_slice %get3A_1 {offsets = [0, 1664], sizes = [64, 128], strides = [1, 1]} : vector<64x16384xf32> to vector<64x128xf32>
    %dot_general3A_83 = arith.constant dense<0.000000e+00> : vector<64x64xf32>
    %dot_general3A_84 = tpu.matmul %slice3A, %slice3A_82, %dot_general3A_83 {dimension_numbers = #tpu.dot_dimension_numbers<[1], [1], [0], [0], [0, 0, 1, 0], [], []>, transpose_lhs_hint = false} : vector<64x128xf32>, vector<64x128xf32>, vector<64x64xf32> -> vector<64x64xf32>
    %dot_general3A_85 = arith.constant dense<0.000000e+00> : vector<64x64xf32>
    %dot_general3A_86 = tpu.matmul %slice3A_5, %slice3A_82, %dot_general3A_85 {dimension_numbers = #tpu.dot_dimension_numbers<[1], [1], [0], [0], [0, 0, 1, 0], [], []>, transpose_lhs_hint = false} : vector<64x128xf32>, vector<64x128xf32>, vector<64x64xf32> -> vector<64x64xf32>
    %concatenate3A_87 = tpu.concatenate %dot_general3A_84, %dot_general3A_86 in 1 : vector<64x64xf32>, vector<64x64xf32> -> vector<64x128xf32>
    %slice3A_88 = vector.extract_strided_slice %get3A_1 {offsets = [0, 1792], sizes = [64, 128], strides = [1, 1]} : vector<64x16384xf32> to vector<64x128xf32>
    %dot_general3A_89 = arith.constant dense<0.000000e+00> : vector<64x64xf32>
    %dot_general3A_90 = tpu.matmul %slice3A, %slice3A_88, %dot_general3A_89 {dimension_numbers = #tpu.dot_dimension_numbers<[1], [1], [0], [0], [0, 0, 1, 0], [], []>, transpose_lhs_hint = false} : vector<64x128xf32>, vector<64x128xf32>, vector<64x64xf32> -> vector<64x64xf32>
    %dot_general3A_91 = arith.constant dense<0.000000e+00> : vector<64x64xf32>
    %dot_general3A_92 = tpu.matmul %slice3A_5, %slice3A_88, %dot_general3A_91 {dimension_numbers = #tpu.dot_dimension_numbers<[1], [1], [0], [0], [0, 0, 1, 0], [], []>, transpose_lhs_hint = false} : vector<64x128xf32>, vector<64x128xf32>, vector<64x64xf32> -> vector<64x64xf32>
    %concatenate3A_93 = tpu.concatenate %dot_general3A_90, %dot_general3A_92 in 1 : vector<64x64xf32>, vector<64x64xf32> -> vector<64x128xf32>
    %slice3A_94 = vector.extract_strided_slice %get3A_1 {offsets = [0, 1920], sizes = [64, 128], strides = [1, 1]} : vector<64x16384xf32> to vector<64x128xf32>
    %dot_general3A_95 = arith.constant dense<0.000000e+00> : vector<64x64xf32>
    %dot_general3A_96 = tpu.matmul %slice3A, %slice3A_94, %dot_general3A_95 {dimension_numbers = #tpu.dot_dimension_numbers<[1], [1], [0], [0], [0, 0, 1, 0], [], []>, transpose_lhs_hint = false} : vector<64x128xf32>, vector<64x128xf32>, vector<64x64xf32> -> vector<64x64xf32>
    %dot_general3A_97 = arith.constant dense<0.000000e+00> : vector<64x64xf32>
    %dot_general3A_98 = tpu.matmul %slice3A_5, %slice3A_94, %dot_general3A_97 {dimension_numbers = #tpu.dot_dimension_numbers<[1], [1], [0], [0], [0, 0, 1, 0], [], []>, transpose_lhs_hint = false} : vector<64x128xf32>, vector<64x128xf32>, vector<64x64xf32> -> vector<64x64xf32>
    %concatenate3A_99 = tpu.concatenate %dot_general3A_96, %dot_general3A_98 in 1 : vector<64x64xf32>, vector<64x64xf32> -> vector<64x128xf32>
    %slice3A_100 = vector.extract_strided_slice %get3A_1 {offsets = [0, 2048], sizes = [64, 128], strides = [1, 1]} : vector<64x16384xf32> to vector<64x128xf32>
    %dot_general3A_101 = arith.constant dense<0.000000e+00> : vector<64x64xf32>
    %dot_general3A_102 = tpu.matmul %slice3A, %slice3A_100, %dot_general3A_101 {dimension_numbers = #tpu.dot_dimension_numbers<[1], [1], [0], [0], [0, 0, 1, 0], [], []>, transpose_lhs_hint = false} : vector<64x128xf32>, vector<64x128xf32>, vector<64x64xf32> -> vector<64x64xf32>
    %dot_general3A_103 = arith.constant dense<0.000000e+00> : vector<64x64xf32>
    %dot_general3A_104 = tpu.matmul %slice3A_5, %slice3A_100, %dot_general3A_103 {dimension_numbers = #tpu.dot_dimension_numbers<[1], [1], [0], [0], [0, 0, 1, 0], [], []>, transpose_lhs_hint = false} : vector<64x128xf32>, vector<64x128xf32>, vector<64x64xf32> -> vector<64x64xf32>
    %concatenate3A_105 = tpu.concatenate %dot_general3A_102, %dot_general3A_104 in 1 : vector<64x64xf32>, vector<64x64xf32> -> vector<64x128xf32>
    %slice3A_106 = vector.extract_strided_slice %get3A_1 {offsets = [0, 2176], sizes = [64, 128], strides = [1, 1]} : vector<64x16384xf32> to vector<64x128xf32>
    %dot_general3A_107 = arith.constant dense<0.000000e+00> : vector<64x64xf32>
    %dot_general3A_108 = tpu.matmul %slice3A, %slice3A_106, %dot_general3A_107 {dimension_numbers = #tpu.dot_dimension_numbers<[1], [1], [0], [0], [0, 0, 1, 0], [], []>, transpose_lhs_hint = false} : vector<64x128xf32>, vector<64x128xf32>, vector<64x64xf32> -> vector<64x64xf32>
    %dot_general3A_109 = arith.constant dense<0.000000e+00> : vector<64x64xf32>
    %dot_general3A_110 = tpu.matmul %slice3A_5, %slice3A_106, %dot_general3A_109 {dimension_numbers = #tpu.dot_dimension_numbers<[1], [1], [0], [0], [0, 0, 1, 0], [], []>, transpose_lhs_hint = false} : vector<64x128xf32>, vector<64x128xf32>, vector<64x64xf32> -> vector<64x64xf32>
    %concatenate3A_111 = tpu.concatenate %dot_general3A_108, %dot_general3A_110 in 1 : vector<64x64xf32>, vector<64x64xf32> -> vector<64x128xf32>
    %slice3A_112 = vector.extract_strided_slice %get3A_1 {offsets = [0, 2304], sizes = [64, 128], strides = [1, 1]} : vector<64x16384xf32> to vector<64x128xf32>
    %dot_general3A_113 = arith.constant dense<0.000000e+00> : vector<64x64xf32>
    %dot_general3A_114 = tpu.matmul %slice3A, %slice3A_112, %dot_general3A_113 {dimension_numbers = #tpu.dot_dimension_numbers<[1], [1], [0], [0], [0, 0, 1, 0], [], []>, transpose_lhs_hint = false} : vector<64x128xf32>, vector<64x128xf32>, vector<64x64xf32> -> vector<64x64xf32>
    %dot_general3A_115 = arith.constant dense<0.000000e+00> : vector<64x64xf32>
    %dot_general3A_116 = tpu.matmul %slice3A_5, %slice3A_112, %dot_general3A_115 {dimension_numbers = #tpu.dot_dimension_numbers<[1], [1], [0], [0], [0, 0, 1, 0], [], []>, transpose_lhs_hint = false} : vector<64x128xf32>, vector<64x128xf32>, vector<64x64xf32> -> vector<64x64xf32>
    %concatenate3A_117 = tpu.concatenate %dot_general3A_114, %dot_general3A_116 in 1 : vector<64x64xf32>, vector<64x64xf32> -> vector<64x128xf32>
    %slice3A_118 = vector.extract_strided_slice %get3A_1 {offsets = [0, 2432], sizes = [64, 128], strides = [1, 1]} : vector<64x16384xf32> to vector<64x128xf32>
    %dot_general3A_119 = arith.constant dense<0.000000e+00> : vector<64x64xf32>
    %dot_general3A_120 = tpu.matmul %slice3A, %slice3A_118, %dot_general3A_119 {dimension_numbers = #tpu.dot_dimension_numbers<[1], [1], [0], [0], [0, 0, 1, 0], [], []>, transpose_lhs_hint = false} : vector<64x128xf32>, vector<64x128xf32>, vector<64x64xf32> -> vector<64x64xf32>
    %dot_general3A_121 = arith.constant dense<0.000000e+00> : vector<64x64xf32>
    %dot_general3A_122 = tpu.matmul %slice3A_5, %slice3A_118, %dot_general3A_121 {dimension_numbers = #tpu.dot_dimension_numbers<[1], [1], [0], [0], [0, 0, 1, 0], [], []>, transpose_lhs_hint = false} : vector<64x128xf32>, vector<64x128xf32>, vector<64x64xf32> -> vector<64x64xf32>
    %concatenate3A_123 = tpu.concatenate %dot_general3A_120, %dot_general3A_122 in 1 : vector<64x64xf32>, vector<64x64xf32> -> vector<64x128xf32>
    %slice3A_124 = vector.extract_strided_slice %get3A_1 {offsets = [0, 2560], sizes = [64, 128], strides = [1, 1]} : vector<64x16384xf32> to vector<64x128xf32>
    %dot_general3A_125 = arith.constant dense<0.000000e+00> : vector<64x64xf32>
    %dot_general3A_126 = tpu.matmul %slice3A, %slice3A_124, %dot_general3A_125 {dimension_numbers = #tpu.dot_dimension_numbers<[1], [1], [0], [0], [0, 0, 1, 0], [], []>, transpose_lhs_hint = false} : vector<64x128xf32>, vector<64x128xf32>, vector<64x64xf32> -> vector<64x64xf32>
    %dot_general3A_127 = arith.constant dense<0.000000e+00> : vector<64x64xf32>
    %dot_general3A_128 = tpu.matmul %slice3A_5, %slice3A_124, %dot_general3A_127 {dimension_numbers = #tpu.dot_dimension_numbers<[1], [1], [0], [0], [0, 0, 1, 0], [], []>, transpose_lhs_hint = false} : vector<64x128xf32>, vector<64x128xf32>, vector<64x64xf32> -> vector<64x64xf32>
    %concatenate3A_129 = tpu.concatenate %dot_general3A_126, %dot_general3A_128 in 1 : vector<64x64xf32>, vector<64x64xf32> -> vector<64x128xf32>
    %slice3A_130 = vector.extract_strided_slice %get3A_1 {offsets = [0, 2688], sizes = [64, 128], strides = [1, 1]} : vector<64x16384xf32> to vector<64x128xf32>
    %dot_general3A_131 = arith.constant dense<0.000000e+00> : vector<64x64xf32>
    %dot_general3A_132 = tpu.matmul %slice3A, %slice3A_130, %dot_general3A_131 {dimension_numbers = #tpu.dot_dimension_numbers<[1], [1], [0], [0], [0, 0, 1, 0], [], []>, transpose_lhs_hint = false} : vector<64x128xf32>, vector<64x128xf32>, vector<64x64xf32> -> vector<64x64xf32>
    %dot_general3A_133 = arith.constant dense<0.000000e+00> : vector<64x64xf32>
    %dot_general3A_134 = tpu.matmul %slice3A_5, %slice3A_130, %dot_general3A_133 {dimension_numbers = #tpu.dot_dimension_numbers<[1], [1], [0], [0], [0, 0, 1, 0], [], []>, transpose_lhs_hint = false} : vector<64x128xf32>, vector<64x128xf32>, vector<64x64xf32> -> vector<64x64xf32>
    %concatenate3A_135 = tpu.concatenate %dot_general3A_132, %dot_general3A_134 in 1 : vector<64x64xf32>, vector<64x64xf32> -> vector<64x128xf32>
    %slice3A_136 = vector.extract_strided_slice %get3A_1 {offsets = [0, 2816], sizes = [64, 128], strides = [1, 1]} : vector<64x16384xf32> to vector<64x128xf32>
    %dot_general3A_137 = arith.constant dense<0.000000e+00> : vector<64x64xf32>
    %dot_general3A_138 = tpu.matmul %slice3A, %slice3A_136, %dot_general3A_137 {dimension_numbers = #tpu.dot_dimension_numbers<[1], [1], [0], [0], [0, 0, 1, 0], [], []>, transpose_lhs_hint = false} : vector<64x128xf32>, vector<64x128xf32>, vector<64x64xf32> -> vector<64x64xf32>
    %dot_general3A_139 = arith.constant dense<0.000000e+00> : vector<64x64xf32>
    %dot_general3A_140 = tpu.matmul %slice3A_5, %slice3A_136, %dot_general3A_139 {dimension_numbers = #tpu.dot_dimension_numbers<[1], [1], [0], [0], [0, 0, 1, 0], [], []>, transpose_lhs_hint = false} : vector<64x128xf32>, vector<64x128xf32>, vector<64x64xf32> -> vector<64x64xf32>
    %concatenate3A_141 = tpu.concatenate %dot_general3A_138, %dot_general3A_140 in 1 : vector<64x64xf32>, vector<64x64xf32> -> vector<64x128xf32>
    %slice3A_142 = vector.extract_strided_slice %get3A_1 {offsets = [0, 2944], sizes = [64, 128], strides = [1, 1]} : vector<64x16384xf32> to vector<64x128xf32>
    %dot_general3A_143 = arith.constant dense<0.000000e+00> : vector<64x64xf32>
    %dot_general3A_144 = tpu.matmul %slice3A, %slice3A_142, %dot_general3A_143 {dimension_numbers = #tpu.dot_dimension_numbers<[1], [1], [0], [0], [0, 0, 1, 0], [], []>, transpose_lhs_hint = false} : vector<64x128xf32>, vector<64x128xf32>, vector<64x64xf32> -> vector<64x64xf32>
    %dot_general3A_145 = arith.constant dense<0.000000e+00> : vector<64x64xf32>
    %dot_general3A_146 = tpu.matmul %slice3A_5, %slice3A_142, %dot_general3A_145 {dimension_numbers = #tpu.dot_dimension_numbers<[1], [1], [0], [0], [0, 0, 1, 0], [], []>, transpose_lhs_hint = false} : vector<64x128xf32>, vector<64x128xf32>, vector<64x64xf32> -> vector<64x64xf32>
    %concatenate3A_147 = tpu.concatenate %dot_general3A_144, %dot_general3A_146 in 1 : vector<64x64xf32>, vector<64x64xf32> -> vector<64x128xf32>
    %slice3A_148 = vector.extract_strided_slice %get3A_1 {offsets = [0, 3072], sizes = [64, 128], strides = [1, 1]} : vector<64x16384xf32> to vector<64x128xf32>
    %dot_general3A_149 = arith.constant dense<0.000000e+00> : vector<64x64xf32>
    %dot_general3A_150 = tpu.matmul %slice3A, %slice3A_148, %dot_general3A_149 {dimension_numbers = #tpu.dot_dimension_numbers<[1], [1], [0], [0], [0, 0, 1, 0], [], []>, transpose_lhs_hint = false} : vector<64x128xf32>, vector<64x128xf32>, vector<64x64xf32> -> vector<64x64xf32>
    %dot_general3A_151 = arith.constant dense<0.000000e+00> : vector<64x64xf32>
    %dot_general3A_152 = tpu.matmul %slice3A_5, %slice3A_148, %dot_general3A_151 {dimension_numbers = #tpu.dot_dimension_numbers<[1], [1], [0], [0], [0, 0, 1, 0], [], []>, transpose_lhs_hint = false} : vector<64x128xf32>, vector<64x128xf32>, vector<64x64xf32> -> vector<64x64xf32>
    %concatenate3A_153 = tpu.concatenate %dot_general3A_150, %dot_general3A_152 in 1 : vector<64x64xf32>, vector<64x64xf32> -> vector<64x128xf32>
    %slice3A_154 = vector.extract_strided_slice %get3A_1 {offsets = [0, 3200], sizes = [64, 128], strides = [1, 1]} : vector<64x16384xf32> to vector<64x128xf32>
    %dot_general3A_155 = arith.constant dense<0.000000e+00> : vector<64x64xf32>
    %dot_general3A_156 = tpu.matmul %slice3A, %slice3A_154, %dot_general3A_155 {dimension_numbers = #tpu.dot_dimension_numbers<[1], [1], [0], [0], [0, 0, 1, 0], [], []>, transpose_lhs_hint = false} : vector<64x128xf32>, vector<64x128xf32>, vector<64x64xf32> -> vector<64x64xf32>
    %dot_general3A_157 = arith.constant dense<0.000000e+00> : vector<64x64xf32>
    %dot_general3A_158 = tpu.matmul %slice3A_5, %slice3A_154, %dot_general3A_157 {dimension_numbers = #tpu.dot_dimension_numbers<[1], [1], [0], [0], [0, 0, 1, 0], [], []>, transpose_lhs_hint = false} : vector<64x128xf32>, vector<64x128xf32>, vector<64x64xf32> -> vector<64x64xf32>
    %concatenate3A_159 = tpu.concatenate %dot_general3A_156, %dot_general3A_158 in 1 : vector<64x64xf32>, vector<64x64xf32> -> vector<64x128xf32>
    %slice3A_160 = vector.extract_strided_slice %get3A_1 {offsets = [0, 3328], sizes = [64, 128], strides = [1, 1]} : vector<64x16384xf32> to vector<64x128xf32>
    %dot_general3A_161 = arith.constant dense<0.000000e+00> : vector<64x64xf32>
    %dot_general3A_162 = tpu.matmul %slice3A, %slice3A_160, %dot_general3A_161 {dimension_numbers = #tpu.dot_dimension_numbers<[1], [1], [0], [0], [0, 0, 1, 0], [], []>, transpose_lhs_hint = false} : vector<64x128xf32>, vector<64x128xf32>, vector<64x64xf32> -> vector<64x64xf32>
    %dot_general3A_163 = arith.constant dense<0.000000e+00> : vector<64x64xf32>
    %dot_general3A_164 = tpu.matmul %slice3A_5, %slice3A_160, %dot_general3A_163 {dimension_numbers = #tpu.dot_dimension_numbers<[1], [1], [0], [0], [0, 0, 1, 0], [], []>, transpose_lhs_hint = false} : vector<64x128xf32>, vector<64x128xf32>, vector<64x64xf32> -> vector<64x64xf32>
    %concatenate3A_165 = tpu.concatenate %dot_general3A_162, %dot_general3A_164 in 1 : vector<64x64xf32>, vector<64x64xf32> -> vector<64x128xf32>
    %slice3A_166 = vector.extract_strided_slice %get3A_1 {offsets = [0, 3456], sizes = [64, 128], strides = [1, 1]} : vector<64x16384xf32> to vector<64x128xf32>
    %dot_general3A_167 = arith.constant dense<0.000000e+00> : vector<64x64xf32>
    %dot_general3A_168 = tpu.matmul %slice3A, %slice3A_166, %dot_general3A_167 {dimension_numbers = #tpu.dot_dimension_numbers<[1], [1], [0], [0], [0, 0, 1, 0], [], []>, transpose_lhs_hint = false} : vector<64x128xf32>, vector<64x128xf32>, vector<64x64xf32> -> vector<64x64xf32>
    %dot_general3A_169 = arith.constant dense<0.000000e+00> : vector<64x64xf32>
    %dot_general3A_170 = tpu.matmul %slice3A_5, %slice3A_166, %dot_general3A_169 {dimension_numbers = #tpu.dot_dimension_numbers<[1], [1], [0], [0], [0, 0, 1, 0], [], []>, transpose_lhs_hint = false} : vector<64x128xf32>, vector<64x128xf32>, vector<64x64xf32> -> vector<64x64xf32>
    %concatenate3A_171 = tpu.concatenate %dot_general3A_168, %dot_general3A_170 in 1 : vector<64x64xf32>, vector<64x64xf32> -> vector<64x128xf32>
    %slice3A_172 = vector.extract_strided_slice %get3A_1 {offsets = [0, 3584], sizes = [64, 128], strides = [1, 1]} : vector<64x16384xf32> to vector<64x128xf32>
    %dot_general3A_173 = arith.constant dense<0.000000e+00> : vector<64x64xf32>
    %dot_general3A_174 = tpu.matmul %slice3A, %slice3A_172, %dot_general3A_173 {dimension_numbers = #tpu.dot_dimension_numbers<[1], [1], [0], [0], [0, 0, 1, 0], [], []>, transpose_lhs_hint = false} : vector<64x128xf32>, vector<64x128xf32>, vector<64x64xf32> -> vector<64x64xf32>
    %dot_general3A_175 = arith.constant dense<0.000000e+00> : vector<64x64xf32>
    %dot_general3A_176 = tpu.matmul %slice3A_5, %slice3A_172, %dot_general3A_175 {dimension_numbers = #tpu.dot_dimension_numbers<[1], [1], [0], [0], [0, 0, 1, 0], [], []>, transpose_lhs_hint = false} : vector<64x128xf32>, vector<64x128xf32>, vector<64x64xf32> -> vector<64x64xf32>
    %concatenate3A_177 = tpu.concatenate %dot_general3A_174, %dot_general3A_176 in 1 : vector<64x64xf32>, vector<64x64xf32> -> vector<64x128xf32>
    %slice3A_178 = vector.extract_strided_slice %get3A_1 {offsets = [0, 3712], sizes = [64, 128], strides = [1, 1]} : vector<64x16384xf32> to vector<64x128xf32>
    %dot_general3A_179 = arith.constant dense<0.000000e+00> : vector<64x64xf32>
    %dot_general3A_180 = tpu.matmul %slice3A, %slice3A_178, %dot_general3A_179 {dimension_numbers = #tpu.dot_dimension_numbers<[1], [1], [0], [0], [0, 0, 1, 0], [], []>, transpose_lhs_hint = false} : vector<64x128xf32>, vector<64x128xf32>, vector<64x64xf32> -> vector<64x64xf32>
    %dot_general3A_181 = arith.constant dense<0.000000e+00> : vector<64x64xf32>
    %dot_general3A_182 = tpu.matmul %slice3A_5, %slice3A_178, %dot_general3A_181 {dimension_numbers = #tpu.dot_dimension_numbers<[1], [1], [0], [0], [0, 0, 1, 0], [], []>, transpose_lhs_hint = false} : vector<64x128xf32>, vector<64x128xf32>, vector<64x64xf32> -> vector<64x64xf32>
    %concatenate3A_183 = tpu.concatenate %dot_general3A_180, %dot_general3A_182 in 1 : vector<64x64xf32>, vector<64x64xf32> -> vector<64x128xf32>
    %slice3A_184 = vector.extract_strided_slice %get3A_1 {offsets = [0, 3840], sizes = [64, 128], strides = [1, 1]} : vector<64x16384xf32> to vector<64x128xf32>
    %dot_general3A_185 = arith.constant dense<0.000000e+00> : vector<64x64xf32>
    %dot_general3A_186 = tpu.matmul %slice3A, %slice3A_184, %dot_general3A_185 {dimension_numbers = #tpu.dot_dimension_numbers<[1], [1], [0], [0], [0, 0, 1, 0], [], []>, transpose_lhs_hint = false} : vector<64x128xf32>, vector<64x128xf32>, vector<64x64xf32> -> vector<64x64xf32>
    %dot_general3A_187 = arith.constant dense<0.000000e+00> : vector<64x64xf32>
    %dot_general3A_188 = tpu.matmul %slice3A_5, %slice3A_184, %dot_general3A_187 {dimension_numbers = #tpu.dot_dimension_numbers<[1], [1], [0], [0], [0, 0, 1, 0], [], []>, transpose_lhs_hint = false} : vector<64x128xf32>, vector<64x128xf32>, vector<64x64xf32> -> vector<64x64xf32>
    %concatenate3A_189 = tpu.concatenate %dot_general3A_186, %dot_general3A_188 in 1 : vector<64x64xf32>, vector<64x64xf32> -> vector<64x128xf32>
    %slice3A_190 = vector.extract_strided_slice %get3A_1 {offsets = [0, 3968], sizes = [64, 128], strides = [1, 1]} : vector<64x16384xf32> to vector<64x128xf32>
    %dot_general3A_191 = arith.constant dense<0.000000e+00> : vector<64x64xf32>
    %dot_general3A_192 = tpu.matmul %slice3A, %slice3A_190, %dot_general3A_191 {dimension_numbers = #tpu.dot_dimension_numbers<[1], [1], [0], [0], [0, 0, 1, 0], [], []>, transpose_lhs_hint = false} : vector<64x128xf32>, vector<64x128xf32>, vector<64x64xf32> -> vector<64x64xf32>
    %dot_general3A_193 = arith.constant dense<0.000000e+00> : vector<64x64xf32>
    %dot_general3A_194 = tpu.matmul %slice3A_5, %slice3A_190, %dot_general3A_193 {dimension_numbers = #tpu.dot_dimension_numbers<[1], [1], [0], [0], [0, 0, 1, 0], [], []>, transpose_lhs_hint = false} : vector<64x128xf32>, vector<64x128xf32>, vector<64x64xf32> -> vector<64x64xf32>
    %concatenate3A_195 = tpu.concatenate %dot_general3A_192, %dot_general3A_194 in 1 : vector<64x64xf32>, vector<64x64xf32> -> vector<64x128xf32>
    %slice3A_196 = vector.extract_strided_slice %get3A_1 {offsets = [0, 4096], sizes = [64, 128], strides = [1, 1]} : vector<64x16384xf32> to vector<64x128xf32>
    %dot_general3A_197 = arith.constant dense<0.000000e+00> : vector<64x64xf32>
    %dot_general3A_198 = tpu.matmul %slice3A, %slice3A_196, %dot_general3A_197 {dimension_numbers = #tpu.dot_dimension_numbers<[1], [1], [0], [0], [0, 0, 1, 0], [], []>, transpose_lhs_hint = false} : vector<64x128xf32>, vector<64x128xf32>, vector<64x64xf32> -> vector<64x64xf32>
    %dot_general3A_199 = arith.constant dense<0.000000e+00> : vector<64x64xf32>
    %dot_general3A_200 = tpu.matmul %slice3A_5, %slice3A_196, %dot_general3A_199 {dimension_numbers = #tpu.dot_dimension_numbers<[1], [1], [0], [0], [0, 0, 1, 0], [], []>, transpose_lhs_hint = false} : vector<64x128xf32>, vector<64x128xf32>, vector<64x64xf32> -> vector<64x64xf32>
    %concatenate3A_201 = tpu.concatenate %dot_general3A_198, %dot_general3A_200 in 1 : vector<64x64xf32>, vector<64x64xf32> -> vector<64x128xf32>
    %slice3A_202 = vector.extract_strided_slice %get3A_1 {offsets = [0, 4224], sizes = [64, 128], strides = [1, 1]} : vector<64x16384xf32> to vector<64x128xf32>
    %dot_general3A_203 = arith.constant dense<0.000000e+00> : vector<64x64xf32>
    %dot_general3A_204 = tpu.matmul %slice3A, %slice3A_202, %dot_general3A_203 {dimension_numbers = #tpu.dot_dimension_numbers<[1], [1], [0], [0], [0, 0, 1, 0], [], []>, transpose_lhs_hint = false} : vector<64x128xf32>, vector<64x128xf32>, vector<64x64xf32> -> vector<64x64xf32>
    %dot_general3A_205 = arith.constant dense<0.000000e+00> : vector<64x64xf32>
    %dot_general3A_206 = tpu.matmul %slice3A_5, %slice3A_202, %dot_general3A_205 {dimension_numbers = #tpu.dot_dimension_numbers<[1], [1], [0], [0], [0, 0, 1, 0], [], []>, transpose_lhs_hint = false} : vector<64x128xf32>, vector<64x128xf32>, vector<64x64xf32> -> vector<64x64xf32>
    %concatenate3A_207 = tpu.concatenate %dot_general3A_204, %dot_general3A_206 in 1 : vector<64x64xf32>, vector<64x64xf32> -> vector<64x128xf32>
    %slice3A_208 = vector.extract_strided_slice %get3A_1 {offsets = [0, 4352], sizes = [64, 128], strides = [1, 1]} : vector<64x16384xf32> to vector<64x128xf32>
    %dot_general3A_209 = arith.constant dense<0.000000e+00> : vector<64x64xf32>
    %dot_general3A_210 = tpu.matmul %slice3A, %slice3A_208, %dot_general3A_209 {dimension_numbers = #tpu.dot_dimension_numbers<[1], [1], [0], [0], [0, 0, 1, 0], [], []>, transpose_lhs_hint = false} : vector<64x128xf32>, vector<64x128xf32>, vector<64x64xf32> -> vector<64x64xf32>
    %dot_general3A_211 = arith.constant dense<0.000000e+00> : vector<64x64xf32>
    %dot_general3A_212 = tpu.matmul %slice3A_5, %slice3A_208, %dot_general3A_211 {dimension_numbers = #tpu.dot_dimension_numbers<[1], [1], [0], [0], [0, 0, 1, 0], [], []>, transpose_lhs_hint = false} : vector<64x128xf32>, vector<64x128xf32>, vector<64x64xf32> -> vector<64x64xf32>
    %concatenate3A_213 = tpu.concatenate %dot_general3A_210, %dot_general3A_212 in 1 : vector<64x64xf32>, vector<64x64xf32> -> vector<64x128xf32>
    %slice3A_214 = vector.extract_strided_slice %get3A_1 {offsets = [0, 4480], sizes = [64, 128], strides = [1, 1]} : vector<64x16384xf32> to vector<64x128xf32>
    %dot_general3A_215 = arith.constant dense<0.000000e+00> : vector<64x64xf32>
    %dot_general3A_216 = tpu.matmul %slice3A, %slice3A_214, %dot_general3A_215 {dimension_numbers = #tpu.dot_dimension_numbers<[1], [1], [0], [0], [0, 0, 1, 0], [], []>, transpose_lhs_hint = false} : vector<64x128xf32>, vector<64x128xf32>, vector<64x64xf32> -> vector<64x64xf32>
    %dot_general3A_217 = arith.constant dense<0.000000e+00> : vector<64x64xf32>
    %dot_general3A_218 = tpu.matmul %slice3A_5, %slice3A_214, %dot_general3A_217 {dimension_numbers = #tpu.dot_dimension_numbers<[1], [1], [0], [0], [0, 0, 1, 0], [], []>, transpose_lhs_hint = false} : vector<64x128xf32>, vector<64x128xf32>, vector<64x64xf32> -> vector<64x64xf32>
    %concatenate3A_219 = tpu.concatenate %dot_general3A_216, %dot_general3A_218 in 1 : vector<64x64xf32>, vector<64x64xf32> -> vector<64x128xf32>
    %slice3A_220 = vector.extract_strided_slice %get3A_1 {offsets = [0, 4608], sizes = [64, 128], strides = [1, 1]} : vector<64x16384xf32> to vector<64x128xf32>
    %dot_general3A_221 = arith.constant dense<0.000000e+00> : vector<64x64xf32>
    %dot_general3A_222 = tpu.matmul %slice3A, %slice3A_220, %dot_general3A_221 {dimension_numbers = #tpu.dot_dimension_numbers<[1], [1], [0], [0], [0, 0, 1, 0], [], []>, transpose_lhs_hint = false} : vector<64x128xf32>, vector<64x128xf32>, vector<64x64xf32> -> vector<64x64xf32>
    %dot_general3A_223 = arith.constant dense<0.000000e+00> : vector<64x64xf32>
    %dot_general3A_224 = tpu.matmul %slice3A_5, %slice3A_220, %dot_general3A_223 {dimension_numbers = #tpu.dot_dimension_numbers<[1], [1], [0], [0], [0, 0, 1, 0], [], []>, transpose_lhs_hint = false} : vector<64x128xf32>, vector<64x128xf32>, vector<64x64xf32> -> vector<64x64xf32>
    %concatenate3A_225 = tpu.concatenate %dot_general3A_222, %dot_general3A_224 in 1 : vector<64x64xf32>, vector<64x64xf32> -> vector<64x128xf32>
    %slice3A_226 = vector.extract_strided_slice %get3A_1 {offsets = [0, 4736], sizes = [64, 128], strides = [1, 1]} : vector<64x16384xf32> to vector<64x128xf32>
    %dot_general3A_227 = arith.constant dense<0.000000e+00> : vector<64x64xf32>
    %dot_general3A_228 = tpu.matmul %slice3A, %slice3A_226, %dot_general3A_227 {dimension_numbers = #tpu.dot_dimension_numbers<[1], [1], [0], [0], [0, 0, 1, 0], [], []>, transpose_lhs_hint = false} : vector<64x128xf32>, vector<64x128xf32>, vector<64x64xf32> -> vector<64x64xf32>
    %dot_general3A_229 = arith.constant dense<0.000000e+00> : vector<64x64xf32>
    %dot_general3A_230 = tpu.matmul %slice3A_5, %slice3A_226, %dot_general3A_229 {dimension_numbers = #tpu.dot_dimension_numbers<[1], [1], [0], [0], [0, 0, 1, 0], [], []>, transpose_lhs_hint = false} : vector<64x128xf32>, vector<64x128xf32>, vector<64x64xf32> -> vector<64x64xf32>
    %concatenate3A_231 = tpu.concatenate %dot_general3A_228, %dot_general3A_230 in 1 : vector<64x64xf32>, vector<64x64xf32> -> vector<64x128xf32>
    %slice3A_232 = vector.extract_strided_slice %get3A_1 {offsets = [0, 4864], sizes = [64, 128], strides = [1, 1]} : vector<64x16384xf32> to vector<64x128xf32>
    %dot_general3A_233 = arith.constant dense<0.000000e+00> : vector<64x64xf32>
    %dot_general3A_234 = tpu.matmul %slice3A, %slice3A_232, %dot_general3A_233 {dimension_numbers = #tpu.dot_dimension_numbers<[1], [1], [0], [0], [0, 0, 1, 0], [], []>, transpose_lhs_hint = false} : vector<64x128xf32>, vector<64x128xf32>, vector<64x64xf32> -> vector<64x64xf32>
    %dot_general3A_235 = arith.constant dense<0.000000e+00> : vector<64x64xf32>
    %dot_general3A_236 = tpu.matmul %slice3A_5, %slice3A_232, %dot_general3A_235 {dimension_numbers = #tpu.dot_dimension_numbers<[1], [1], [0], [0], [0, 0, 1, 0], [], []>, transpose_lhs_hint = false} : vector<64x128xf32>, vector<64x128xf32>, vector<64x64xf32> -> vector<64x64xf32>
    %concatenate3A_237 = tpu.concatenate %dot_general3A_234, %dot_general3A_236 in 1 : vector<64x64xf32>, vector<64x64xf32> -> vector<64x128xf32>
    %slice3A_238 = vector.extract_strided_slice %get3A_1 {offsets = [0, 4992], sizes = [64, 128], strides = [1, 1]} : vector<64x16384xf32> to vector<64x128xf32>
    %dot_general3A_239 = arith.constant dense<0.000000e+00> : vector<64x64xf32>
    %dot_general3A_240 = tpu.matmul %slice3A, %slice3A_238, %dot_general3A_239 {dimension_numbers = #tpu.dot_dimension_numbers<[1], [1], [0], [0], [0, 0, 1, 0], [], []>, transpose_lhs_hint = false} : vector<64x128xf32>, vector<64x128xf32>, vector<64x64xf32> -> vector<64x64xf32>
    %dot_general3A_241 = arith.constant dense<0.000000e+00> : vector<64x64xf32>
    %dot_general3A_242 = tpu.matmul %slice3A_5, %slice3A_238, %dot_general3A_241 {dimension_numbers = #tpu.dot_dimension_numbers<[1], [1], [0], [0], [0, 0, 1, 0], [], []>, transpose_lhs_hint = false} : vector<64x128xf32>, vector<64x128xf32>, vector<64x64xf32> -> vector<64x64xf32>
    %concatenate3A_243 = tpu.concatenate %dot_general3A_240, %dot_general3A_242 in 1 : vector<64x64xf32>, vector<64x64xf32> -> vector<64x128xf32>
    %slice3A_244 = vector.extract_strided_slice %get3A_1 {offsets = [0, 5120], sizes = [64, 128], strides = [1, 1]} : vector<64x16384xf32> to vector<64x128xf32>
    %dot_general3A_245 = arith.constant dense<0.000000e+00> : vector<64x64xf32>
    %dot_general3A_246 = tpu.matmul %slice3A, %slice3A_244, %dot_general3A_245 {dimension_numbers = #tpu.dot_dimension_numbers<[1], [1], [0], [0], [0, 0, 1, 0], [], []>, transpose_lhs_hint = false} : vector<64x128xf32>, vector<64x128xf32>, vector<64x64xf32> -> vector<64x64xf32>
    %dot_general3A_247 = arith.constant dense<0.000000e+00> : vector<64x64xf32>
    %dot_general3A_248 = tpu.matmul %slice3A_5, %slice3A_244, %dot_general3A_247 {dimension_numbers = #tpu.dot_dimension_numbers<[1], [1], [0], [0], [0, 0, 1, 0], [], []>, transpose_lhs_hint = false} : vector<64x128xf32>, vector<64x128xf32>, vector<64x64xf32> -> vector<64x64xf32>
    %concatenate3A_249 = tpu.concatenate %dot_general3A_246, %dot_general3A_248 in 1 : vector<64x64xf32>, vector<64x64xf32> -> vector<64x128xf32>
    %slice3A_250 = vector.extract_strided_slice %get3A_1 {offsets = [0, 5248], sizes = [64, 128], strides = [1, 1]} : vector<64x16384xf32> to vector<64x128xf32>
    %dot_general3A_251 = arith.constant dense<0.000000e+00> : vector<64x64xf32>
    %dot_general3A_252 = tpu.matmul %slice3A, %slice3A_250, %dot_general3A_251 {dimension_numbers = #tpu.dot_dimension_numbers<[1], [1], [0], [0], [0, 0, 1, 0], [], []>, transpose_lhs_hint = false} : vector<64x128xf32>, vector<64x128xf32>, vector<64x64xf32> -> vector<64x64xf32>
    %dot_general3A_253 = arith.constant dense<0.000000e+00> : vector<64x64xf32>
    %dot_general3A_254 = tpu.matmul %slice3A_5, %slice3A_250, %dot_general3A_253 {dimension_numbers = #tpu.dot_dimension_numbers<[1], [1], [0], [0], [0, 0, 1, 0], [], []>, transpose_lhs_hint = false} : vector<64x128xf32>, vector<64x128xf32>, vector<64x64xf32> -> vector<64x64xf32>
    %concatenate3A_255 = tpu.concatenate %dot_general3A_252, %dot_general3A_254 in 1 : vector<64x64xf32>, vector<64x64xf32> -> vector<64x128xf32>
    %slice3A_256 = vector.extract_strided_slice %get3A_1 {offsets = [0, 5376], sizes = [64, 128], strides = [1, 1]} : vector<64x16384xf32> to vector<64x128xf32>
    %dot_general3A_257 = arith.constant dense<0.000000e+00> : vector<64x64xf32>
    %dot_general3A_258 = tpu.matmul %slice3A, %slice3A_256, %dot_general3A_257 {dimension_numbers = #tpu.dot_dimension_numbers<[1], [1], [0], [0], [0, 0, 1, 0], [], []>, transpose_lhs_hint = false} : vector<64x128xf32>, vector<64x128xf32>, vector<64x64xf32> -> vector<64x64xf32>
    %dot_general3A_259 = arith.constant dense<0.000000e+00> : vector<64x64xf32>
    %dot_general3A_260 = tpu.matmul %slice3A_5, %slice3A_256, %dot_general3A_259 {dimension_numbers = #tpu.dot_dimension_numbers<[1], [1], [0], [0], [0, 0, 1, 0], [], []>, transpose_lhs_hint = false} : vector<64x128xf32>, vector<64x128xf32>, vector<64x64xf32> -> vector<64x64xf32>
    %concatenate3A_261 = tpu.concatenate %dot_general3A_258, %dot_general3A_260 in 1 : vector<64x64xf32>, vector<64x64xf32> -> vector<64x128xf32>
    %slice3A_262 = vector.extract_strided_slice %get3A_1 {offsets = [0, 5504], sizes = [64, 128], strides = [1, 1]} : vector<64x16384xf32> to vector<64x128xf32>
    %dot_general3A_263 = arith.constant dense<0.000000e+00> : vector<64x64xf32>
    %dot_general3A_264 = tpu.matmul %slice3A, %slice3A_262, %dot_general3A_263 {dimension_numbers = #tpu.dot_dimension_numbers<[1], [1], [0], [0], [0, 0, 1, 0], [], []>, transpose_lhs_hint = false} : vector<64x128xf32>, vector<64x128xf32>, vector<64x64xf32> -> vector<64x64xf32>
    %dot_general3A_265 = arith.constant dense<0.000000e+00> : vector<64x64xf32>
    %dot_general3A_266 = tpu.matmul %slice3A_5, %slice3A_262, %dot_general3A_265 {dimension_numbers = #tpu.dot_dimension_numbers<[1], [1], [0], [0], [0, 0, 1, 0], [], []>, transpose_lhs_hint = false} : vector<64x128xf32>, vector<64x128xf32>, vector<64x64xf32> -> vector<64x64xf32>
    %concatenate3A_267 = tpu.concatenate %dot_general3A_264, %dot_general3A_266 in 1 : vector<64x64xf32>, vector<64x64xf32> -> vector<64x128xf32>
    %slice3A_268 = vector.extract_strided_slice %get3A_1 {offsets = [0, 5632], sizes = [64, 128], strides = [1, 1]} : vector<64x16384xf32> to vector<64x128xf32>
    %dot_general3A_269 = arith.constant dense<0.000000e+00> : vector<64x64xf32>
    %dot_general3A_270 = tpu.matmul %slice3A, %slice3A_268, %dot_general3A_269 {dimension_numbers = #tpu.dot_dimension_numbers<[1], [1], [0], [0], [0, 0, 1, 0], [], []>, transpose_lhs_hint = false} : vector<64x128xf32>, vector<64x128xf32>, vector<64x64xf32> -> vector<64x64xf32>
    %dot_general3A_271 = arith.constant dense<0.000000e+00> : vector<64x64xf32>
    %dot_general3A_272 = tpu.matmul %slice3A_5, %slice3A_268, %dot_general3A_271 {dimension_numbers = #tpu.dot_dimension_numbers<[1], [1], [0], [0], [0, 0, 1, 0], [], []>, transpose_lhs_hint = false} : vector<64x128xf32>, vector<64x128xf32>, vector<64x64xf32> -> vector<64x64xf32>
    %concatenate3A_273 = tpu.concatenate %dot_general3A_270, %dot_general3A_272 in 1 : vector<64x64xf32>, vector<64x64xf32> -> vector<64x128xf32>
    %slice3A_274 = vector.extract_strided_slice %get3A_1 {offsets = [0, 5760], sizes = [64, 128], strides = [1, 1]} : vector<64x16384xf32> to vector<64x128xf32>
    %dot_general3A_275 = arith.constant dense<0.000000e+00> : vector<64x64xf32>
    %dot_general3A_276 = tpu.matmul %slice3A, %slice3A_274, %dot_general3A_275 {dimension_numbers = #tpu.dot_dimension_numbers<[1], [1], [0], [0], [0, 0, 1, 0], [], []>, transpose_lhs_hint = false} : vector<64x128xf32>, vector<64x128xf32>, vector<64x64xf32> -> vector<64x64xf32>
    %dot_general3A_277 = arith.constant dense<0.000000e+00> : vector<64x64xf32>
    %dot_general3A_278 = tpu.matmul %slice3A_5, %slice3A_274, %dot_general3A_277 {dimension_numbers = #tpu.dot_dimension_numbers<[1], [1], [0], [0], [0, 0, 1, 0], [], []>, transpose_lhs_hint = false} : vector<64x128xf32>, vector<64x128xf32>, vector<64x64xf32> -> vector<64x64xf32>
    %concatenate3A_279 = tpu.concatenate %dot_general3A_276, %dot_general3A_278 in 1 : vector<64x64xf32>, vector<64x64xf32> -> vector<64x128xf32>
    %slice3A_280 = vector.extract_strided_slice %get3A_1 {offsets = [0, 5888], sizes = [64, 128], strides = [1, 1]} : vector<64x16384xf32> to vector<64x128xf32>
    %dot_general3A_281 = arith.constant dense<0.000000e+00> : vector<64x64xf32>
    %dot_general3A_282 = tpu.matmul %slice3A, %slice3A_280, %dot_general3A_281 {dimension_numbers = #tpu.dot_dimension_numbers<[1], [1], [0], [0], [0, 0, 1, 0], [], []>, transpose_lhs_hint = false} : vector<64x128xf32>, vector<64x128xf32>, vector<64x64xf32> -> vector<64x64xf32>
    %dot_general3A_283 = arith.constant dense<0.000000e+00> : vector<64x64xf32>
    %dot_general3A_284 = tpu.matmul %slice3A_5, %slice3A_280, %dot_general3A_283 {dimension_numbers = #tpu.dot_dimension_numbers<[1], [1], [0], [0], [0, 0, 1, 0], [], []>, transpose_lhs_hint = false} : vector<64x128xf32>, vector<64x128xf32>, vector<64x64xf32> -> vector<64x64xf32>
    %concatenate3A_285 = tpu.concatenate %dot_general3A_282, %dot_general3A_284 in 1 : vector<64x64xf32>, vector<64x64xf32> -> vector<64x128xf32>
    %slice3A_286 = vector.extract_strided_slice %get3A_1 {offsets = [0, 6016], sizes = [64, 128], strides = [1, 1]} : vector<64x16384xf32> to vector<64x128xf32>
    %dot_general3A_287 = arith.constant dense<0.000000e+00> : vector<64x64xf32>
    %dot_general3A_288 = tpu.matmul %slice3A, %slice3A_286, %dot_general3A_287 {dimension_numbers = #tpu.dot_dimension_numbers<[1], [1], [0], [0], [0, 0, 1, 0], [], []>, transpose_lhs_hint = false} : vector<64x128xf32>, vector<64x128xf32>, vector<64x64xf32> -> vector<64x64xf32>
    %dot_general3A_289 = arith.constant dense<0.000000e+00> : vector<64x64xf32>
    %dot_general3A_290 = tpu.matmul %slice3A_5, %slice3A_286, %dot_general3A_289 {dimension_numbers = #tpu.dot_dimension_numbers<[1], [1], [0], [0], [0, 0, 1, 0], [], []>, transpose_lhs_hint = false} : vector<64x128xf32>, vector<64x128xf32>, vector<64x64xf32> -> vector<64x64xf32>
    %concatenate3A_291 = tpu.concatenate %dot_general3A_288, %dot_general3A_290 in 1 : vector<64x64xf32>, vector<64x64xf32> -> vector<64x128xf32>
    %slice3A_292 = vector.extract_strided_slice %get3A_1 {offsets = [0, 6144], sizes = [64, 128], strides = [1, 1]} : vector<64x16384xf32> to vector<64x128xf32>
    %dot_general3A_293 = arith.constant dense<0.000000e+00> : vector<64x64xf32>
    %dot_general3A_294 = tpu.matmul %slice3A, %slice3A_292, %dot_general3A_293 {dimension_numbers = #tpu.dot_dimension_numbers<[1], [1], [0], [0], [0, 0, 1, 0], [], []>, transpose_lhs_hint = false} : vector<64x128xf32>, vector<64x128xf32>, vector<64x64xf32> -> vector<64x64xf32>
    %dot_general3A_295 = arith.constant dense<0.000000e+00> : vector<64x64xf32>
    %dot_general3A_296 = tpu.matmul %slice3A_5, %slice3A_292, %dot_general3A_295 {dimension_numbers = #tpu.dot_dimension_numbers<[1], [1], [0], [0], [0, 0, 1, 0], [], []>, transpose_lhs_hint = false} : vector<64x128xf32>, vector<64x128xf32>, vector<64x64xf32> -> vector<64x64xf32>
    %concatenate3A_297 = tpu.concatenate %dot_general3A_294, %dot_general3A_296 in 1 : vector<64x64xf32>, vector<64x64xf32> -> vector<64x128xf32>
    %slice3A_298 = vector.extract_strided_slice %get3A_1 {offsets = [0, 6272], sizes = [64, 128], strides = [1, 1]} : vector<64x16384xf32> to vector<64x128xf32>
    %dot_general3A_299 = arith.constant dense<0.000000e+00> : vector<64x64xf32>
    %dot_general3A_300 = tpu.matmul %slice3A, %slice3A_298, %dot_general3A_299 {dimension_numbers = #tpu.dot_dimension_numbers<[1], [1], [0], [0], [0, 0, 1, 0], [], []>, transpose_lhs_hint = false} : vector<64x128xf32>, vector<64x128xf32>, vector<64x64xf32> -> vector<64x64xf32>
    %dot_general3A_301 = arith.constant dense<0.000000e+00> : vector<64x64xf32>
    %dot_general3A_302 = tpu.matmul %slice3A_5, %slice3A_298, %dot_general3A_301 {dimension_numbers = #tpu.dot_dimension_numbers<[1], [1], [0], [0], [0, 0, 1, 0], [], []>, transpose_lhs_hint = false} : vector<64x128xf32>, vector<64x128xf32>, vector<64x64xf32> -> vector<64x64xf32>
    %concatenate3A_303 = tpu.concatenate %dot_general3A_300, %dot_general3A_302 in 1 : vector<64x64xf32>, vector<64x64xf32> -> vector<64x128xf32>
    %slice3A_304 = vector.extract_strided_slice %get3A_1 {offsets = [0, 6400], sizes = [64, 128], strides = [1, 1]} : vector<64x16384xf32> to vector<64x128xf32>
    %dot_general3A_305 = arith.constant dense<0.000000e+00> : vector<64x64xf32>
    %dot_general3A_306 = tpu.matmul %slice3A, %slice3A_304, %dot_general3A_305 {dimension_numbers = #tpu.dot_dimension_numbers<[1], [1], [0], [0], [0, 0, 1, 0], [], []>, transpose_lhs_hint = false} : vector<64x128xf32>, vector<64x128xf32>, vector<64x64xf32> -> vector<64x64xf32>
    %dot_general3A_307 = arith.constant dense<0.000000e+00> : vector<64x64xf32>
    %dot_general3A_308 = tpu.matmul %slice3A_5, %slice3A_304, %dot_general3A_307 {dimension_numbers = #tpu.dot_dimension_numbers<[1], [1], [0], [0], [0, 0, 1, 0], [], []>, transpose_lhs_hint = false} : vector<64x128xf32>, vector<64x128xf32>, vector<64x64xf32> -> vector<64x64xf32>
    %concatenate3A_309 = tpu.concatenate %dot_general3A_306, %dot_general3A_308 in 1 : vector<64x64xf32>, vector<64x64xf32> -> vector<64x128xf32>
    %slice3A_310 = vector.extract_strided_slice %get3A_1 {offsets = [0, 6528], sizes = [64, 128], strides = [1, 1]} : vector<64x16384xf32> to vector<64x128xf32>
    %dot_general3A_311 = arith.constant dense<0.000000e+00> : vector<64x64xf32>
    %dot_general3A_312 = tpu.matmul %slice3A, %slice3A_310, %dot_general3A_311 {dimension_numbers = #tpu.dot_dimension_numbers<[1], [1], [0], [0], [0, 0, 1, 0], [], []>, transpose_lhs_hint = false} : vector<64x128xf32>, vector<64x128xf32>, vector<64x64xf32> -> vector<64x64xf32>
    %dot_general3A_313 = arith.constant dense<0.000000e+00> : vector<64x64xf32>
    %dot_general3A_314 = tpu.matmul %slice3A_5, %slice3A_310, %dot_general3A_313 {dimension_numbers = #tpu.dot_dimension_numbers<[1], [1], [0], [0], [0, 0, 1, 0], [], []>, transpose_lhs_hint = false} : vector<64x128xf32>, vector<64x128xf32>, vector<64x64xf32> -> vector<64x64xf32>
    %concatenate3A_315 = tpu.concatenate %dot_general3A_312, %dot_general3A_314 in 1 : vector<64x64xf32>, vector<64x64xf32> -> vector<64x128xf32>
    %slice3A_316 = vector.extract_strided_slice %get3A_1 {offsets = [0, 6656], sizes = [64, 128], strides = [1, 1]} : vector<64x16384xf32> to vector<64x128xf32>
    %dot_general3A_317 = arith.constant dense<0.000000e+00> : vector<64x64xf32>
    %dot_general3A_318 = tpu.matmul %slice3A, %slice3A_316, %dot_general3A_317 {dimension_numbers = #tpu.dot_dimension_numbers<[1], [1], [0], [0], [0, 0, 1, 0], [], []>, transpose_lhs_hint = false} : vector<64x128xf32>, vector<64x128xf32>, vector<64x64xf32> -> vector<64x64xf32>
    %dot_general3A_319 = arith.constant dense<0.000000e+00> : vector<64x64xf32>
    %dot_general3A_320 = tpu.matmul %slice3A_5, %slice3A_316, %dot_general3A_319 {dimension_numbers = #tpu.dot_dimension_numbers<[1], [1], [0], [0], [0, 0, 1, 0], [], []>, transpose_lhs_hint = false} : vector<64x128xf32>, vector<64x128xf32>, vector<64x64xf32> -> vector<64x64xf32>
    %concatenate3A_321 = tpu.concatenate %dot_general3A_318, %dot_general3A_320 in 1 : vector<64x64xf32>, vector<64x64xf32> -> vector<64x128xf32>
    %slice3A_322 = vector.extract_strided_slice %get3A_1 {offsets = [0, 6784], sizes = [64, 128], strides = [1, 1]} : vector<64x16384xf32> to vector<64x128xf32>
    %dot_general3A_323 = arith.constant dense<0.000000e+00> : vector<64x64xf32>
    %dot_general3A_324 = tpu.matmul %slice3A, %slice3A_322, %dot_general3A_323 {dimension_numbers = #tpu.dot_dimension_numbers<[1], [1], [0], [0], [0, 0, 1, 0], [], []>, transpose_lhs_hint = false} : vector<64x128xf32>, vector<64x128xf32>, vector<64x64xf32> -> vector<64x64xf32>
    %dot_general3A_325 = arith.constant dense<0.000000e+00> : vector<64x64xf32>
    %dot_general3A_326 = tpu.matmul %slice3A_5, %slice3A_322, %dot_general3A_325 {dimension_numbers = #tpu.dot_dimension_numbers<[1], [1], [0], [0], [0, 0, 1, 0], [], []>, transpose_lhs_hint = false} : vector<64x128xf32>, vector<64x128xf32>, vector<64x64xf32> -> vector<64x64xf32>
    %concatenate3A_327 = tpu.concatenate %dot_general3A_324, %dot_general3A_326 in 1 : vector<64x64xf32>, vector<64x64xf32> -> vector<64x128xf32>
    %slice3A_328 = vector.extract_strided_slice %get3A_1 {offsets = [0, 6912], sizes = [64, 128], strides = [1, 1]} : vector<64x16384xf32> to vector<64x128xf32>
    %dot_general3A_329 = arith.constant dense<0.000000e+00> : vector<64x64xf32>
    %dot_general3A_330 = tpu.matmul %slice3A, %slice3A_328, %dot_general3A_329 {dimension_numbers = #tpu.dot_dimension_numbers<[1], [1], [0], [0], [0, 0, 1, 0], [], []>, transpose_lhs_hint = false} : vector<64x128xf32>, vector<64x128xf32>, vector<64x64xf32> -> vector<64x64xf32>
    %dot_general3A_331 = arith.constant dense<0.000000e+00> : vector<64x64xf32>
    %dot_general3A_332 = tpu.matmul %slice3A_5, %slice3A_328, %dot_general3A_331 {dimension_numbers = #tpu.dot_dimension_numbers<[1], [1], [0], [0], [0, 0, 1, 0], [], []>, transpose_lhs_hint = false} : vector<64x128xf32>, vector<64x128xf32>, vector<64x64xf32> -> vector<64x64xf32>
    %concatenate3A_333 = tpu.concatenate %dot_general3A_330, %dot_general3A_332 in 1 : vector<64x64xf32>, vector<64x64xf32> -> vector<64x128xf32>
    %slice3A_334 = vector.extract_strided_slice %get3A_1 {offsets = [0, 7040], sizes = [64, 128], strides = [1, 1]} : vector<64x16384xf32> to vector<64x128xf32>
    %dot_general3A_335 = arith.constant dense<0.000000e+00> : vector<64x64xf32>
    %dot_general3A_336 = tpu.matmul %slice3A, %slice3A_334, %dot_general3A_335 {dimension_numbers = #tpu.dot_dimension_numbers<[1], [1], [0], [0], [0, 0, 1, 0], [], []>, transpose_lhs_hint = false} : vector<64x128xf32>, vector<64x128xf32>, vector<64x64xf32> -> vector<64x64xf32>
    %dot_general3A_337 = arith.constant dense<0.000000e+00> : vector<64x64xf32>
    %dot_general3A_338 = tpu.matmul %slice3A_5, %slice3A_334, %dot_general3A_337 {dimension_numbers = #tpu.dot_dimension_numbers<[1], [1], [0], [0], [0, 0, 1, 0], [], []>, transpose_lhs_hint = false} : vector<64x128xf32>, vector<64x128xf32>, vector<64x64xf32> -> vector<64x64xf32>
    %concatenate3A_339 = tpu.concatenate %dot_general3A_336, %dot_general3A_338 in 1 : vector<64x64xf32>, vector<64x64xf32> -> vector<64x128xf32>
    %slice3A_340 = vector.extract_strided_slice %get3A_1 {offsets = [0, 7168], sizes = [64, 128], strides = [1, 1]} : vector<64x16384xf32> to vector<64x128xf32>
    %dot_general3A_341 = arith.constant dense<0.000000e+00> : vector<64x64xf32>
    %dot_general3A_342 = tpu.matmul %slice3A, %slice3A_340, %dot_general3A_341 {dimension_numbers = #tpu.dot_dimension_numbers<[1], [1], [0], [0], [0, 0, 1, 0], [], []>, transpose_lhs_hint = false} : vector<64x128xf32>, vector<64x128xf32>, vector<64x64xf32> -> vector<64x64xf32>
    %dot_general3A_343 = arith.constant dense<0.000000e+00> : vector<64x64xf32>
    %dot_general3A_344 = tpu.matmul %slice3A_5, %slice3A_340, %dot_general3A_343 {dimension_numbers = #tpu.dot_dimension_numbers<[1], [1], [0], [0], [0, 0, 1, 0], [], []>, transpose_lhs_hint = false} : vector<64x128xf32>, vector<64x128xf32>, vector<64x64xf32> -> vector<64x64xf32>
    %concatenate3A_345 = tpu.concatenate %dot_general3A_342, %dot_general3A_344 in 1 : vector<64x64xf32>, vector<64x64xf32> -> vector<64x128xf32>
    %slice3A_346 = vector.extract_strided_slice %get3A_1 {offsets = [0, 7296], sizes = [64, 128], strides = [1, 1]} : vector<64x16384xf32> to vector<64x128xf32>
    %dot_general3A_347 = arith.constant dense<0.000000e+00> : vector<64x64xf32>
    %dot_general3A_348 = tpu.matmul %slice3A, %slice3A_346, %dot_general3A_347 {dimension_numbers = #tpu.dot_dimension_numbers<[1], [1], [0], [0], [0, 0, 1, 0], [], []>, transpose_lhs_hint = false} : vector<64x128xf32>, vector<64x128xf32>, vector<64x64xf32> -> vector<64x64xf32>
    %dot_general3A_349 = arith.constant dense<0.000000e+00> : vector<64x64xf32>
    %dot_general3A_350 = tpu.matmul %slice3A_5, %slice3A_346, %dot_general3A_349 {dimension_numbers = #tpu.dot_dimension_numbers<[1], [1], [0], [0], [0, 0, 1, 0], [], []>, transpose_lhs_hint = false} : vector<64x128xf32>, vector<64x128xf32>, vector<64x64xf32> -> vector<64x64xf32>
    %concatenate3A_351 = tpu.concatenate %dot_general3A_348, %dot_general3A_350 in 1 : vector<64x64xf32>, vector<64x64xf32> -> vector<64x128xf32>
    %slice3A_352 = vector.extract_strided_slice %get3A_1 {offsets = [0, 7424], sizes = [64, 128], strides = [1, 1]} : vector<64x16384xf32> to vector<64x128xf32>
    %dot_general3A_353 = arith.constant dense<0.000000e+00> : vector<64x64xf32>
    %dot_general3A_354 = tpu.matmul %slice3A, %slice3A_352, %dot_general3A_353 {dimension_numbers = #tpu.dot_dimension_numbers<[1], [1], [0], [0], [0, 0, 1, 0], [], []>, transpose_lhs_hint = false} : vector<64x128xf32>, vector<64x128xf32>, vector<64x64xf32> -> vector<64x64xf32>
    %dot_general3A_355 = arith.constant dense<0.000000e+00> : vector<64x64xf32>
    %dot_general3A_356 = tpu.matmul %slice3A_5, %slice3A_352, %dot_general3A_355 {dimension_numbers = #tpu.dot_dimension_numbers<[1], [1], [0], [0], [0, 0, 1, 0], [], []>, transpose_lhs_hint = false} : vector<64x128xf32>, vector<64x128xf32>, vector<64x64xf32> -> vector<64x64xf32>
    %concatenate3A_357 = tpu.concatenate %dot_general3A_354, %dot_general3A_356 in 1 : vector<64x64xf32>, vector<64x64xf32> -> vector<64x128xf32>
    %slice3A_358 = vector.extract_strided_slice %get3A_1 {offsets = [0, 7552], sizes = [64, 128], strides = [1, 1]} : vector<64x16384xf32> to vector<64x128xf32>
    %dot_general3A_359 = arith.constant dense<0.000000e+00> : vector<64x64xf32>
    %dot_general3A_360 = tpu.matmul %slice3A, %slice3A_358, %dot_general3A_359 {dimension_numbers = #tpu.dot_dimension_numbers<[1], [1], [0], [0], [0, 0, 1, 0], [], []>, transpose_lhs_hint = false} : vector<64x128xf32>, vector<64x128xf32>, vector<64x64xf32> -> vector<64x64xf32>
    %dot_general3A_361 = arith.constant dense<0.000000e+00> : vector<64x64xf32>
    %dot_general3A_362 = tpu.matmul %slice3A_5, %slice3A_358, %dot_general3A_361 {dimension_numbers = #tpu.dot_dimension_numbers<[1], [1], [0], [0], [0, 0, 1, 0], [], []>, transpose_lhs_hint = false} : vector<64x128xf32>, vector<64x128xf32>, vector<64x64xf32> -> vector<64x64xf32>
    %concatenate3A_363 = tpu.concatenate %dot_general3A_360, %dot_general3A_362 in 1 : vector<64x64xf32>, vector<64x64xf32> -> vector<64x128xf32>
    %slice3A_364 = vector.extract_strided_slice %get3A_1 {offsets = [0, 7680], sizes = [64, 128], strides = [1, 1]} : vector<64x16384xf32> to vector<64x128xf32>
    %dot_general3A_365 = arith.constant dense<0.000000e+00> : vector<64x64xf32>
    %dot_general3A_366 = tpu.matmul %slice3A, %slice3A_364, %dot_general3A_365 {dimension_numbers = #tpu.dot_dimension_numbers<[1], [1], [0], [0], [0, 0, 1, 0], [], []>, transpose_lhs_hint = false} : vector<64x128xf32>, vector<64x128xf32>, vector<64x64xf32> -> vector<64x64xf32>
    %dot_general3A_367 = arith.constant dense<0.000000e+00> : vector<64x64xf32>
    %dot_general3A_368 = tpu.matmul %slice3A_5, %slice3A_364, %dot_general3A_367 {dimension_numbers = #tpu.dot_dimension_numbers<[1], [1], [0], [0], [0, 0, 1, 0], [], []>, transpose_lhs_hint = false} : vector<64x128xf32>, vector<64x128xf32>, vector<64x64xf32> -> vector<64x64xf32>
    %concatenate3A_369 = tpu.concatenate %dot_general3A_366, %dot_general3A_368 in 1 : vector<64x64xf32>, vector<64x64xf32> -> vector<64x128xf32>
    %slice3A_370 = vector.extract_strided_slice %get3A_1 {offsets = [0, 7808], sizes = [64, 128], strides = [1, 1]} : vector<64x16384xf32> to vector<64x128xf32>
    %dot_general3A_371 = arith.constant dense<0.000000e+00> : vector<64x64xf32>
    %dot_general3A_372 = tpu.matmul %slice3A, %slice3A_370, %dot_general3A_371 {dimension_numbers = #tpu.dot_dimension_numbers<[1], [1], [0], [0], [0, 0, 1, 0], [], []>, transpose_lhs_hint = false} : vector<64x128xf32>, vector<64x128xf32>, vector<64x64xf32> -> vector<64x64xf32>
    %dot_general3A_373 = arith.constant dense<0.000000e+00> : vector<64x64xf32>
    %dot_general3A_374 = tpu.matmul %slice3A_5, %slice3A_370, %dot_general3A_373 {dimension_numbers = #tpu.dot_dimension_numbers<[1], [1], [0], [0], [0, 0, 1, 0], [], []>, transpose_lhs_hint = false} : vector<64x128xf32>, vector<64x128xf32>, vector<64x64xf32> -> vector<64x64xf32>
    %concatenate3A_375 = tpu.concatenate %dot_general3A_372, %dot_general3A_374 in 1 : vector<64x64xf32>, vector<64x64xf32> -> vector<64x128xf32>
    %slice3A_376 = vector.extract_strided_slice %get3A_1 {offsets = [0, 7936], sizes = [64, 128], strides = [1, 1]} : vector<64x16384xf32> to vector<64x128xf32>
    %dot_general3A_377 = arith.constant dense<0.000000e+00> : vector<64x64xf32>
    %dot_general3A_378 = tpu.matmul %slice3A, %slice3A_376, %dot_general3A_377 {dimension_numbers = #tpu.dot_dimension_numbers<[1], [1], [0], [0], [0, 0, 1, 0], [], []>, transpose_lhs_hint = false} : vector<64x128xf32>, vector<64x128xf32>, vector<64x64xf32> -> vector<64x64xf32>
    %dot_general3A_379 = arith.constant dense<0.000000e+00> : vector<64x64xf32>
    %dot_general3A_380 = tpu.matmul %slice3A_5, %slice3A_376, %dot_general3A_379 {dimension_numbers = #tpu.dot_dimension_numbers<[1], [1], [0], [0], [0, 0, 1, 0], [], []>, transpose_lhs_hint = false} : vector<64x128xf32>, vector<64x128xf32>, vector<64x64xf32> -> vector<64x64xf32>
    %concatenate3A_381 = tpu.concatenate %dot_general3A_378, %dot_general3A_380 in 1 : vector<64x64xf32>, vector<64x64xf32> -> vector<64x128xf32>
    %slice3A_382 = vector.extract_strided_slice %get3A_1 {offsets = [0, 8064], sizes = [64, 128], strides = [1, 1]} : vector<64x16384xf32> to vector<64x128xf32>
    %dot_general3A_383 = arith.constant dense<0.000000e+00> : vector<64x64xf32>
    %dot_general3A_384 = tpu.matmul %slice3A, %slice3A_382, %dot_general3A_383 {dimension_numbers = #tpu.dot_dimension_numbers<[1], [1], [0], [0], [0, 0, 1, 0], [], []>, transpose_lhs_hint = false} : vector<64x128xf32>, vector<64x128xf32>, vector<64x64xf32> -> vector<64x64xf32>
    %dot_general3A_385 = arith.constant dense<0.000000e+00> : vector<64x64xf32>
    %dot_general3A_386 = tpu.matmul %slice3A_5, %slice3A_382, %dot_general3A_385 {dimension_numbers = #tpu.dot_dimension_numbers<[1], [1], [0], [0], [0, 0, 1, 0], [], []>, transpose_lhs_hint = false} : vector<64x128xf32>, vector<64x128xf32>, vector<64x64xf32> -> vector<64x64xf32>
    %concatenate3A_387 = tpu.concatenate %dot_general3A_384, %dot_general3A_386 in 1 : vector<64x64xf32>, vector<64x64xf32> -> vector<64x128xf32>
    %slice3A_388 = vector.extract_strided_slice %get3A_1 {offsets = [0, 8192], sizes = [64, 128], strides = [1, 1]} : vector<64x16384xf32> to vector<64x128xf32>
    %dot_general3A_389 = arith.constant dense<0.000000e+00> : vector<64x64xf32>
    %dot_general3A_390 = tpu.matmul %slice3A, %slice3A_388, %dot_general3A_389 {dimension_numbers = #tpu.dot_dimension_numbers<[1], [1], [0], [0], [0, 0, 1, 0], [], []>, transpose_lhs_hint = false} : vector<64x128xf32>, vector<64x128xf32>, vector<64x64xf32> -> vector<64x64xf32>
    %dot_general3A_391 = arith.constant dense<0.000000e+00> : vector<64x64xf32>
    %dot_general3A_392 = tpu.matmul %slice3A_5, %slice3A_388, %dot_general3A_391 {dimension_numbers = #tpu.dot_dimension_numbers<[1], [1], [0], [0], [0, 0, 1, 0], [], []>, transpose_lhs_hint = false} : vector<64x128xf32>, vector<64x128xf32>, vector<64x64xf32> -> vector<64x64xf32>
    %concatenate3A_393 = tpu.concatenate %dot_general3A_390, %dot_general3A_392 in 1 : vector<64x64xf32>, vector<64x64xf32> -> vector<64x128xf32>
    %slice3A_394 = vector.extract_strided_slice %get3A_1 {offsets = [0, 8320], sizes = [64, 128], strides = [1, 1]} : vector<64x16384xf32> to vector<64x128xf32>
    %dot_general3A_395 = arith.constant dense<0.000000e+00> : vector<64x64xf32>
    %dot_general3A_396 = tpu.matmul %slice3A, %slice3A_394, %dot_general3A_395 {dimension_numbers = #tpu.dot_dimension_numbers<[1], [1], [0], [0], [0, 0, 1, 0], [], []>, transpose_lhs_hint = false} : vector<64x128xf32>, vector<64x128xf32>, vector<64x64xf32> -> vector<64x64xf32>
    %dot_general3A_397 = arith.constant dense<0.000000e+00> : vector<64x64xf32>
    %dot_general3A_398 = tpu.matmul %slice3A_5, %slice3A_394, %dot_general3A_397 {dimension_numbers = #tpu.dot_dimension_numbers<[1], [1], [0], [0], [0, 0, 1, 0], [], []>, transpose_lhs_hint = false} : vector<64x128xf32>, vector<64x128xf32>, vector<64x64xf32> -> vector<64x64xf32>
    %concatenate3A_399 = tpu.concatenate %dot_general3A_396, %dot_general3A_398 in 1 : vector<64x64xf32>, vector<64x64xf32> -> vector<64x128xf32>
    %slice3A_400 = vector.extract_strided_slice %get3A_1 {offsets = [0, 8448], sizes = [64, 128], strides = [1, 1]} : vector<64x16384xf32> to vector<64x128xf32>
    %dot_general3A_401 = arith.constant dense<0.000000e+00> : vector<64x64xf32>
    %dot_general3A_402 = tpu.matmul %slice3A, %slice3A_400, %dot_general3A_401 {dimension_numbers = #tpu.dot_dimension_numbers<[1], [1], [0], [0], [0, 0, 1, 0], [], []>, transpose_lhs_hint = false} : vector<64x128xf32>, vector<64x128xf32>, vector<64x64xf32> -> vector<64x64xf32>
    %dot_general3A_403 = arith.constant dense<0.000000e+00> : vector<64x64xf32>
    %dot_general3A_404 = tpu.matmul %slice3A_5, %slice3A_400, %dot_general3A_403 {dimension_numbers = #tpu.dot_dimension_numbers<[1], [1], [0], [0], [0, 0, 1, 0], [], []>, transpose_lhs_hint = false} : vector<64x128xf32>, vector<64x128xf32>, vector<64x64xf32> -> vector<64x64xf32>
    %concatenate3A_405 = tpu.concatenate %dot_general3A_402, %dot_general3A_404 in 1 : vector<64x64xf32>, vector<64x64xf32> -> vector<64x128xf32>
    %slice3A_406 = vector.extract_strided_slice %get3A_1 {offsets = [0, 8576], sizes = [64, 128], strides = [1, 1]} : vector<64x16384xf32> to vector<64x128xf32>
    %dot_general3A_407 = arith.constant dense<0.000000e+00> : vector<64x64xf32>
    %dot_general3A_408 = tpu.matmul %slice3A, %slice3A_406, %dot_general3A_407 {dimension_numbers = #tpu.dot_dimension_numbers<[1], [1], [0], [0], [0, 0, 1, 0], [], []>, transpose_lhs_hint = false} : vector<64x128xf32>, vector<64x128xf32>, vector<64x64xf32> -> vector<64x64xf32>
    %dot_general3A_409 = arith.constant dense<0.000000e+00> : vector<64x64xf32>
    %dot_general3A_410 = tpu.matmul %slice3A_5, %slice3A_406, %dot_general3A_409 {dimension_numbers = #tpu.dot_dimension_numbers<[1], [1], [0], [0], [0, 0, 1, 0], [], []>, transpose_lhs_hint = false} : vector<64x128xf32>, vector<64x128xf32>, vector<64x64xf32> -> vector<64x64xf32>
    %concatenate3A_411 = tpu.concatenate %dot_general3A_408, %dot_general3A_410 in 1 : vector<64x64xf32>, vector<64x64xf32> -> vector<64x128xf32>
    %slice3A_412 = vector.extract_strided_slice %get3A_1 {offsets = [0, 8704], sizes = [64, 128], strides = [1, 1]} : vector<64x16384xf32> to vector<64x128xf32>
    %dot_general3A_413 = arith.constant dense<0.000000e+00> : vector<64x64xf32>
    %dot_general3A_414 = tpu.matmul %slice3A, %slice3A_412, %dot_general3A_413 {dimension_numbers = #tpu.dot_dimension_numbers<[1], [1], [0], [0], [0, 0, 1, 0], [], []>, transpose_lhs_hint = false} : vector<64x128xf32>, vector<64x128xf32>, vector<64x64xf32> -> vector<64x64xf32>
    %dot_general3A_415 = arith.constant dense<0.000000e+00> : vector<64x64xf32>
    %dot_general3A_416 = tpu.matmul %slice3A_5, %slice3A_412, %dot_general3A_415 {dimension_numbers = #tpu.dot_dimension_numbers<[1], [1], [0], [0], [0, 0, 1, 0], [], []>, transpose_lhs_hint = false} : vector<64x128xf32>, vector<64x128xf32>, vector<64x64xf32> -> vector<64x64xf32>
    %concatenate3A_417 = tpu.concatenate %dot_general3A_414, %dot_general3A_416 in 1 : vector<64x64xf32>, vector<64x64xf32> -> vector<64x128xf32>
    %slice3A_418 = vector.extract_strided_slice %get3A_1 {offsets = [0, 8832], sizes = [64, 128], strides = [1, 1]} : vector<64x16384xf32> to vector<64x128xf32>
    %dot_general3A_419 = arith.constant dense<0.000000e+00> : vector<64x64xf32>
    %dot_general3A_420 = tpu.matmul %slice3A, %slice3A_418, %dot_general3A_419 {dimension_numbers = #tpu.dot_dimension_numbers<[1], [1], [0], [0], [0, 0, 1, 0], [], []>, transpose_lhs_hint = false} : vector<64x128xf32>, vector<64x128xf32>, vector<64x64xf32> -> vector<64x64xf32>
    %dot_general3A_421 = arith.constant dense<0.000000e+00> : vector<64x64xf32>
    %dot_general3A_422 = tpu.matmul %slice3A_5, %slice3A_418, %dot_general3A_421 {dimension_numbers = #tpu.dot_dimension_numbers<[1], [1], [0], [0], [0, 0, 1, 0], [], []>, transpose_lhs_hint = false} : vector<64x128xf32>, vector<64x128xf32>, vector<64x64xf32> -> vector<64x64xf32>
    %concatenate3A_423 = tpu.concatenate %dot_general3A_420, %dot_general3A_422 in 1 : vector<64x64xf32>, vector<64x64xf32> -> vector<64x128xf32>
    %slice3A_424 = vector.extract_strided_slice %get3A_1 {offsets = [0, 8960], sizes = [64, 128], strides = [1, 1]} : vector<64x16384xf32> to vector<64x128xf32>
    %dot_general3A_425 = arith.constant dense<0.000000e+00> : vector<64x64xf32>
    %dot_general3A_426 = tpu.matmul %slice3A, %slice3A_424, %dot_general3A_425 {dimension_numbers = #tpu.dot_dimension_numbers<[1], [1], [0], [0], [0, 0, 1, 0], [], []>, transpose_lhs_hint = false} : vector<64x128xf32>, vector<64x128xf32>, vector<64x64xf32> -> vector<64x64xf32>
    %dot_general3A_427 = arith.constant dense<0.000000e+00> : vector<64x64xf32>
    %dot_general3A_428 = tpu.matmul %slice3A_5, %slice3A_424, %dot_general3A_427 {dimension_numbers = #tpu.dot_dimension_numbers<[1], [1], [0], [0], [0, 0, 1, 0], [], []>, transpose_lhs_hint = false} : vector<64x128xf32>, vector<64x128xf32>, vector<64x64xf32> -> vector<64x64xf32>
    %concatenate3A_429 = tpu.concatenate %dot_general3A_426, %dot_general3A_428 in 1 : vector<64x64xf32>, vector<64x64xf32> -> vector<64x128xf32>
    %slice3A_430 = vector.extract_strided_slice %get3A_1 {offsets = [0, 9088], sizes = [64, 128], strides = [1, 1]} : vector<64x16384xf32> to vector<64x128xf32>
    %dot_general3A_431 = arith.constant dense<0.000000e+00> : vector<64x64xf32>
    %dot_general3A_432 = tpu.matmul %slice3A, %slice3A_430, %dot_general3A_431 {dimension_numbers = #tpu.dot_dimension_numbers<[1], [1], [0], [0], [0, 0, 1, 0], [], []>, transpose_lhs_hint = false} : vector<64x128xf32>, vector<64x128xf32>, vector<64x64xf32> -> vector<64x64xf32>
    %dot_general3A_433 = arith.constant dense<0.000000e+00> : vector<64x64xf32>
    %dot_general3A_434 = tpu.matmul %slice3A_5, %slice3A_430, %dot_general3A_433 {dimension_numbers = #tpu.dot_dimension_numbers<[1], [1], [0], [0], [0, 0, 1, 0], [], []>, transpose_lhs_hint = false} : vector<64x128xf32>, vector<64x128xf32>, vector<64x64xf32> -> vector<64x64xf32>
    %concatenate3A_435 = tpu.concatenate %dot_general3A_432, %dot_general3A_434 in 1 : vector<64x64xf32>, vector<64x64xf32> -> vector<64x128xf32>
    %slice3A_436 = vector.extract_strided_slice %get3A_1 {offsets = [0, 9216], sizes = [64, 128], strides = [1, 1]} : vector<64x16384xf32> to vector<64x128xf32>
    %dot_general3A_437 = arith.constant dense<0.000000e+00> : vector<64x64xf32>
    %dot_general3A_438 = tpu.matmul %slice3A, %slice3A_436, %dot_general3A_437 {dimension_numbers = #tpu.dot_dimension_numbers<[1], [1], [0], [0], [0, 0, 1, 0], [], []>, transpose_lhs_hint = false} : vector<64x128xf32>, vector<64x128xf32>, vector<64x64xf32> -> vector<64x64xf32>
    %dot_general3A_439 = arith.constant dense<0.000000e+00> : vector<64x64xf32>
    %dot_general3A_440 = tpu.matmul %slice3A_5, %slice3A_436, %dot_general3A_439 {dimension_numbers = #tpu.dot_dimension_numbers<[1], [1], [0], [0], [0, 0, 1, 0], [], []>, transpose_lhs_hint = false} : vector<64x128xf32>, vector<64x128xf32>, vector<64x64xf32> -> vector<64x64xf32>
    %concatenate3A_441 = tpu.concatenate %dot_general3A_438, %dot_general3A_440 in 1 : vector<64x64xf32>, vector<64x64xf32> -> vector<64x128xf32>
    %slice3A_442 = vector.extract_strided_slice %get3A_1 {offsets = [0, 9344], sizes = [64, 128], strides = [1, 1]} : vector<64x16384xf32> to vector<64x128xf32>
    %dot_general3A_443 = arith.constant dense<0.000000e+00> : vector<64x64xf32>
    %dot_general3A_444 = tpu.matmul %slice3A, %slice3A_442, %dot_general3A_443 {dimension_numbers = #tpu.dot_dimension_numbers<[1], [1], [0], [0], [0, 0, 1, 0], [], []>, transpose_lhs_hint = false} : vector<64x128xf32>, vector<64x128xf32>, vector<64x64xf32> -> vector<64x64xf32>
    %dot_general3A_445 = arith.constant dense<0.000000e+00> : vector<64x64xf32>
    %dot_general3A_446 = tpu.matmul %slice3A_5, %slice3A_442, %dot_general3A_445 {dimension_numbers = #tpu.dot_dimension_numbers<[1], [1], [0], [0], [0, 0, 1, 0], [], []>, transpose_lhs_hint = false} : vector<64x128xf32>, vector<64x128xf32>, vector<64x64xf32> -> vector<64x64xf32>
    %concatenate3A_447 = tpu.concatenate %dot_general3A_444, %dot_general3A_446 in 1 : vector<64x64xf32>, vector<64x64xf32> -> vector<64x128xf32>
    %slice3A_448 = vector.extract_strided_slice %get3A_1 {offsets = [0, 9472], sizes = [64, 128], strides = [1, 1]} : vector<64x16384xf32> to vector<64x128xf32>
    %dot_general3A_449 = arith.constant dense<0.000000e+00> : vector<64x64xf32>
    %dot_general3A_450 = tpu.matmul %slice3A, %slice3A_448, %dot_general3A_449 {dimension_numbers = #tpu.dot_dimension_numbers<[1], [1], [0], [0], [0, 0, 1, 0], [], []>, transpose_lhs_hint = false} : vector<64x128xf32>, vector<64x128xf32>, vector<64x64xf32> -> vector<64x64xf32>
    %dot_general3A_451 = arith.constant dense<0.000000e+00> : vector<64x64xf32>
    %dot_general3A_452 = tpu.matmul %slice3A_5, %slice3A_448, %dot_general3A_451 {dimension_numbers = #tpu.dot_dimension_numbers<[1], [1], [0], [0], [0, 0, 1, 0], [], []>, transpose_lhs_hint = false} : vector<64x128xf32>, vector<64x128xf32>, vector<64x64xf32> -> vector<64x64xf32>
    %concatenate3A_453 = tpu.concatenate %dot_general3A_450, %dot_general3A_452 in 1 : vector<64x64xf32>, vector<64x64xf32> -> vector<64x128xf32>
    %slice3A_454 = vector.extract_strided_slice %get3A_1 {offsets = [0, 9600], sizes = [64, 128], strides = [1, 1]} : vector<64x16384xf32> to vector<64x128xf32>
    %dot_general3A_455 = arith.constant dense<0.000000e+00> : vector<64x64xf32>
    %dot_general3A_456 = tpu.matmul %slice3A, %slice3A_454, %dot_general3A_455 {dimension_numbers = #tpu.dot_dimension_numbers<[1], [1], [0], [0], [0, 0, 1, 0], [], []>, transpose_lhs_hint = false} : vector<64x128xf32>, vector<64x128xf32>, vector<64x64xf32> -> vector<64x64xf32>
    %dot_general3A_457 = arith.constant dense<0.000000e+00> : vector<64x64xf32>
    %dot_general3A_458 = tpu.matmul %slice3A_5, %slice3A_454, %dot_general3A_457 {dimension_numbers = #tpu.dot_dimension_numbers<[1], [1], [0], [0], [0, 0, 1, 0], [], []>, transpose_lhs_hint = false} : vector<64x128xf32>, vector<64x128xf32>, vector<64x64xf32> -> vector<64x64xf32>
    %concatenate3A_459 = tpu.concatenate %dot_general3A_456, %dot_general3A_458 in 1 : vector<64x64xf32>, vector<64x64xf32> -> vector<64x128xf32>
    %slice3A_460 = vector.extract_strided_slice %get3A_1 {offsets = [0, 9728], sizes = [64, 128], strides = [1, 1]} : vector<64x16384xf32> to vector<64x128xf32>
    %dot_general3A_461 = arith.constant dense<0.000000e+00> : vector<64x64xf32>
    %dot_general3A_462 = tpu.matmul %slice3A, %slice3A_460, %dot_general3A_461 {dimension_numbers = #tpu.dot_dimension_numbers<[1], [1], [0], [0], [0, 0, 1, 0], [], []>, transpose_lhs_hint = false} : vector<64x128xf32>, vector<64x128xf32>, vector<64x64xf32> -> vector<64x64xf32>
    %dot_general3A_463 = arith.constant dense<0.000000e+00> : vector<64x64xf32>
    %dot_general3A_464 = tpu.matmul %slice3A_5, %slice3A_460, %dot_general3A_463 {dimension_numbers = #tpu.dot_dimension_numbers<[1], [1], [0], [0], [0, 0, 1, 0], [], []>, transpose_lhs_hint = false} : vector<64x128xf32>, vector<64x128xf32>, vector<64x64xf32> -> vector<64x64xf32>
    %concatenate3A_465 = tpu.concatenate %dot_general3A_462, %dot_general3A_464 in 1 : vector<64x64xf32>, vector<64x64xf32> -> vector<64x128xf32>
    %slice3A_466 = vector.extract_strided_slice %get3A_1 {offsets = [0, 9856], sizes = [64, 128], strides = [1, 1]} : vector<64x16384xf32> to vector<64x128xf32>
    %dot_general3A_467 = arith.constant dense<0.000000e+00> : vector<64x64xf32>
    %dot_general3A_468 = tpu.matmul %slice3A, %slice3A_466, %dot_general3A_467 {dimension_numbers = #tpu.dot_dimension_numbers<[1], [1], [0], [0], [0, 0, 1, 0], [], []>, transpose_lhs_hint = false} : vector<64x128xf32>, vector<64x128xf32>, vector<64x64xf32> -> vector<64x64xf32>
    %dot_general3A_469 = arith.constant dense<0.000000e+00> : vector<64x64xf32>
    %dot_general3A_470 = tpu.matmul %slice3A_5, %slice3A_466, %dot_general3A_469 {dimension_numbers = #tpu.dot_dimension_numbers<[1], [1], [0], [0], [0, 0, 1, 0], [], []>, transpose_lhs_hint = false} : vector<64x128xf32>, vector<64x128xf32>, vector<64x64xf32> -> vector<64x64xf32>
    %concatenate3A_471 = tpu.concatenate %dot_general3A_468, %dot_general3A_470 in 1 : vector<64x64xf32>, vector<64x64xf32> -> vector<64x128xf32>
    %slice3A_472 = vector.extract_strided_slice %get3A_1 {offsets = [0, 9984], sizes = [64, 128], strides = [1, 1]} : vector<64x16384xf32> to vector<64x128xf32>
    %dot_general3A_473 = arith.constant dense<0.000000e+00> : vector<64x64xf32>
    %dot_general3A_474 = tpu.matmul %slice3A, %slice3A_472, %dot_general3A_473 {dimension_numbers = #tpu.dot_dimension_numbers<[1], [1], [0], [0], [0, 0, 1, 0], [], []>, transpose_lhs_hint = false} : vector<64x128xf32>, vector<64x128xf32>, vector<64x64xf32> -> vector<64x64xf32>
    %dot_general3A_475 = arith.constant dense<0.000000e+00> : vector<64x64xf32>
    %dot_general3A_476 = tpu.matmul %slice3A_5, %slice3A_472, %dot_general3A_475 {dimension_numbers = #tpu.dot_dimension_numbers<[1], [1], [0], [0], [0, 0, 1, 0], [], []>, transpose_lhs_hint = false} : vector<64x128xf32>, vector<64x128xf32>, vector<64x64xf32> -> vector<64x64xf32>
    %concatenate3A_477 = tpu.concatenate %dot_general3A_474, %dot_general3A_476 in 1 : vector<64x64xf32>, vector<64x64xf32> -> vector<64x128xf32>
    %slice3A_478 = vector.extract_strided_slice %get3A_1 {offsets = [0, 10112], sizes = [64, 128], strides = [1, 1]} : vector<64x16384xf32> to vector<64x128xf32>
    %dot_general3A_479 = arith.constant dense<0.000000e+00> : vector<64x64xf32>
    %dot_general3A_480 = tpu.matmul %slice3A, %slice3A_478, %dot_general3A_479 {dimension_numbers = #tpu.dot_dimension_numbers<[1], [1], [0], [0], [0, 0, 1, 0], [], []>, transpose_lhs_hint = false} : vector<64x128xf32>, vector<64x128xf32>, vector<64x64xf32> -> vector<64x64xf32>
    %dot_general3A_481 = arith.constant dense<0.000000e+00> : vector<64x64xf32>
    %dot_general3A_482 = tpu.matmul %slice3A_5, %slice3A_478, %dot_general3A_481 {dimension_numbers = #tpu.dot_dimension_numbers<[1], [1], [0], [0], [0, 0, 1, 0], [], []>, transpose_lhs_hint = false} : vector<64x128xf32>, vector<64x128xf32>, vector<64x64xf32> -> vector<64x64xf32>
    %concatenate3A_483 = tpu.concatenate %dot_general3A_480, %dot_general3A_482 in 1 : vector<64x64xf32>, vector<64x64xf32> -> vector<64x128xf32>
    %slice3A_484 = vector.extract_strided_slice %get3A_1 {offsets = [0, 10240], sizes = [64, 128], strides = [1, 1]} : vector<64x16384xf32> to vector<64x128xf32>
    %dot_general3A_485 = arith.constant dense<0.000000e+00> : vector<64x64xf32>
    %dot_general3A_486 = tpu.matmul %slice3A, %slice3A_484, %dot_general3A_485 {dimension_numbers = #tpu.dot_dimension_numbers<[1], [1], [0], [0], [0, 0, 1, 0], [], []>, transpose_lhs_hint = false} : vector<64x128xf32>, vector<64x128xf32>, vector<64x64xf32> -> vector<64x64xf32>
    %dot_general3A_487 = arith.constant dense<0.000000e+00> : vector<64x64xf32>
    %dot_general3A_488 = tpu.matmul %slice3A_5, %slice3A_484, %dot_general3A_487 {dimension_numbers = #tpu.dot_dimension_numbers<[1], [1], [0], [0], [0, 0, 1, 0], [], []>, transpose_lhs_hint = false} : vector<64x128xf32>, vector<64x128xf32>, vector<64x64xf32> -> vector<64x64xf32>
    %concatenate3A_489 = tpu.concatenate %dot_general3A_486, %dot_general3A_488 in 1 : vector<64x64xf32>, vector<64x64xf32> -> vector<64x128xf32>
    %slice3A_490 = vector.extract_strided_slice %get3A_1 {offsets = [0, 10368], sizes = [64, 128], strides = [1, 1]} : vector<64x16384xf32> to vector<64x128xf32>
    %dot_general3A_491 = arith.constant dense<0.000000e+00> : vector<64x64xf32>
    %dot_general3A_492 = tpu.matmul %slice3A, %slice3A_490, %dot_general3A_491 {dimension_numbers = #tpu.dot_dimension_numbers<[1], [1], [0], [0], [0, 0, 1, 0], [], []>, transpose_lhs_hint = false} : vector<64x128xf32>, vector<64x128xf32>, vector<64x64xf32> -> vector<64x64xf32>
    %dot_general3A_493 = arith.constant dense<0.000000e+00> : vector<64x64xf32>
    %dot_general3A_494 = tpu.matmul %slice3A_5, %slice3A_490, %dot_general3A_493 {dimension_numbers = #tpu.dot_dimension_numbers<[1], [1], [0], [0], [0, 0, 1, 0], [], []>, transpose_lhs_hint = false} : vector<64x128xf32>, vector<64x128xf32>, vector<64x64xf32> -> vector<64x64xf32>
    %concatenate3A_495 = tpu.concatenate %dot_general3A_492, %dot_general3A_494 in 1 : vector<64x64xf32>, vector<64x64xf32> -> vector<64x128xf32>
    %slice3A_496 = vector.extract_strided_slice %get3A_1 {offsets = [0, 10496], sizes = [64, 128], strides = [1, 1]} : vector<64x16384xf32> to vector<64x128xf32>
    %dot_general3A_497 = arith.constant dense<0.000000e+00> : vector<64x64xf32>
    %dot_general3A_498 = tpu.matmul %slice3A, %slice3A_496, %dot_general3A_497 {dimension_numbers = #tpu.dot_dimension_numbers<[1], [1], [0], [0], [0, 0, 1, 0], [], []>, transpose_lhs_hint = false} : vector<64x128xf32>, vector<64x128xf32>, vector<64x64xf32> -> vector<64x64xf32>
    %dot_general3A_499 = arith.constant dense<0.000000e+00> : vector<64x64xf32>
    %dot_general3A_500 = tpu.matmul %slice3A_5, %slice3A_496, %dot_general3A_499 {dimension_numbers = #tpu.dot_dimension_numbers<[1], [1], [0], [0], [0, 0, 1, 0], [], []>, transpose_lhs_hint = false} : vector<64x128xf32>, vector<64x128xf32>, vector<64x64xf32> -> vector<64x64xf32>
    %concatenate3A_501 = tpu.concatenate %dot_general3A_498, %dot_general3A_500 in 1 : vector<64x64xf32>, vector<64x64xf32> -> vector<64x128xf32>
    %slice3A_502 = vector.extract_strided_slice %get3A_1 {offsets = [0, 10624], sizes = [64, 128], strides = [1, 1]} : vector<64x16384xf32> to vector<64x128xf32>
    %dot_general3A_503 = arith.constant dense<0.000000e+00> : vector<64x64xf32>
    %dot_general3A_504 = tpu.matmul %slice3A, %slice3A_502, %dot_general3A_503 {dimension_numbers = #tpu.dot_dimension_numbers<[1], [1], [0], [0], [0, 0, 1, 0], [], []>, transpose_lhs_hint = false} : vector<64x128xf32>, vector<64x128xf32>, vector<64x64xf32> -> vector<64x64xf32>
    %dot_general3A_505 = arith.constant dense<0.000000e+00> : vector<64x64xf32>
    %dot_general3A_506 = tpu.matmul %slice3A_5, %slice3A_502, %dot_general3A_505 {dimension_numbers = #tpu.dot_dimension_numbers<[1], [1], [0], [0], [0, 0, 1, 0], [], []>, transpose_lhs_hint = false} : vector<64x128xf32>, vector<64x128xf32>, vector<64x64xf32> -> vector<64x64xf32>
    %concatenate3A_507 = tpu.concatenate %dot_general3A_504, %dot_general3A_506 in 1 : vector<64x64xf32>, vector<64x64xf32> -> vector<64x128xf32>
    %slice3A_508 = vector.extract_strided_slice %get3A_1 {offsets = [0, 10752], sizes = [64, 128], strides = [1, 1]} : vector<64x16384xf32> to vector<64x128xf32>
    %dot_general3A_509 = arith.constant dense<0.000000e+00> : vector<64x64xf32>
    %dot_general3A_510 = tpu.matmul %slice3A, %slice3A_508, %dot_general3A_509 {dimension_numbers = #tpu.dot_dimension_numbers<[1], [1], [0], [0], [0, 0, 1, 0], [], []>, transpose_lhs_hint = false} : vector<64x128xf32>, vector<64x128xf32>, vector<64x64xf32> -> vector<64x64xf32>
    %dot_general3A_511 = arith.constant dense<0.000000e+00> : vector<64x64xf32>
    %dot_general3A_512 = tpu.matmul %slice3A_5, %slice3A_508, %dot_general3A_511 {dimension_numbers = #tpu.dot_dimension_numbers<[1], [1], [0], [0], [0, 0, 1, 0], [], []>, transpose_lhs_hint = false} : vector<64x128xf32>, vector<64x128xf32>, vector<64x64xf32> -> vector<64x64xf32>
    %concatenate3A_513 = tpu.concatenate %dot_general3A_510, %dot_general3A_512 in 1 : vector<64x64xf32>, vector<64x64xf32> -> vector<64x128xf32>
    %slice3A_514 = vector.extract_strided_slice %get3A_1 {offsets = [0, 10880], sizes = [64, 128], strides = [1, 1]} : vector<64x16384xf32> to vector<64x128xf32>
    %dot_general3A_515 = arith.constant dense<0.000000e+00> : vector<64x64xf32>
    %dot_general3A_516 = tpu.matmul %slice3A, %slice3A_514, %dot_general3A_515 {dimension_numbers = #tpu.dot_dimension_numbers<[1], [1], [0], [0], [0, 0, 1, 0], [], []>, transpose_lhs_hint = false} : vector<64x128xf32>, vector<64x128xf32>, vector<64x64xf32> -> vector<64x64xf32>
    %dot_general3A_517 = arith.constant dense<0.000000e+00> : vector<64x64xf32>
    %dot_general3A_518 = tpu.matmul %slice3A_5, %slice3A_514, %dot_general3A_517 {dimension_numbers = #tpu.dot_dimension_numbers<[1], [1], [0], [0], [0, 0, 1, 0], [], []>, transpose_lhs_hint = false} : vector<64x128xf32>, vector<64x128xf32>, vector<64x64xf32> -> vector<64x64xf32>
    %concatenate3A_519 = tpu.concatenate %dot_general3A_516, %dot_general3A_518 in 1 : vector<64x64xf32>, vector<64x64xf32> -> vector<64x128xf32>
    %slice3A_520 = vector.extract_strided_slice %get3A_1 {offsets = [0, 11008], sizes = [64, 128], strides = [1, 1]} : vector<64x16384xf32> to vector<64x128xf32>
    %dot_general3A_521 = arith.constant dense<0.000000e+00> : vector<64x64xf32>
    %dot_general3A_522 = tpu.matmul %slice3A, %slice3A_520, %dot_general3A_521 {dimension_numbers = #tpu.dot_dimension_numbers<[1], [1], [0], [0], [0, 0, 1, 0], [], []>, transpose_lhs_hint = false} : vector<64x128xf32>, vector<64x128xf32>, vector<64x64xf32> -> vector<64x64xf32>
    %dot_general3A_523 = arith.constant dense<0.000000e+00> : vector<64x64xf32>
    %dot_general3A_524 = tpu.matmul %slice3A_5, %slice3A_520, %dot_general3A_523 {dimension_numbers = #tpu.dot_dimension_numbers<[1], [1], [0], [0], [0, 0, 1, 0], [], []>, transpose_lhs_hint = false} : vector<64x128xf32>, vector<64x128xf32>, vector<64x64xf32> -> vector<64x64xf32>
    %concatenate3A_525 = tpu.concatenate %dot_general3A_522, %dot_general3A_524 in 1 : vector<64x64xf32>, vector<64x64xf32> -> vector<64x128xf32>
    %slice3A_526 = vector.extract_strided_slice %get3A_1 {offsets = [0, 11136], sizes = [64, 128], strides = [1, 1]} : vector<64x16384xf32> to vector<64x128xf32>
    %dot_general3A_527 = arith.constant dense<0.000000e+00> : vector<64x64xf32>
    %dot_general3A_528 = tpu.matmul %slice3A, %slice3A_526, %dot_general3A_527 {dimension_numbers = #tpu.dot_dimension_numbers<[1], [1], [0], [0], [0, 0, 1, 0], [], []>, transpose_lhs_hint = false} : vector<64x128xf32>, vector<64x128xf32>, vector<64x64xf32> -> vector<64x64xf32>
    %dot_general3A_529 = arith.constant dense<0.000000e+00> : vector<64x64xf32>
    %dot_general3A_530 = tpu.matmul %slice3A_5, %slice3A_526, %dot_general3A_529 {dimension_numbers = #tpu.dot_dimension_numbers<[1], [1], [0], [0], [0, 0, 1, 0], [], []>, transpose_lhs_hint = false} : vector<64x128xf32>, vector<64x128xf32>, vector<64x64xf32> -> vector<64x64xf32>
    %concatenate3A_531 = tpu.concatenate %dot_general3A_528, %dot_general3A_530 in 1 : vector<64x64xf32>, vector<64x64xf32> -> vector<64x128xf32>
    %slice3A_532 = vector.extract_strided_slice %get3A_1 {offsets = [0, 11264], sizes = [64, 128], strides = [1, 1]} : vector<64x16384xf32> to vector<64x128xf32>
    %dot_general3A_533 = arith.constant dense<0.000000e+00> : vector<64x64xf32>
    %dot_general3A_534 = tpu.matmul %slice3A, %slice3A_532, %dot_general3A_533 {dimension_numbers = #tpu.dot_dimension_numbers<[1], [1], [0], [0], [0, 0, 1, 0], [], []>, transpose_lhs_hint = false} : vector<64x128xf32>, vector<64x128xf32>, vector<64x64xf32> -> vector<64x64xf32>
    %dot_general3A_535 = arith.constant dense<0.000000e+00> : vector<64x64xf32>
    %dot_general3A_536 = tpu.matmul %slice3A_5, %slice3A_532, %dot_general3A_535 {dimension_numbers = #tpu.dot_dimension_numbers<[1], [1], [0], [0], [0, 0, 1, 0], [], []>, transpose_lhs_hint = false} : vector<64x128xf32>, vector<64x128xf32>, vector<64x64xf32> -> vector<64x64xf32>
    %concatenate3A_537 = tpu.concatenate %dot_general3A_534, %dot_general3A_536 in 1 : vector<64x64xf32>, vector<64x64xf32> -> vector<64x128xf32>
    %slice3A_538 = vector.extract_strided_slice %get3A_1 {offsets = [0, 11392], sizes = [64, 128], strides = [1, 1]} : vector<64x16384xf32> to vector<64x128xf32>
    %dot_general3A_539 = arith.constant dense<0.000000e+00> : vector<64x64xf32>
    %dot_general3A_540 = tpu.matmul %slice3A, %slice3A_538, %dot_general3A_539 {dimension_numbers = #tpu.dot_dimension_numbers<[1], [1], [0], [0], [0, 0, 1, 0], [], []>, transpose_lhs_hint = false} : vector<64x128xf32>, vector<64x128xf32>, vector<64x64xf32> -> vector<64x64xf32>
    %dot_general3A_541 = arith.constant dense<0.000000e+00> : vector<64x64xf32>
    %dot_general3A_542 = tpu.matmul %slice3A_5, %slice3A_538, %dot_general3A_541 {dimension_numbers = #tpu.dot_dimension_numbers<[1], [1], [0], [0], [0, 0, 1, 0], [], []>, transpose_lhs_hint = false} : vector<64x128xf32>, vector<64x128xf32>, vector<64x64xf32> -> vector<64x64xf32>
    %concatenate3A_543 = tpu.concatenate %dot_general3A_540, %dot_general3A_542 in 1 : vector<64x64xf32>, vector<64x64xf32> -> vector<64x128xf32>
    %slice3A_544 = vector.extract_strided_slice %get3A_1 {offsets = [0, 11520], sizes = [64, 128], strides = [1, 1]} : vector<64x16384xf32> to vector<64x128xf32>
    %dot_general3A_545 = arith.constant dense<0.000000e+00> : vector<64x64xf32>
    %dot_general3A_546 = tpu.matmul %slice3A, %slice3A_544, %dot_general3A_545 {dimension_numbers = #tpu.dot_dimension_numbers<[1], [1], [0], [0], [0, 0, 1, 0], [], []>, transpose_lhs_hint = false} : vector<64x128xf32>, vector<64x128xf32>, vector<64x64xf32> -> vector<64x64xf32>
    %dot_general3A_547 = arith.constant dense<0.000000e+00> : vector<64x64xf32>
    %dot_general3A_548 = tpu.matmul %slice3A_5, %slice3A_544, %dot_general3A_547 {dimension_numbers = #tpu.dot_dimension_numbers<[1], [1], [0], [0], [0, 0, 1, 0], [], []>, transpose_lhs_hint = false} : vector<64x128xf32>, vector<64x128xf32>, vector<64x64xf32> -> vector<64x64xf32>
    %concatenate3A_549 = tpu.concatenate %dot_general3A_546, %dot_general3A_548 in 1 : vector<64x64xf32>, vector<64x64xf32> -> vector<64x128xf32>
    %slice3A_550 = vector.extract_strided_slice %get3A_1 {offsets = [0, 11648], sizes = [64, 128], strides = [1, 1]} : vector<64x16384xf32> to vector<64x128xf32>
    %dot_general3A_551 = arith.constant dense<0.000000e+00> : vector<64x64xf32>
    %dot_general3A_552 = tpu.matmul %slice3A, %slice3A_550, %dot_general3A_551 {dimension_numbers = #tpu.dot_dimension_numbers<[1], [1], [0], [0], [0, 0, 1, 0], [], []>, transpose_lhs_hint = false} : vector<64x128xf32>, vector<64x128xf32>, vector<64x64xf32> -> vector<64x64xf32>
    %dot_general3A_553 = arith.constant dense<0.000000e+00> : vector<64x64xf32>
    %dot_general3A_554 = tpu.matmul %slice3A_5, %slice3A_550, %dot_general3A_553 {dimension_numbers = #tpu.dot_dimension_numbers<[1], [1], [0], [0], [0, 0, 1, 0], [], []>, transpose_lhs_hint = false} : vector<64x128xf32>, vector<64x128xf32>, vector<64x64xf32> -> vector<64x64xf32>
    %concatenate3A_555 = tpu.concatenate %dot_general3A_552, %dot_general3A_554 in 1 : vector<64x64xf32>, vector<64x64xf32> -> vector<64x128xf32>
    %slice3A_556 = vector.extract_strided_slice %get3A_1 {offsets = [0, 11776], sizes = [64, 128], strides = [1, 1]} : vector<64x16384xf32> to vector<64x128xf32>
    %dot_general3A_557 = arith.constant dense<0.000000e+00> : vector<64x64xf32>
    %dot_general3A_558 = tpu.matmul %slice3A, %slice3A_556, %dot_general3A_557 {dimension_numbers = #tpu.dot_dimension_numbers<[1], [1], [0], [0], [0, 0, 1, 0], [], []>, transpose_lhs_hint = false} : vector<64x128xf32>, vector<64x128xf32>, vector<64x64xf32> -> vector<64x64xf32>
    %dot_general3A_559 = arith.constant dense<0.000000e+00> : vector<64x64xf32>
    %dot_general3A_560 = tpu.matmul %slice3A_5, %slice3A_556, %dot_general3A_559 {dimension_numbers = #tpu.dot_dimension_numbers<[1], [1], [0], [0], [0, 0, 1, 0], [], []>, transpose_lhs_hint = false} : vector<64x128xf32>, vector<64x128xf32>, vector<64x64xf32> -> vector<64x64xf32>
    %concatenate3A_561 = tpu.concatenate %dot_general3A_558, %dot_general3A_560 in 1 : vector<64x64xf32>, vector<64x64xf32> -> vector<64x128xf32>
    %slice3A_562 = vector.extract_strided_slice %get3A_1 {offsets = [0, 11904], sizes = [64, 128], strides = [1, 1]} : vector<64x16384xf32> to vector<64x128xf32>
    %dot_general3A_563 = arith.constant dense<0.000000e+00> : vector<64x64xf32>
    %dot_general3A_564 = tpu.matmul %slice3A, %slice3A_562, %dot_general3A_563 {dimension_numbers = #tpu.dot_dimension_numbers<[1], [1], [0], [0], [0, 0, 1, 0], [], []>, transpose_lhs_hint = false} : vector<64x128xf32>, vector<64x128xf32>, vector<64x64xf32> -> vector<64x64xf32>
    %dot_general3A_565 = arith.constant dense<0.000000e+00> : vector<64x64xf32>
    %dot_general3A_566 = tpu.matmul %slice3A_5, %slice3A_562, %dot_general3A_565 {dimension_numbers = #tpu.dot_dimension_numbers<[1], [1], [0], [0], [0, 0, 1, 0], [], []>, transpose_lhs_hint = false} : vector<64x128xf32>, vector<64x128xf32>, vector<64x64xf32> -> vector<64x64xf32>
    %concatenate3A_567 = tpu.concatenate %dot_general3A_564, %dot_general3A_566 in 1 : vector<64x64xf32>, vector<64x64xf32> -> vector<64x128xf32>
    %slice3A_568 = vector.extract_strided_slice %get3A_1 {offsets = [0, 12032], sizes = [64, 128], strides = [1, 1]} : vector<64x16384xf32> to vector<64x128xf32>
    %dot_general3A_569 = arith.constant dense<0.000000e+00> : vector<64x64xf32>
    %dot_general3A_570 = tpu.matmul %slice3A, %slice3A_568, %dot_general3A_569 {dimension_numbers = #tpu.dot_dimension_numbers<[1], [1], [0], [0], [0, 0, 1, 0], [], []>, transpose_lhs_hint = false} : vector<64x128xf32>, vector<64x128xf32>, vector<64x64xf32> -> vector<64x64xf32>
    %dot_general3A_571 = arith.constant dense<0.000000e+00> : vector<64x64xf32>
    %dot_general3A_572 = tpu.matmul %slice3A_5, %slice3A_568, %dot_general3A_571 {dimension_numbers = #tpu.dot_dimension_numbers<[1], [1], [0], [0], [0, 0, 1, 0], [], []>, transpose_lhs_hint = false} : vector<64x128xf32>, vector<64x128xf32>, vector<64x64xf32> -> vector<64x64xf32>
    %concatenate3A_573 = tpu.concatenate %dot_general3A_570, %dot_general3A_572 in 1 : vector<64x64xf32>, vector<64x64xf32> -> vector<64x128xf32>
    %slice3A_574 = vector.extract_strided_slice %get3A_1 {offsets = [0, 12160], sizes = [64, 128], strides = [1, 1]} : vector<64x16384xf32> to vector<64x128xf32>
    %dot_general3A_575 = arith.constant dense<0.000000e+00> : vector<64x64xf32>
    %dot_general3A_576 = tpu.matmul %slice3A, %slice3A_574, %dot_general3A_575 {dimension_numbers = #tpu.dot_dimension_numbers<[1], [1], [0], [0], [0, 0, 1, 0], [], []>, transpose_lhs_hint = false} : vector<64x128xf32>, vector<64x128xf32>, vector<64x64xf32> -> vector<64x64xf32>
    %dot_general3A_577 = arith.constant dense<0.000000e+00> : vector<64x64xf32>
    %dot_general3A_578 = tpu.matmul %slice3A_5, %slice3A_574, %dot_general3A_577 {dimension_numbers = #tpu.dot_dimension_numbers<[1], [1], [0], [0], [0, 0, 1, 0], [], []>, transpose_lhs_hint = false} : vector<64x128xf32>, vector<64x128xf32>, vector<64x64xf32> -> vector<64x64xf32>
    %concatenate3A_579 = tpu.concatenate %dot_general3A_576, %dot_general3A_578 in 1 : vector<64x64xf32>, vector<64x64xf32> -> vector<64x128xf32>
    %slice3A_580 = vector.extract_strided_slice %get3A_1 {offsets = [0, 12288], sizes = [64, 128], strides = [1, 1]} : vector<64x16384xf32> to vector<64x128xf32>
    %dot_general3A_581 = arith.constant dense<0.000000e+00> : vector<64x64xf32>
    %dot_general3A_582 = tpu.matmul %slice3A, %slice3A_580, %dot_general3A_581 {dimension_numbers = #tpu.dot_dimension_numbers<[1], [1], [0], [0], [0, 0, 1, 0], [], []>, transpose_lhs_hint = false} : vector<64x128xf32>, vector<64x128xf32>, vector<64x64xf32> -> vector<64x64xf32>
    %dot_general3A_583 = arith.constant dense<0.000000e+00> : vector<64x64xf32>
    %dot_general3A_584 = tpu.matmul %slice3A_5, %slice3A_580, %dot_general3A_583 {dimension_numbers = #tpu.dot_dimension_numbers<[1], [1], [0], [0], [0, 0, 1, 0], [], []>, transpose_lhs_hint = false} : vector<64x128xf32>, vector<64x128xf32>, vector<64x64xf32> -> vector<64x64xf32>
    %concatenate3A_585 = tpu.concatenate %dot_general3A_582, %dot_general3A_584 in 1 : vector<64x64xf32>, vector<64x64xf32> -> vector<64x128xf32>
    %slice3A_586 = vector.extract_strided_slice %get3A_1 {offsets = [0, 12416], sizes = [64, 128], strides = [1, 1]} : vector<64x16384xf32> to vector<64x128xf32>
    %dot_general3A_587 = arith.constant dense<0.000000e+00> : vector<64x64xf32>
    %dot_general3A_588 = tpu.matmul %slice3A, %slice3A_586, %dot_general3A_587 {dimension_numbers = #tpu.dot_dimension_numbers<[1], [1], [0], [0], [0, 0, 1, 0], [], []>, transpose_lhs_hint = false} : vector<64x128xf32>, vector<64x128xf32>, vector<64x64xf32> -> vector<64x64xf32>
    %dot_general3A_589 = arith.constant dense<0.000000e+00> : vector<64x64xf32>
    %dot_general3A_590 = tpu.matmul %slice3A_5, %slice3A_586, %dot_general3A_589 {dimension_numbers = #tpu.dot_dimension_numbers<[1], [1], [0], [0], [0, 0, 1, 0], [], []>, transpose_lhs_hint = false} : vector<64x128xf32>, vector<64x128xf32>, vector<64x64xf32> -> vector<64x64xf32>
    %concatenate3A_591 = tpu.concatenate %dot_general3A_588, %dot_general3A_590 in 1 : vector<64x64xf32>, vector<64x64xf32> -> vector<64x128xf32>
    %slice3A_592 = vector.extract_strided_slice %get3A_1 {offsets = [0, 12544], sizes = [64, 128], strides = [1, 1]} : vector<64x16384xf32> to vector<64x128xf32>
    %dot_general3A_593 = arith.constant dense<0.000000e+00> : vector<64x64xf32>
    %dot_general3A_594 = tpu.matmul %slice3A, %slice3A_592, %dot_general3A_593 {dimension_numbers = #tpu.dot_dimension_numbers<[1], [1], [0], [0], [0, 0, 1, 0], [], []>, transpose_lhs_hint = false} : vector<64x128xf32>, vector<64x128xf32>, vector<64x64xf32> -> vector<64x64xf32>
    %dot_general3A_595 = arith.constant dense<0.000000e+00> : vector<64x64xf32>
    %dot_general3A_596 = tpu.matmul %slice3A_5, %slice3A_592, %dot_general3A_595 {dimension_numbers = #tpu.dot_dimension_numbers<[1], [1], [0], [0], [0, 0, 1, 0], [], []>, transpose_lhs_hint = false} : vector<64x128xf32>, vector<64x128xf32>, vector<64x64xf32> -> vector<64x64xf32>
    %concatenate3A_597 = tpu.concatenate %dot_general3A_594, %dot_general3A_596 in 1 : vector<64x64xf32>, vector<64x64xf32> -> vector<64x128xf32>
    %slice3A_598 = vector.extract_strided_slice %get3A_1 {offsets = [0, 12672], sizes = [64, 128], strides = [1, 1]} : vector<64x16384xf32> to vector<64x128xf32>
    %dot_general3A_599 = arith.constant dense<0.000000e+00> : vector<64x64xf32>
    %dot_general3A_600 = tpu.matmul %slice3A, %slice3A_598, %dot_general3A_599 {dimension_numbers = #tpu.dot_dimension_numbers<[1], [1], [0], [0], [0, 0, 1, 0], [], []>, transpose_lhs_hint = false} : vector<64x128xf32>, vector<64x128xf32>, vector<64x64xf32> -> vector<64x64xf32>
    %dot_general3A_601 = arith.constant dense<0.000000e+00> : vector<64x64xf32>
    %dot_general3A_602 = tpu.matmul %slice3A_5, %slice3A_598, %dot_general3A_601 {dimension_numbers = #tpu.dot_dimension_numbers<[1], [1], [0], [0], [0, 0, 1, 0], [], []>, transpose_lhs_hint = false} : vector<64x128xf32>, vector<64x128xf32>, vector<64x64xf32> -> vector<64x64xf32>
    %concatenate3A_603 = tpu.concatenate %dot_general3A_600, %dot_general3A_602 in 1 : vector<64x64xf32>, vector<64x64xf32> -> vector<64x128xf32>
    %slice3A_604 = vector.extract_strided_slice %get3A_1 {offsets = [0, 12800], sizes = [64, 128], strides = [1, 1]} : vector<64x16384xf32> to vector<64x128xf32>
    %dot_general3A_605 = arith.constant dense<0.000000e+00> : vector<64x64xf32>
    %dot_general3A_606 = tpu.matmul %slice3A, %slice3A_604, %dot_general3A_605 {dimension_numbers = #tpu.dot_dimension_numbers<[1], [1], [0], [0], [0, 0, 1, 0], [], []>, transpose_lhs_hint = false} : vector<64x128xf32>, vector<64x128xf32>, vector<64x64xf32> -> vector<64x64xf32>
    %dot_general3A_607 = arith.constant dense<0.000000e+00> : vector<64x64xf32>
    %dot_general3A_608 = tpu.matmul %slice3A_5, %slice3A_604, %dot_general3A_607 {dimension_numbers = #tpu.dot_dimension_numbers<[1], [1], [0], [0], [0, 0, 1, 0], [], []>, transpose_lhs_hint = false} : vector<64x128xf32>, vector<64x128xf32>, vector<64x64xf32> -> vector<64x64xf32>
    %concatenate3A_609 = tpu.concatenate %dot_general3A_606, %dot_general3A_608 in 1 : vector<64x64xf32>, vector<64x64xf32> -> vector<64x128xf32>
    %slice3A_610 = vector.extract_strided_slice %get3A_1 {offsets = [0, 12928], sizes = [64, 128], strides = [1, 1]} : vector<64x16384xf32> to vector<64x128xf32>
    %dot_general3A_611 = arith.constant dense<0.000000e+00> : vector<64x64xf32>
    %dot_general3A_612 = tpu.matmul %slice3A, %slice3A_610, %dot_general3A_611 {dimension_numbers = #tpu.dot_dimension_numbers<[1], [1], [0], [0], [0, 0, 1, 0], [], []>, transpose_lhs_hint = false} : vector<64x128xf32>, vector<64x128xf32>, vector<64x64xf32> -> vector<64x64xf32>
    %dot_general3A_613 = arith.constant dense<0.000000e+00> : vector<64x64xf32>
    %dot_general3A_614 = tpu.matmul %slice3A_5, %slice3A_610, %dot_general3A_613 {dimension_numbers = #tpu.dot_dimension_numbers<[1], [1], [0], [0], [0, 0, 1, 0], [], []>, transpose_lhs_hint = false} : vector<64x128xf32>, vector<64x128xf32>, vector<64x64xf32> -> vector<64x64xf32>
    %concatenate3A_615 = tpu.concatenate %dot_general3A_612, %dot_general3A_614 in 1 : vector<64x64xf32>, vector<64x64xf32> -> vector<64x128xf32>
    %slice3A_616 = vector.extract_strided_slice %get3A_1 {offsets = [0, 13056], sizes = [64, 128], strides = [1, 1]} : vector<64x16384xf32> to vector<64x128xf32>
    %dot_general3A_617 = arith.constant dense<0.000000e+00> : vector<64x64xf32>
    %dot_general3A_618 = tpu.matmul %slice3A, %slice3A_616, %dot_general3A_617 {dimension_numbers = #tpu.dot_dimension_numbers<[1], [1], [0], [0], [0, 0, 1, 0], [], []>, transpose_lhs_hint = false} : vector<64x128xf32>, vector<64x128xf32>, vector<64x64xf32> -> vector<64x64xf32>
    %dot_general3A_619 = arith.constant dense<0.000000e+00> : vector<64x64xf32>
    %dot_general3A_620 = tpu.matmul %slice3A_5, %slice3A_616, %dot_general3A_619 {dimension_numbers = #tpu.dot_dimension_numbers<[1], [1], [0], [0], [0, 0, 1, 0], [], []>, transpose_lhs_hint = false} : vector<64x128xf32>, vector<64x128xf32>, vector<64x64xf32> -> vector<64x64xf32>
    %concatenate3A_621 = tpu.concatenate %dot_general3A_618, %dot_general3A_620 in 1 : vector<64x64xf32>, vector<64x64xf32> -> vector<64x128xf32>
    %slice3A_622 = vector.extract_strided_slice %get3A_1 {offsets = [0, 13184], sizes = [64, 128], strides = [1, 1]} : vector<64x16384xf32> to vector<64x128xf32>
    %dot_general3A_623 = arith.constant dense<0.000000e+00> : vector<64x64xf32>
    %dot_general3A_624 = tpu.matmul %slice3A, %slice3A_622, %dot_general3A_623 {dimension_numbers = #tpu.dot_dimension_numbers<[1], [1], [0], [0], [0, 0, 1, 0], [], []>, transpose_lhs_hint = false} : vector<64x128xf32>, vector<64x128xf32>, vector<64x64xf32> -> vector<64x64xf32>
    %dot_general3A_625 = arith.constant dense<0.000000e+00> : vector<64x64xf32>
    %dot_general3A_626 = tpu.matmul %slice3A_5, %slice3A_622, %dot_general3A_625 {dimension_numbers = #tpu.dot_dimension_numbers<[1], [1], [0], [0], [0, 0, 1, 0], [], []>, transpose_lhs_hint = false} : vector<64x128xf32>, vector<64x128xf32>, vector<64x64xf32> -> vector<64x64xf32>
    %concatenate3A_627 = tpu.concatenate %dot_general3A_624, %dot_general3A_626 in 1 : vector<64x64xf32>, vector<64x64xf32> -> vector<64x128xf32>
    %slice3A_628 = vector.extract_strided_slice %get3A_1 {offsets = [0, 13312], sizes = [64, 128], strides = [1, 1]} : vector<64x16384xf32> to vector<64x128xf32>
    %dot_general3A_629 = arith.constant dense<0.000000e+00> : vector<64x64xf32>
    %dot_general3A_630 = tpu.matmul %slice3A, %slice3A_628, %dot_general3A_629 {dimension_numbers = #tpu.dot_dimension_numbers<[1], [1], [0], [0], [0, 0, 1, 0], [], []>, transpose_lhs_hint = false} : vector<64x128xf32>, vector<64x128xf32>, vector<64x64xf32> -> vector<64x64xf32>
    %dot_general3A_631 = arith.constant dense<0.000000e+00> : vector<64x64xf32>
    %dot_general3A_632 = tpu.matmul %slice3A_5, %slice3A_628, %dot_general3A_631 {dimension_numbers = #tpu.dot_dimension_numbers<[1], [1], [0], [0], [0, 0, 1, 0], [], []>, transpose_lhs_hint = false} : vector<64x128xf32>, vector<64x128xf32>, vector<64x64xf32> -> vector<64x64xf32>
    %concatenate3A_633 = tpu.concatenate %dot_general3A_630, %dot_general3A_632 in 1 : vector<64x64xf32>, vector<64x64xf32> -> vector<64x128xf32>
    %slice3A_634 = vector.extract_strided_slice %get3A_1 {offsets = [0, 13440], sizes = [64, 128], strides = [1, 1]} : vector<64x16384xf32> to vector<64x128xf32>
    %dot_general3A_635 = arith.constant dense<0.000000e+00> : vector<64x64xf32>
    %dot_general3A_636 = tpu.matmul %slice3A, %slice3A_634, %dot_general3A_635 {dimension_numbers = #tpu.dot_dimension_numbers<[1], [1], [0], [0], [0, 0, 1, 0], [], []>, transpose_lhs_hint = false} : vector<64x128xf32>, vector<64x128xf32>, vector<64x64xf32> -> vector<64x64xf32>
    %dot_general3A_637 = arith.constant dense<0.000000e+00> : vector<64x64xf32>
    %dot_general3A_638 = tpu.matmul %slice3A_5, %slice3A_634, %dot_general3A_637 {dimension_numbers = #tpu.dot_dimension_numbers<[1], [1], [0], [0], [0, 0, 1, 0], [], []>, transpose_lhs_hint = false} : vector<64x128xf32>, vector<64x128xf32>, vector<64x64xf32> -> vector<64x64xf32>
    %concatenate3A_639 = tpu.concatenate %dot_general3A_636, %dot_general3A_638 in 1 : vector<64x64xf32>, vector<64x64xf32> -> vector<64x128xf32>
    %slice3A_640 = vector.extract_strided_slice %get3A_1 {offsets = [0, 13568], sizes = [64, 128], strides = [1, 1]} : vector<64x16384xf32> to vector<64x128xf32>
    %dot_general3A_641 = arith.constant dense<0.000000e+00> : vector<64x64xf32>
    %dot_general3A_642 = tpu.matmul %slice3A, %slice3A_640, %dot_general3A_641 {dimension_numbers = #tpu.dot_dimension_numbers<[1], [1], [0], [0], [0, 0, 1, 0], [], []>, transpose_lhs_hint = false} : vector<64x128xf32>, vector<64x128xf32>, vector<64x64xf32> -> vector<64x64xf32>
    %dot_general3A_643 = arith.constant dense<0.000000e+00> : vector<64x64xf32>
    %dot_general3A_644 = tpu.matmul %slice3A_5, %slice3A_640, %dot_general3A_643 {dimension_numbers = #tpu.dot_dimension_numbers<[1], [1], [0], [0], [0, 0, 1, 0], [], []>, transpose_lhs_hint = false} : vector<64x128xf32>, vector<64x128xf32>, vector<64x64xf32> -> vector<64x64xf32>
    %concatenate3A_645 = tpu.concatenate %dot_general3A_642, %dot_general3A_644 in 1 : vector<64x64xf32>, vector<64x64xf32> -> vector<64x128xf32>
    %slice3A_646 = vector.extract_strided_slice %get3A_1 {offsets = [0, 13696], sizes = [64, 128], strides = [1, 1]} : vector<64x16384xf32> to vector<64x128xf32>
    %dot_general3A_647 = arith.constant dense<0.000000e+00> : vector<64x64xf32>
    %dot_general3A_648 = tpu.matmul %slice3A, %slice3A_646, %dot_general3A_647 {dimension_numbers = #tpu.dot_dimension_numbers<[1], [1], [0], [0], [0, 0, 1, 0], [], []>, transpose_lhs_hint = false} : vector<64x128xf32>, vector<64x128xf32>, vector<64x64xf32> -> vector<64x64xf32>
    %dot_general3A_649 = arith.constant dense<0.000000e+00> : vector<64x64xf32>
    %dot_general3A_650 = tpu.matmul %slice3A_5, %slice3A_646, %dot_general3A_649 {dimension_numbers = #tpu.dot_dimension_numbers<[1], [1], [0], [0], [0, 0, 1, 0], [], []>, transpose_lhs_hint = false} : vector<64x128xf32>, vector<64x128xf32>, vector<64x64xf32> -> vector<64x64xf32>
    %concatenate3A_651 = tpu.concatenate %dot_general3A_648, %dot_general3A_650 in 1 : vector<64x64xf32>, vector<64x64xf32> -> vector<64x128xf32>
    %slice3A_652 = vector.extract_strided_slice %get3A_1 {offsets = [0, 13824], sizes = [64, 128], strides = [1, 1]} : vector<64x16384xf32> to vector<64x128xf32>
    %dot_general3A_653 = arith.constant dense<0.000000e+00> : vector<64x64xf32>
    %dot_general3A_654 = tpu.matmul %slice3A, %slice3A_652, %dot_general3A_653 {dimension_numbers = #tpu.dot_dimension_numbers<[1], [1], [0], [0], [0, 0, 1, 0], [], []>, transpose_lhs_hint = false} : vector<64x128xf32>, vector<64x128xf32>, vector<64x64xf32> -> vector<64x64xf32>
    %dot_general3A_655 = arith.constant dense<0.000000e+00> : vector<64x64xf32>
    %dot_general3A_656 = tpu.matmul %slice3A_5, %slice3A_652, %dot_general3A_655 {dimension_numbers = #tpu.dot_dimension_numbers<[1], [1], [0], [0], [0, 0, 1, 0], [], []>, transpose_lhs_hint = false} : vector<64x128xf32>, vector<64x128xf32>, vector<64x64xf32> -> vector<64x64xf32>
    %concatenate3A_657 = tpu.concatenate %dot_general3A_654, %dot_general3A_656 in 1 : vector<64x64xf32>, vector<64x64xf32> -> vector<64x128xf32>
    %slice3A_658 = vector.extract_strided_slice %get3A_1 {offsets = [0, 13952], sizes = [64, 128], strides = [1, 1]} : vector<64x16384xf32> to vector<64x128xf32>
    %dot_general3A_659 = arith.constant dense<0.000000e+00> : vector<64x64xf32>
    %dot_general3A_660 = tpu.matmul %slice3A, %slice3A_658, %dot_general3A_659 {dimension_numbers = #tpu.dot_dimension_numbers<[1], [1], [0], [0], [0, 0, 1, 0], [], []>, transpose_lhs_hint = false} : vector<64x128xf32>, vector<64x128xf32>, vector<64x64xf32> -> vector<64x64xf32>
    %dot_general3A_661 = arith.constant dense<0.000000e+00> : vector<64x64xf32>
    %dot_general3A_662 = tpu.matmul %slice3A_5, %slice3A_658, %dot_general3A_661 {dimension_numbers = #tpu.dot_dimension_numbers<[1], [1], [0], [0], [0, 0, 1, 0], [], []>, transpose_lhs_hint = false} : vector<64x128xf32>, vector<64x128xf32>, vector<64x64xf32> -> vector<64x64xf32>
    %concatenate3A_663 = tpu.concatenate %dot_general3A_660, %dot_general3A_662 in 1 : vector<64x64xf32>, vector<64x64xf32> -> vector<64x128xf32>
    %slice3A_664 = vector.extract_strided_slice %get3A_1 {offsets = [0, 14080], sizes = [64, 128], strides = [1, 1]} : vector<64x16384xf32> to vector<64x128xf32>
    %dot_general3A_665 = arith.constant dense<0.000000e+00> : vector<64x64xf32>
    %dot_general3A_666 = tpu.matmul %slice3A, %slice3A_664, %dot_general3A_665 {dimension_numbers = #tpu.dot_dimension_numbers<[1], [1], [0], [0], [0, 0, 1, 0], [], []>, transpose_lhs_hint = false} : vector<64x128xf32>, vector<64x128xf32>, vector<64x64xf32> -> vector<64x64xf32>
    %dot_general3A_667 = arith.constant dense<0.000000e+00> : vector<64x64xf32>
    %dot_general3A_668 = tpu.matmul %slice3A_5, %slice3A_664, %dot_general3A_667 {dimension_numbers = #tpu.dot_dimension_numbers<[1], [1], [0], [0], [0, 0, 1, 0], [], []>, transpose_lhs_hint = false} : vector<64x128xf32>, vector<64x128xf32>, vector<64x64xf32> -> vector<64x64xf32>
    %concatenate3A_669 = tpu.concatenate %dot_general3A_666, %dot_general3A_668 in 1 : vector<64x64xf32>, vector<64x64xf32> -> vector<64x128xf32>
    %slice3A_670 = vector.extract_strided_slice %get3A_1 {offsets = [0, 14208], sizes = [64, 128], strides = [1, 1]} : vector<64x16384xf32> to vector<64x128xf32>
    %dot_general3A_671 = arith.constant dense<0.000000e+00> : vector<64x64xf32>
    %dot_general3A_672 = tpu.matmul %slice3A, %slice3A_670, %dot_general3A_671 {dimension_numbers = #tpu.dot_dimension_numbers<[1], [1], [0], [0], [0, 0, 1, 0], [], []>, transpose_lhs_hint = false} : vector<64x128xf32>, vector<64x128xf32>, vector<64x64xf32> -> vector<64x64xf32>
    %dot_general3A_673 = arith.constant dense<0.000000e+00> : vector<64x64xf32>
    %dot_general3A_674 = tpu.matmul %slice3A_5, %slice3A_670, %dot_general3A_673 {dimension_numbers = #tpu.dot_dimension_numbers<[1], [1], [0], [0], [0, 0, 1, 0], [], []>, transpose_lhs_hint = false} : vector<64x128xf32>, vector<64x128xf32>, vector<64x64xf32> -> vector<64x64xf32>
    %concatenate3A_675 = tpu.concatenate %dot_general3A_672, %dot_general3A_674 in 1 : vector<64x64xf32>, vector<64x64xf32> -> vector<64x128xf32>
    %slice3A_676 = vector.extract_strided_slice %get3A_1 {offsets = [0, 14336], sizes = [64, 128], strides = [1, 1]} : vector<64x16384xf32> to vector<64x128xf32>
    %dot_general3A_677 = arith.constant dense<0.000000e+00> : vector<64x64xf32>
    %dot_general3A_678 = tpu.matmul %slice3A, %slice3A_676, %dot_general3A_677 {dimension_numbers = #tpu.dot_dimension_numbers<[1], [1], [0], [0], [0, 0, 1, 0], [], []>, transpose_lhs_hint = false} : vector<64x128xf32>, vector<64x128xf32>, vector<64x64xf32> -> vector<64x64xf32>
    %dot_general3A_679 = arith.constant dense<0.000000e+00> : vector<64x64xf32>
    %dot_general3A_680 = tpu.matmul %slice3A_5, %slice3A_676, %dot_general3A_679 {dimension_numbers = #tpu.dot_dimension_numbers<[1], [1], [0], [0], [0, 0, 1, 0], [], []>, transpose_lhs_hint = false} : vector<64x128xf32>, vector<64x128xf32>, vector<64x64xf32> -> vector<64x64xf32>
    %concatenate3A_681 = tpu.concatenate %dot_general3A_678, %dot_general3A_680 in 1 : vector<64x64xf32>, vector<64x64xf32> -> vector<64x128xf32>
    %slice3A_682 = vector.extract_strided_slice %get3A_1 {offsets = [0, 14464], sizes = [64, 128], strides = [1, 1]} : vector<64x16384xf32> to vector<64x128xf32>
    %dot_general3A_683 = arith.constant dense<0.000000e+00> : vector<64x64xf32>
    %dot_general3A_684 = tpu.matmul %slice3A, %slice3A_682, %dot_general3A_683 {dimension_numbers = #tpu.dot_dimension_numbers<[1], [1], [0], [0], [0, 0, 1, 0], [], []>, transpose_lhs_hint = false} : vector<64x128xf32>, vector<64x128xf32>, vector<64x64xf32> -> vector<64x64xf32>
    %dot_general3A_685 = arith.constant dense<0.000000e+00> : vector<64x64xf32>
    %dot_general3A_686 = tpu.matmul %slice3A_5, %slice3A_682, %dot_general3A_685 {dimension_numbers = #tpu.dot_dimension_numbers<[1], [1], [0], [0], [0, 0, 1, 0], [], []>, transpose_lhs_hint = false} : vector<64x128xf32>, vector<64x128xf32>, vector<64x64xf32> -> vector<64x64xf32>
    %concatenate3A_687 = tpu.concatenate %dot_general3A_684, %dot_general3A_686 in 1 : vector<64x64xf32>, vector<64x64xf32> -> vector<64x128xf32>
    %slice3A_688 = vector.extract_strided_slice %get3A_1 {offsets = [0, 14592], sizes = [64, 128], strides = [1, 1]} : vector<64x16384xf32> to vector<64x128xf32>
    %dot_general3A_689 = arith.constant dense<0.000000e+00> : vector<64x64xf32>
    %dot_general3A_690 = tpu.matmul %slice3A, %slice3A_688, %dot_general3A_689 {dimension_numbers = #tpu.dot_dimension_numbers<[1], [1], [0], [0], [0, 0, 1, 0], [], []>, transpose_lhs_hint = false} : vector<64x128xf32>, vector<64x128xf32>, vector<64x64xf32> -> vector<64x64xf32>
    %dot_general3A_691 = arith.constant dense<0.000000e+00> : vector<64x64xf32>
    %dot_general3A_692 = tpu.matmul %slice3A_5, %slice3A_688, %dot_general3A_691 {dimension_numbers = #tpu.dot_dimension_numbers<[1], [1], [0], [0], [0, 0, 1, 0], [], []>, transpose_lhs_hint = false} : vector<64x128xf32>, vector<64x128xf32>, vector<64x64xf32> -> vector<64x64xf32>
    %concatenate3A_693 = tpu.concatenate %dot_general3A_690, %dot_general3A_692 in 1 : vector<64x64xf32>, vector<64x64xf32> -> vector<64x128xf32>
    %slice3A_694 = vector.extract_strided_slice %get3A_1 {offsets = [0, 14720], sizes = [64, 128], strides = [1, 1]} : vector<64x16384xf32> to vector<64x128xf32>
    %dot_general3A_695 = arith.constant dense<0.000000e+00> : vector<64x64xf32>
    %dot_general3A_696 = tpu.matmul %slice3A, %slice3A_694, %dot_general3A_695 {dimension_numbers = #tpu.dot_dimension_numbers<[1], [1], [0], [0], [0, 0, 1, 0], [], []>, transpose_lhs_hint = false} : vector<64x128xf32>, vector<64x128xf32>, vector<64x64xf32> -> vector<64x64xf32>
    %dot_general3A_697 = arith.constant dense<0.000000e+00> : vector<64x64xf32>
    %dot_general3A_698 = tpu.matmul %slice3A_5, %slice3A_694, %dot_general3A_697 {dimension_numbers = #tpu.dot_dimension_numbers<[1], [1], [0], [0], [0, 0, 1, 0], [], []>, transpose_lhs_hint = false} : vector<64x128xf32>, vector<64x128xf32>, vector<64x64xf32> -> vector<64x64xf32>
    %concatenate3A_699 = tpu.concatenate %dot_general3A_696, %dot_general3A_698 in 1 : vector<64x64xf32>, vector<64x64xf32> -> vector<64x128xf32>
    %slice3A_700 = vector.extract_strided_slice %get3A_1 {offsets = [0, 14848], sizes = [64, 128], strides = [1, 1]} : vector<64x16384xf32> to vector<64x128xf32>
    %dot_general3A_701 = arith.constant dense<0.000000e+00> : vector<64x64xf32>
    %dot_general3A_702 = tpu.matmul %slice3A, %slice3A_700, %dot_general3A_701 {dimension_numbers = #tpu.dot_dimension_numbers<[1], [1], [0], [0], [0, 0, 1, 0], [], []>, transpose_lhs_hint = false} : vector<64x128xf32>, vector<64x128xf32>, vector<64x64xf32> -> vector<64x64xf32>
    %dot_general3A_703 = arith.constant dense<0.000000e+00> : vector<64x64xf32>
    %dot_general3A_704 = tpu.matmul %slice3A_5, %slice3A_700, %dot_general3A_703 {dimension_numbers = #tpu.dot_dimension_numbers<[1], [1], [0], [0], [0, 0, 1, 0], [], []>, transpose_lhs_hint = false} : vector<64x128xf32>, vector<64x128xf32>, vector<64x64xf32> -> vector<64x64xf32>
    %concatenate3A_705 = tpu.concatenate %dot_general3A_702, %dot_general3A_704 in 1 : vector<64x64xf32>, vector<64x64xf32> -> vector<64x128xf32>
    %slice3A_706 = vector.extract_strided_slice %get3A_1 {offsets = [0, 14976], sizes = [64, 128], strides = [1, 1]} : vector<64x16384xf32> to vector<64x128xf32>
    %dot_general3A_707 = arith.constant dense<0.000000e+00> : vector<64x64xf32>
    %dot_general3A_708 = tpu.matmul %slice3A, %slice3A_706, %dot_general3A_707 {dimension_numbers = #tpu.dot_dimension_numbers<[1], [1], [0], [0], [0, 0, 1, 0], [], []>, transpose_lhs_hint = false} : vector<64x128xf32>, vector<64x128xf32>, vector<64x64xf32> -> vector<64x64xf32>
    %dot_general3A_709 = arith.constant dense<0.000000e+00> : vector<64x64xf32>
    %dot_general3A_710 = tpu.matmul %slice3A_5, %slice3A_706, %dot_general3A_709 {dimension_numbers = #tpu.dot_dimension_numbers<[1], [1], [0], [0], [0, 0, 1, 0], [], []>, transpose_lhs_hint = false} : vector<64x128xf32>, vector<64x128xf32>, vector<64x64xf32> -> vector<64x64xf32>
    %concatenate3A_711 = tpu.concatenate %dot_general3A_708, %dot_general3A_710 in 1 : vector<64x64xf32>, vector<64x64xf32> -> vector<64x128xf32>
    %slice3A_712 = vector.extract_strided_slice %get3A_1 {offsets = [0, 15104], sizes = [64, 128], strides = [1, 1]} : vector<64x16384xf32> to vector<64x128xf32>
    %dot_general3A_713 = arith.constant dense<0.000000e+00> : vector<64x64xf32>
    %dot_general3A_714 = tpu.matmul %slice3A, %slice3A_712, %dot_general3A_713 {dimension_numbers = #tpu.dot_dimension_numbers<[1], [1], [0], [0], [0, 0, 1, 0], [], []>, transpose_lhs_hint = false} : vector<64x128xf32>, vector<64x128xf32>, vector<64x64xf32> -> vector<64x64xf32>
    %dot_general3A_715 = arith.constant dense<0.000000e+00> : vector<64x64xf32>
    %dot_general3A_716 = tpu.matmul %slice3A_5, %slice3A_712, %dot_general3A_715 {dimension_numbers = #tpu.dot_dimension_numbers<[1], [1], [0], [0], [0, 0, 1, 0], [], []>, transpose_lhs_hint = false} : vector<64x128xf32>, vector<64x128xf32>, vector<64x64xf32> -> vector<64x64xf32>
    %concatenate3A_717 = tpu.concatenate %dot_general3A_714, %dot_general3A_716 in 1 : vector<64x64xf32>, vector<64x64xf32> -> vector<64x128xf32>
    %slice3A_718 = vector.extract_strided_slice %get3A_1 {offsets = [0, 15232], sizes = [64, 128], strides = [1, 1]} : vector<64x16384xf32> to vector<64x128xf32>
    %dot_general3A_719 = arith.constant dense<0.000000e+00> : vector<64x64xf32>
    %dot_general3A_720 = tpu.matmul %slice3A, %slice3A_718, %dot_general3A_719 {dimension_numbers = #tpu.dot_dimension_numbers<[1], [1], [0], [0], [0, 0, 1, 0], [], []>, transpose_lhs_hint = false} : vector<64x128xf32>, vector<64x128xf32>, vector<64x64xf32> -> vector<64x64xf32>
    %dot_general3A_721 = arith.constant dense<0.000000e+00> : vector<64x64xf32>
    %dot_general3A_722 = tpu.matmul %slice3A_5, %slice3A_718, %dot_general3A_721 {dimension_numbers = #tpu.dot_dimension_numbers<[1], [1], [0], [0], [0, 0, 1, 0], [], []>, transpose_lhs_hint = false} : vector<64x128xf32>, vector<64x128xf32>, vector<64x64xf32> -> vector<64x64xf32>
    %concatenate3A_723 = tpu.concatenate %dot_general3A_720, %dot_general3A_722 in 1 : vector<64x64xf32>, vector<64x64xf32> -> vector<64x128xf32>
    %slice3A_724 = vector.extract_strided_slice %get3A_1 {offsets = [0, 15360], sizes = [64, 128], strides = [1, 1]} : vector<64x16384xf32> to vector<64x128xf32>
    %dot_general3A_725 = arith.constant dense<0.000000e+00> : vector<64x64xf32>
    %dot_general3A_726 = tpu.matmul %slice3A, %slice3A_724, %dot_general3A_725 {dimension_numbers = #tpu.dot_dimension_numbers<[1], [1], [0], [0], [0, 0, 1, 0], [], []>, transpose_lhs_hint = false} : vector<64x128xf32>, vector<64x128xf32>, vector<64x64xf32> -> vector<64x64xf32>
    %dot_general3A_727 = arith.constant dense<0.000000e+00> : vector<64x64xf32>
    %dot_general3A_728 = tpu.matmul %slice3A_5, %slice3A_724, %dot_general3A_727 {dimension_numbers = #tpu.dot_dimension_numbers<[1], [1], [0], [0], [0, 0, 1, 0], [], []>, transpose_lhs_hint = false} : vector<64x128xf32>, vector<64x128xf32>, vector<64x64xf32> -> vector<64x64xf32>
    %concatenate3A_729 = tpu.concatenate %dot_general3A_726, %dot_general3A_728 in 1 : vector<64x64xf32>, vector<64x64xf32> -> vector<64x128xf32>
    %slice3A_730 = vector.extract_strided_slice %get3A_1 {offsets = [0, 15488], sizes = [64, 128], strides = [1, 1]} : vector<64x16384xf32> to vector<64x128xf32>
    %dot_general3A_731 = arith.constant dense<0.000000e+00> : vector<64x64xf32>
    %dot_general3A_732 = tpu.matmul %slice3A, %slice3A_730, %dot_general3A_731 {dimension_numbers = #tpu.dot_dimension_numbers<[1], [1], [0], [0], [0, 0, 1, 0], [], []>, transpose_lhs_hint = false} : vector<64x128xf32>, vector<64x128xf32>, vector<64x64xf32> -> vector<64x64xf32>
    %dot_general3A_733 = arith.constant dense<0.000000e+00> : vector<64x64xf32>
    %dot_general3A_734 = tpu.matmul %slice3A_5, %slice3A_730, %dot_general3A_733 {dimension_numbers = #tpu.dot_dimension_numbers<[1], [1], [0], [0], [0, 0, 1, 0], [], []>, transpose_lhs_hint = false} : vector<64x128xf32>, vector<64x128xf32>, vector<64x64xf32> -> vector<64x64xf32>
    %concatenate3A_735 = tpu.concatenate %dot_general3A_732, %dot_general3A_734 in 1 : vector<64x64xf32>, vector<64x64xf32> -> vector<64x128xf32>
    %slice3A_736 = vector.extract_strided_slice %get3A_1 {offsets = [0, 15616], sizes = [64, 128], strides = [1, 1]} : vector<64x16384xf32> to vector<64x128xf32>
    %dot_general3A_737 = arith.constant dense<0.000000e+00> : vector<64x64xf32>
    %dot_general3A_738 = tpu.matmul %slice3A, %slice3A_736, %dot_general3A_737 {dimension_numbers = #tpu.dot_dimension_numbers<[1], [1], [0], [0], [0, 0, 1, 0], [], []>, transpose_lhs_hint = false} : vector<64x128xf32>, vector<64x128xf32>, vector<64x64xf32> -> vector<64x64xf32>
    %dot_general3A_739 = arith.constant dense<0.000000e+00> : vector<64x64xf32>
    %dot_general3A_740 = tpu.matmul %slice3A_5, %slice3A_736, %dot_general3A_739 {dimension_numbers = #tpu.dot_dimension_numbers<[1], [1], [0], [0], [0, 0, 1, 0], [], []>, transpose_lhs_hint = false} : vector<64x128xf32>, vector<64x128xf32>, vector<64x64xf32> -> vector<64x64xf32>
    %concatenate3A_741 = tpu.concatenate %dot_general3A_738, %dot_general3A_740 in 1 : vector<64x64xf32>, vector<64x64xf32> -> vector<64x128xf32>
    %slice3A_742 = vector.extract_strided_slice %get3A_1 {offsets = [0, 15744], sizes = [64, 128], strides = [1, 1]} : vector<64x16384xf32> to vector<64x128xf32>
    %dot_general3A_743 = arith.constant dense<0.000000e+00> : vector<64x64xf32>
    %dot_general3A_744 = tpu.matmul %slice3A, %slice3A_742, %dot_general3A_743 {dimension_numbers = #tpu.dot_dimension_numbers<[1], [1], [0], [0], [0, 0, 1, 0], [], []>, transpose_lhs_hint = false} : vector<64x128xf32>, vector<64x128xf32>, vector<64x64xf32> -> vector<64x64xf32>
    %dot_general3A_745 = arith.constant dense<0.000000e+00> : vector<64x64xf32>
    %dot_general3A_746 = tpu.matmul %slice3A_5, %slice3A_742, %dot_general3A_745 {dimension_numbers = #tpu.dot_dimension_numbers<[1], [1], [0], [0], [0, 0, 1, 0], [], []>, transpose_lhs_hint = false} : vector<64x128xf32>, vector<64x128xf32>, vector<64x64xf32> -> vector<64x64xf32>
    %concatenate3A_747 = tpu.concatenate %dot_general3A_744, %dot_general3A_746 in 1 : vector<64x64xf32>, vector<64x64xf32> -> vector<64x128xf32>
    %slice3A_748 = vector.extract_strided_slice %get3A_1 {offsets = [0, 15872], sizes = [64, 128], strides = [1, 1]} : vector<64x16384xf32> to vector<64x128xf32>
    %dot_general3A_749 = arith.constant dense<0.000000e+00> : vector<64x64xf32>
    %dot_general3A_750 = tpu.matmul %slice3A, %slice3A_748, %dot_general3A_749 {dimension_numbers = #tpu.dot_dimension_numbers<[1], [1], [0], [0], [0, 0, 1, 0], [], []>, transpose_lhs_hint = false} : vector<64x128xf32>, vector<64x128xf32>, vector<64x64xf32> -> vector<64x64xf32>
    %dot_general3A_751 = arith.constant dense<0.000000e+00> : vector<64x64xf32>
    %dot_general3A_752 = tpu.matmul %slice3A_5, %slice3A_748, %dot_general3A_751 {dimension_numbers = #tpu.dot_dimension_numbers<[1], [1], [0], [0], [0, 0, 1, 0], [], []>, transpose_lhs_hint = false} : vector<64x128xf32>, vector<64x128xf32>, vector<64x64xf32> -> vector<64x64xf32>
    %concatenate3A_753 = tpu.concatenate %dot_general3A_750, %dot_general3A_752 in 1 : vector<64x64xf32>, vector<64x64xf32> -> vector<64x128xf32>
    %slice3A_754 = vector.extract_strided_slice %get3A_1 {offsets = [0, 16000], sizes = [64, 128], strides = [1, 1]} : vector<64x16384xf32> to vector<64x128xf32>
    %dot_general3A_755 = arith.constant dense<0.000000e+00> : vector<64x64xf32>
    %dot_general3A_756 = tpu.matmul %slice3A, %slice3A_754, %dot_general3A_755 {dimension_numbers = #tpu.dot_dimension_numbers<[1], [1], [0], [0], [0, 0, 1, 0], [], []>, transpose_lhs_hint = false} : vector<64x128xf32>, vector<64x128xf32>, vector<64x64xf32> -> vector<64x64xf32>
    %dot_general3A_757 = arith.constant dense<0.000000e+00> : vector<64x64xf32>
    %dot_general3A_758 = tpu.matmul %slice3A_5, %slice3A_754, %dot_general3A_757 {dimension_numbers = #tpu.dot_dimension_numbers<[1], [1], [0], [0], [0, 0, 1, 0], [], []>, transpose_lhs_hint = false} : vector<64x128xf32>, vector<64x128xf32>, vector<64x64xf32> -> vector<64x64xf32>
    %concatenate3A_759 = tpu.concatenate %dot_general3A_756, %dot_general3A_758 in 1 : vector<64x64xf32>, vector<64x64xf32> -> vector<64x128xf32>
    %slice3A_760 = vector.extract_strided_slice %get3A_1 {offsets = [0, 16128], sizes = [64, 128], strides = [1, 1]} : vector<64x16384xf32> to vector<64x128xf32>
    %dot_general3A_761 = arith.constant dense<0.000000e+00> : vector<64x64xf32>
    %dot_general3A_762 = tpu.matmul %slice3A, %slice3A_760, %dot_general3A_761 {dimension_numbers = #tpu.dot_dimension_numbers<[1], [1], [0], [0], [0, 0, 1, 0], [], []>, transpose_lhs_hint = false} : vector<64x128xf32>, vector<64x128xf32>, vector<64x64xf32> -> vector<64x64xf32>
    %dot_general3A_763 = arith.constant dense<0.000000e+00> : vector<64x64xf32>
    %dot_general3A_764 = tpu.matmul %slice3A_5, %slice3A_760, %dot_general3A_763 {dimension_numbers = #tpu.dot_dimension_numbers<[1], [1], [0], [0], [0, 0, 1, 0], [], []>, transpose_lhs_hint = false} : vector<64x128xf32>, vector<64x128xf32>, vector<64x64xf32> -> vector<64x64xf32>
    %concatenate3A_765 = tpu.concatenate %dot_general3A_762, %dot_general3A_764 in 1 : vector<64x64xf32>, vector<64x64xf32> -> vector<64x128xf32>
    %slice3A_766 = vector.extract_strided_slice %get3A_1 {offsets = [0, 16256], sizes = [64, 128], strides = [1, 1]} : vector<64x16384xf32> to vector<64x128xf32>
    %dot_general3A_767 = arith.constant dense<0.000000e+00> : vector<64x64xf32>
    %dot_general3A_768 = tpu.matmul %slice3A, %slice3A_766, %dot_general3A_767 {dimension_numbers = #tpu.dot_dimension_numbers<[1], [1], [0], [0], [0, 0, 1, 0], [], []>, transpose_lhs_hint = false} : vector<64x128xf32>, vector<64x128xf32>, vector<64x64xf32> -> vector<64x64xf32>
    %dot_general3A_769 = arith.constant dense<0.000000e+00> : vector<64x64xf32>
    %dot_general3A_770 = tpu.matmul %slice3A_5, %slice3A_766, %dot_general3A_769 {dimension_numbers = #tpu.dot_dimension_numbers<[1], [1], [0], [0], [0, 0, 1, 0], [], []>, transpose_lhs_hint = false} : vector<64x128xf32>, vector<64x128xf32>, vector<64x64xf32> -> vector<64x64xf32>
    %concatenate3A_771 = tpu.concatenate %dot_general3A_768, %dot_general3A_770 in 1 : vector<64x64xf32>, vector<64x64xf32> -> vector<64x128xf32>
    %concatenate3A_772 = tpu.concatenate %concatenate3A, %concatenate3A_15, %concatenate3A_21, %concatenate3A_27, %concatenate3A_33, %concatenate3A_39, %concatenate3A_45, %concatenate3A_51, %concatenate3A_57, %concatenate3A_63, %concatenate3A_69, %concatenate3A_75, %concatenate3A_81, %concatenate3A_87, %concatenate3A_93, %concatenate3A_99, %concatenate3A_105, %concatenate3A_111, %concatenate3A_117, %concatenate3A_123, %concatenate3A_129, %concatenate3A_135, %concatenate3A_141, %concatenate3A_147, %concatenate3A_153, %concatenate3A_159, %concatenate3A_165, %concatenate3A_171, %concatenate3A_177, %concatenate3A_183, %concatenate3A_189, %concatenate3A_195, %concatenate3A_201, %concatenate3A_207, %concatenate3A_213, %concatenate3A_219, %concatenate3A_225, %concatenate3A_231, %concatenate3A_237, %concatenate3A_243, %concatenate3A_249, %concatenate3A_255, %concatenate3A_261, %concatenate3A_267, %concatenate3A_273, %concatenate3A_279, %concatenate3A_285, %concatenate3A_291, %concatenate3A_297, %concatenate3A_303, %concatenate3A_309, %concatenate3A_315, %concatenate3A_321, %concatenate3A_327, %concatenate3A_333, %concatenate3A_339, %concatenate3A_345, %concatenate3A_351, %concatenate3A_357, %concatenate3A_363, %concatenate3A_369, %concatenate3A_375, %concatenate3A_381, %concatenate3A_387, %concatenate3A_393, %concatenate3A_399, %concatenate3A_405, %concatenate3A_411, %concatenate3A_417, %concatenate3A_423, %concatenate3A_429, %concatenate3A_435, %concatenate3A_441, %concatenate3A_447, %concatenate3A_453, %concatenate3A_459, %concatenate3A_465, %concatenate3A_471, %concatenate3A_477, %concatenate3A_483, %concatenate3A_489, %concatenate3A_495, %concatenate3A_501, %concatenate3A_507, %concatenate3A_513, %concatenate3A_519, %concatenate3A_525, %concatenate3A_531, %concatenate3A_537, %concatenate3A_543, %concatenate3A_549, %concatenate3A_555, %concatenate3A_561, %concatenate3A_567, %concatenate3A_573, %concatenate3A_579, %concatenate3A_585, %concatenate3A_591, %concatenate3A_597, %concatenate3A_603, %concatenate3A_609, %concatenate3A_615, %concatenate3A_621, %concatenate3A_627, %concatenate3A_633, %concatenate3A_639, %concatenate3A_645, %concatenate3A_651, %concatenate3A_657, %concatenate3A_663, %concatenate3A_669, %concatenate3A_675, %concatenate3A_681, %concatenate3A_687, %concatenate3A_693, %concatenate3A_699, %concatenate3A_705, %concatenate3A_711, %concatenate3A_717, %concatenate3A_723, %concatenate3A_729, %concatenate3A_735, %concatenate3A_741, %concatenate3A_747, %concatenate3A_753, %concatenate3A_759, %concatenate3A_765, %concatenate3A_771 in 0 : vector<64x128xf32>, vector<64x128xf32>, vector<64x128xf32>, vector<64x128xf32>, vector<64x128xf32>, vector<64x128xf32>, vector<64x128xf32>, vector<64x128xf32>, vector<64x128xf32>, vector<64x128xf32>, vector<64x128xf32>, vector<64x128xf32>, vector<64x128xf32>, vector<64x128xf32>, vector<64x128xf32>, vector<64x128xf32>, vector<64x128xf32>, vector<64x128xf32>, vector<64x128xf32>, vector<64x128xf32>, vector<64x128xf32>, vector<64x128xf32>, vector<64x128xf32>, vector<64x128xf32>, vector<64x128xf32>, vector<64x128xf32>, vector<64x128xf32>, vector<64x128xf32>, vector<64x128xf32>, vector<64x128xf32>, vector<64x128xf32>, vector<64x128xf32>, vector<64x128xf32>, vector<64x128xf32>, vector<64x128xf32>, vector<64x128xf32>, vector<64x128xf32>, vector<64x128xf32>, vector<64x128xf32>, vector<64x128xf32>, vector<64x128xf32>, vector<64x128xf32>, vector<64x128xf32>, vector<64x128xf32>, vector<64x128xf32>, vector<64x128xf32>, vector<64x128xf32>, vector<64x128xf32>, vector<64x128xf32>, vector<64x128xf32>, vector<64x128xf32>, vector<64x128xf32>, vector<64x128xf32>, vector<64x128xf32>, vector<64x128xf32>, vector<64x128xf32>, vector<64x128xf32>, vector<64x128xf32>, vector<64x128xf32>, vector<64x128xf32>, vector<64x128xf32>, vector<64x128xf32>, vector<64x128xf32>, vector<64x128xf32>, vector<64x128xf32>, vector<64x128xf32>, vector<64x128xf32>, vector<64x128xf32>, vector<64x128xf32>, vector<64x128xf32>, vector<64x128xf32>, vector<64x128xf32>, vector<64x128xf32>, vector<64x128xf32>, vector<64x128xf32>, vector<64x128xf32>, vector<64x128xf32>, vector<64x128xf32>, vector<64x128xf32>, vector<64x128xf32>, vector<64x128xf32>, vector<64x128xf32>, vector<64x128xf32>, vector<64x128xf32>, vector<64x128xf32>, vector<64x128xf32>, vector<64x128xf32>, vector<64x128xf32>, vector<64x128xf32>, vector<64x128xf32>, vector<64x128xf32>, vector<64x128xf32>, vector<64x128xf32>, vector<64x128xf32>, vector<64x128xf32>, vector<64x128xf32>, vector<64x128xf32>, vector<64x128xf32>, vector<64x128xf32>, vector<64x128xf32>, vector<64x128xf32>, vector<64x128xf32>, vector<64x128xf32>, vector<64x128xf32>, vector<64x128xf32>, vector<64x128xf32>, vector<64x128xf32>, vector<64x128xf32>, vector<64x128xf32>, vector<64x128xf32>, vector<64x128xf32>, vector<64x128xf32>, vector<64x128xf32>, vector<64x128xf32>, vector<64x128xf32>, vector<64x128xf32>, vector<64x128xf32>, vector<64x128xf32>, vector<64x128xf32>, vector<64x128xf32>, vector<64x128xf32>, vector<64x128xf32>, vector<64x128xf32>, vector<64x128xf32>, vector<64x128xf32>, vector<64x128xf32>, vector<64x128xf32>, vector<64x128xf32> -> vector<8192x128xf32>
    %swap3A = arith.constant 0 : index
    %swap3A_773 = arith.constant 0 : index
    %swap3A_774 = vector.load %arg3[%swap3A, %swap3A_773] : memref<8192x128xf32, #tpu.memory_space<vmem>>, vector<8192x128xf32>
    tpu.vector_store %arg3[%swap3A, %swap3A_773], %concatenate3A_772 {strides = array<i32>} : memref<8192x128xf32, #tpu.memory_space<vmem>>, vector<8192x128xf32>,
    return
  }
  func.func @transform_0(%arg0: i32) -> (i32, i32) {
    %c0_i32 = arith.constant 0 : i32
    %c0_i32_0 = arith.constant 0 : i32
    %c0_i32_1 = arith.constant 0 : i32
    return %c0_i32, %c0_i32_0 : i32, i32
  }
  func.func @transform_1(%arg0: i32) -> (i32, i32) {
    %c0_i32 = arith.constant 0 : i32
    %c0_i32_0 = arith.constant 0 : i32
    return %c0_i32, %arg0 : i32, i32
  }
  func.func @transform_2(%arg0: i32) -> (i32, i32) {
    %c0_i32 = arith.constant 0 : i32
    %c0_i32_0 = arith.constant 0 : i32
    return %arg0, %c0_i32 : i32, i32
  }
}

</mosaic_0001>

<sc_bundles>
// kernel: kernel.4.cloned.1.call-start
scs
__scs_entry_jumppad:
0x0: {  	(pc) =	sbr.rel $0x88, $3  }
0x1: {  	(tag) =	ssettag $0x0;
	lr =	simm.s32 $0x1  }
0x2: {  	[smem:$0x3F9E] =	sst lr;
	_ =	strace $0xD0000000  }
0x3: {  	_ = 	snop  }
0x4: {  	_ = 	snop  }
0x5: {  	_ = 	snop  }
0x6: {  	_ = 	snop  }
0x7: {  	_ = 	snop  }
__scs_overlays_trampoline_lowered:
0x8: {  	[smem:$0x3FAD] =	sst s0  }
0x9: {  	[smem:$0x3FAE] =	sst s1  }
0xa: {  	[smem:$0x3FAF] =	sst s2  }
0xb: {  	[smem:$0x3FB0] =	sst s3  }
0xc: {  	[smem:$0x3FB1] =	sst s4  }
0xd: {  	[smem:$0x3FB2] =	sst s5  }
0xe: {  	[smem:$0x3FB3] =	sst s6  }
0xf: {  	[smem:$0x3FB4] =	sst s7  }
0x10: {  	[smem:$0x3FB5] =	sst s8  }
0x11: {  	[smem:$0x3FB6] =	sst s9;
	s0 =	simm.s32 @!p0 $0x0  }
0x12: {  	s1 =	sld [smem:$0x3F9C];
	s0 =	simm.s32 @p0 $0x1  }
0x13: {  	[smem:$0x3FB7] =	sst s0;
	s0 =	simm.s32 @!p1 $0x0  }
0x14: {  	s2 =	sld [smem:$0x3F9B];
	s0 =	simm.s32 @p1 $0x1  }
0x15: {  	[smem:$0x3FB8] =	sst s0;
	s0 =	simm.s32 @!p2 $0x0  }
0x16: {  	s3 =	sld [smem:$0x3FDB];
	s0 =	simm.s32 @p2 $0x1  }
0x17: {  	s4 =	simm.s32 $0x1BF5;
	[smem:$0x3FBA] =	sst s0  }
0x18: {  	s0 =	sld [smem:$0x3F9D];
	_ =	swait.ge [sflag:s4], $0x0  }
0x19: {  	s7 =	sld [smem:$0x3F9E]  }
0x1a: {  	s8 =	sadd.s32 $0xFFFFE003, lr  }
0x1b: {  	s9 =	sadd.s32 $0xFFFFFEF7, lr;
	s5 =	simm.s32 $0xFFFFFFFF;
	p2 =	slt.u32 s8, $0xFFFFF086  }
0x1c: {  	p1 =	slt.u32 s9, $0xF7A;
	s5 =	simm.s32 @!p2 $0x0  }
0x1d: {  	s5 =	simm.s32 @p1 $0x1;
	p0 =	seq.s32 s7, s2  }
0x1e: {  	s7 =	smul.u32 @!p0 $0xF7A, s2;
	p2 =	seq.s32 @!p0 s5, $0x0  }
0x1f: {  	s9 =	smul.u32 $0xF7A, s1;
	s8 =	simm.s32 @!p0 $0x1BF5;
	p2 =	por !p2, p0  }
0x20: {  	[sflag:s8] =	ssyncset.s32 @!p0 $0xFFFFF086;
	s6 =	sadd.s32 @!p0 s3, s7;
	s7 =	simm.s32 @!p0 $0x108  }
0x21: {  	s3 =	sadd.s32 s3, s9;
	s6 =	sadd.s32 @!p0 $0x88, s6;
	s7 =	simm.s32 @p2 $0x1082  }
0x22: {  	[simem:s7], [sflag:s8] =	dma.local @!p0 [hbm:s6], $0xF7A  }
0x23: {  	s9 =	sor.u32 $0xD0000000, s2;
	s6 =	simm.s32 $0x108;
	_ =	swait.ge @!p0 [sflag:s8], $0x0  }
0x24: {  	s3 =	sadd.s32 $0x88, s3;
	s6 =	simm.s32 @!p1 $0x1082;
	[sflag:s4] =	ssyncset.s32 $0xFFFFF086  }
0x25: {  	[simem:s6], [sflag:s4] =	dma.local [hbm:s3], $0xF7A  }
0x26: {  	[smem:$0x3F9E] =	sst s1;
	(tag) =	ssettag s2;
	_ =	strace s9  }
0x27: {  	s1 =	sld [smem:$0x3FAE]  }
0x28: {  	s2 =	sld [smem:$0x3FAF]  }
0x29: {  	s4 =	sld [smem:$0x3FB1]  }
0x2a: {  	p0 =	seq.s32 s5, $0x0;
	s5 =	sld [smem:$0x3FB2]  }
0x2b: {  	s6 =	sld [smem:$0x3FB3]  }
0x2c: {  	s7 =	sld [smem:$0x3FB4]  }
0x2d: {  	s3 =	simm.s32 $0x108;
	s8 =	sld [smem:$0x3FB5]  }
0x2e: {  	s3 =	simm.s32 @!p0 $0x1082;
	s9 =	sld [smem:$0x3FB6]  }
0x2f: {  	lr =	sadd.s32 s0, s3;
	s0 =	sld [smem:$0x3FAD]  }
0x30: {  	s3 =	sld [smem:$0x3FB0]  }
0x31: {  	[smem:$0x3FB9] =	sst s10  }
0x32: {  	s10 =	sld [smem:$0x3FB7];
	_ =	sdelay $0x3  }
0x33: {  	p0 =	seq.s32 s10, $0x1;
	s10 =	sld [smem:$0x3FB9];
	_ =	sdelay $0x3  }
0x34: {  	[smem:$0x3FB9] =	sst s10  }
0x35: {  	s10 =	sld [smem:$0x3FB8];
	_ =	sdelay $0x3  }
0x36: {  	p1 =	seq.s32 s10, $0x1;
	s10 =	sld [smem:$0x3FB9];
	_ =	sdelay $0x3  }
0x37: {  	[smem:$0x3FB9] =	sst s10  }
0x38: {  	s10 =	sld [smem:$0x3FBA]  }
0x39: {  	_ = 	snop;
	(pc) =	sbr.ind lr, $3  }
0x3a: {  	_ = 	snop  }
0x3b: {  	_ = 	snop  }
0x3c: {  	p2 =	seq.s32 s10, $0x1;
	s10 =	sld [smem:$0x3FB9]  }
0x3d: {  	_ =	shalt  }
0x3e: {  	_ =	shalt  }
0x3f: {  	_ =	shalt  }
0x40: {  	_ =	shalt  }
0x41: {  	_ =	shalt  }
0x42: {  	_ =	shalt  }
0x43: {  	_ =	shalt  }
0x44: {  	_ =	shalt  }
0x45: {  	_ =	shalt  }
0x46: {  	_ =	shalt  }
0x47: {  	_ =	shalt  }
0x48: {  	_ =	shalt  }
0x49: {  	_ =	shalt  }
0x4a: {  	_ =	shalt  }
0x4b: {  	_ =	shalt  }
0x4c: {  	_ =	shalt  }
0x4d: {  	_ =	shalt  }
0x4e: {  	_ =	shalt  }
0x4f: {  	_ =	shalt  }
0x50: {  	_ =	shalt  }
0x51: {  	_ =	shalt  }
0x52: {  	_ =	shalt  }
0x53: {  	_ =	shalt  }
0x54: {  	_ =	shalt  }
0x55: {  	_ =	shalt  }
0x56: {  	_ =	shalt  }
0x57: {  	_ =	shalt  }
0x58: {  	_ =	shalt  }
0x59: {  	_ =	shalt  }
0x5a: {  	_ =	shalt  }
0x5b: {  	_ =	shalt  }
0x5c: {  	_ =	shalt  }
0x5d: {  	_ =	shalt  }
0x5e: {  	_ =	shalt  }
0x5f: {  	_ =	shalt  }
0x60: {  	_ =	shalt  }
0x61: {  	_ =	shalt  }
0x62: {  	_ =	shalt  }
0x63: {  	_ =	shalt  }
0x64: {  	_ =	shalt  }
0x65: {  	_ =	shalt  }
0x66: {  	_ =	shalt  }
0x67: {  	_ =	shalt  }
0x68: {  	_ =	shalt  }
0x69: {  	_ =	shalt  }
0x6a: {  	_ =	shalt  }
0x6b: {  	_ =	shalt  }
0x6c: {  	_ =	shalt  }
0x6d: {  	_ =	shalt  }
0x6e: {  	_ =	shalt  }
0x6f: {  	_ =	shalt  }
0x70: {  	_ =	shalt  }
0x71: {  	_ =	shalt  }
0x72: {  	_ =	shalt  }
0x73: {  	_ =	shalt  }
0x74: {  	_ =	shalt  }
0x75: {  	_ =	shalt  }
0x76: {  	_ =	shalt  }
0x77: {  	_ =	shalt  }
0x78: {  	_ =	shalt  }
0x79: {  	_ =	shalt  }
0x7a: {  	_ =	shalt  }
0x7b: {  	_ =	shalt  }
0x7c: {  	_ =	shalt  }
0x7d: {  	_ =	shalt  }
0x7e: {  	_ =	shalt  }
0x7f: {  	_ =	shalt  }
0x80: {  	_ =	shalt  }
0x81: {  	_ =	shalt  }
0x82: {  	_ =	shalt  }
0x83: {  	_ =	shalt  }
0x84: {  	_ =	shalt  }
0x85: {  	_ =	shalt  }
0x86: {  	_ =	shalt  }
0x87: {  	_ =	shalt  }
.Lfunc_end0:
.L_simem_size_0:
called_computation.1_lowered:
.L_overlay_start_0:
0x88: {  	s2 =	sld [smem:$0x3FD9]  }
0x89: {  	s3 =	sld [smem:$0x3FFE];
	_ =	sdelay $0x1  }
0x8a: {  	s1 =	srdreg.scid  }
0x8b: {  	s0 =	sand.u32 $0x1, s1  }
0x8c: {  	s17 =	sshll.u32 s0, $0xA;
	s2 =	sadd.s32 s3, s2  }
0x8d: {  	s2 =	sadd.s32 s2, s17  }
0x8e: {  	[smem:$0x3FC5] =	sst s2  }
0x8f: {  	_ = 	snop  }
0x90: {  	s2 =	sld [smem:$0x3FD0];
	(tm) =	ssettm $0x1  }
0x91: {  	s18 =	sld [smem:$0x3FFB];
	_ =	sdelay $0x3  }
0x92: {  	_ =	strace s18  }
0x93: {  	s3 =	sld [smem:$0x3FFC];
	_ =	sdelay $0x3  }
0x94: {  	_ =	strace s3  }
0x95: {  	s3 =	sld [smem:$0x3FFD];
	_ =	sdelay $0x3  }
0x96: {  	_ =	strace s3  }
0x97: {  	_ =	strace $0x8FFFFFFF  }
0x98: {  	s19 =	sld [smem:$0x3FDB];
	_ =	sdelay $0x1  }
0x99: {  	s4 =	simm.s32 $_scs_section_size  }
0x9a: {  	s5 =	simm.s32 $_size__tile_overlayer_lowered;
	s6 =	simm.s32 $_tile_overlayer_lowered  }
0x9b: {  	s22 =	simm.s32 $0x1BFF;
	s21 =	sshll.u32 s6, $0x1;
	s3 =	sadd.s32 s4, s19  }
0x9c: {  	s7 =	simm.s32 $0x0;
	s20 =	sshll.u32 s5, $0x1;
	s5 =	sadd.s32 s21, s3  }
0x9d: {  	[timem:s7], [sflag:s22] =	dma.local [hbm:s5], s20  }
0x9e: {  	_ =	swait.ge [sflag:s22], s20  }
0x9f: {  	s4 =	ssub.s32 $0x0, s20;
	[sflag:s22] =	ssyncset.done $0x0  }
0xa0: {  	[sflag:s22] =	ssyncadd.s32 s4;
	_ =	sdelay $0x1  }
0xa1: {  	s23 =	simm.s32 $0x1B8B  }
0xa2: {  	_ =	swait.ge [sflag:s23], $0x1  }
0xa3: {  	[sflag:s23] =	ssyncset.done $0x0  }
0xa4: {  	s25 =	simm.s32 $0x1B8E;
	s24 =	sld [smem:$0x3FFE];
	[sflag:s23] =	ssyncadd.s32 $0xFFFFFFFF  }
0xa5: {  	s26 =	simm.s32 $execute0_lowered;
	[smem:$0x3FD2] =	sst s25  }
0xa6: {  	s5 =	sshll.u32 s26, $0x1;
	_ =	strace $0x80000046;
	[dreg:$0x1] =	wrdreg $0xFFFFFFFF  }
0xa7: {  	s28 =	simm.s32 $_size_execute0_lowered;
	s3 =	sadd.s32 s3, s5;
	[dreg:$0x0] =	wrdreg $0x0  }
0xa8: {  	s5 =	sshll.u32 s28, $0x1;
	[dreg:$0x2] =	wrdreg s3  }
0xa9: {  	[dreg:$0x3] =	wrdreg s5  }
0xaa: {  	[dreg:$0x4] =	wrdreg $0xC0  }
0xab: {  	_ =	task [dreg:s7], $0x5FFFF  }
0xac: {  	[dreg:$0x1] =	wrdreg $0xFFFFFFFF  }
0xad: {  	[dreg:$0x0] =	wrdreg $0x60  }
0xae: {  	[dreg:$0x2] =	wrdreg s2  }
0xaf: {  	[dreg:$0x3] =	wrdreg s24  }
0xb0: {  	[dreg:$0x4] =	wrdreg $0x9  }
0xb1: {  	_ =	task.clear_ibuf [dreg:s7], $0x5FFFF;
	_ =	strace $0x90000046  }
0xb2: {  	s29 =	simm.s32 $0x9;
	_ =	strace $0x80000048  }
0xb3: {  	_ =	swait.ge [sflag:s29], $0x1  }
0xb4: {  	[sflag:s29] =	ssyncadd.s32 $0xFFFFFFFF  }
0xb5: {  	_ =	strace $0x90000048  }
0xb6: {  	_ =	sfence  }
0xb7: {  	s30 =	sld [smem:$0x0];
	_ =	sdelay $0x2  }
0xb8: {  	s31 =	sshll.u32 s1, $0xD;
	s1 =	sshrl.u32 s1, $0x2  }
0xb9: {  	s3 =	sand.u32 $0x4000, s31;
	s1 =	sadd.s32 s1, s30  }
0xba: {  	s0 =	sor.u32 s3, s0;
	s1 =	sshll.u32 s1, $0x11  }
0xbb: {  	s0 =	sor.u32 s1, s0  }
0xbc: {  	s0 =	sadd.s32 $0x8F2B, s0  }
0xbd: {  	[sflag:s0] =	ssyncadd.remote.s32 $0x1  }
0xbe: {  	_ =	sfence.sel $0xFFFF  }
0xbf: {  	[dreg:$0x0] =	wrdreg $0xFFFFFFFF;
	(pc) =	sbr.abs _section_cstart, $3  }
0xc0: {  	[dreg:$0x1] =	wrdreg $0xFFFFFFFF  }
0xc1: {  	_ =	task.clear_ibuf [dreg:s7], $0x2FFFF;
	_ =	strace $0x9FFFFFFF  }
0xc2: {  	(tm) =	ssettm $0x7FFFFFFF  }
0xc3: {  	_ =	shalt  }
tec
execute0_lowered:
.L_overlay_start_1:
0x0: {  	(tag) =	ssettag $0x1  }
0x1: {  	s2 =	rddreg [dreg:$0x0]  }
0x2: {  	s0 =	rddreg [dreg:$0x1]  }
0x3: {  	s1 =	srdreg.scid;
	s4 =	stileid.u32  }
0x4: {  	s3 =	simm.s32 $0x0;
	s12 =	simm.s32 $0x7;
	s13 =	simm.s32 $0x3200  }
0x5: {  	s14 =	simm.s32 $0x32D0;
	s15 =	simm.s32 $0x1;
	s16 =	simm.s32 $0x80  }
0x6: {  	s18 =	simm.s32 $0x48;
	s21 =	simm.s32 $0x4;
	s22 =	simm.s32 $0x40  }
0x7: {  	s23 =	simm.s32 $0xC9A0;
	s24 =	simm.s32 $0x6;
	s25 =	simm.s32 $0x2  }
0x8: {  	s28 =	simm.s32 $0x3350;
	s29 =	simm.s32 $0x85A0;
	s30 =	simm.s32 $0x3  }
0x9: {  	s31 =	simm.s32 $0x97A0;
	s1 =	sand.u32 $0x1, s1;
	s4 =	sshll.u32 s4, $0x1  }
0xa: {  	[smem:$0x7FF] =	sst s3;
	s5 =	sadd.s32 $0xA00, s0;
	s6 =	sadd.s32 $0x7A2400, s0  }
.Ltmp0:
0xb: {  	s8 =	sor.u32 s1, s4;
	s26 =	ssub.s32 $0x2, s1;
	(pc) =	sbr.rel .LBB2_1-.Ltmp0, $4  }
0xc: {  	_ =	strace $0x80000047;
	s7 =	smul.u32 $0xC80, s8;
	s1 =	sshrl.u32 s26, $0x1  }
0xd: {  	s4 =	sadd.s32 $0x1200, s0;
	s8 =	sshll.u32 s8, $0x7;
	s0 =	ssub.s32 s26, s1  }
0xe: {  	s10 =	sor.u32 $0x2, s8;
	s26 =	simm.s32 $0x65A0;
	s7 =	sadd.s32 s2, s7  }
0xf: {  	s11 =	smax.u32 s0, $0x1;
	s0 =	simm.s32 $0x0;
	s9 =	sadd.s32 $0x19, s7  }
.LBB2_10:
0x10: {  	s0 =	sadd.s32 $0x1, s0  }
0x11: {  	p0 =	sne.s32 s0, s11  }
.Ltmp1:
0x12: {  	_ = 	snop;
	(pc) =	sbr.rel @!p0 .LBB2_11-.Ltmp1, $4  }
0x13: {  	_ = 	snop  }
0x14: {  	_ =	swait.ge [sflag:s24], $0x3200  }
0x15: {  	[sflag:s24] =	ssyncset.done $0x0  }
0x16: {  	[sflag:s24] =	ssyncadd.s32 $0xFFFFCE00  }
.LBB2_1:
0x17: {  	[tilespmem:s3], [sflag:$0x7] =	stream.linear.gather [hbm4b:s5+s3], $0x3200, $0x38;
	[tilespmem:$0xFBA0] =	vst v63  }
0x18: {  	_ =	swait.ge [sflag:s12], $0x3200  }
0x19: {  	[sflag:s12] =	ssyncset.done $0x0  }
0x1a: {  	[sflag:s12] =	ssyncadd.s32 $0xFFFFCE00  }
0x1b: {  	[tilespmem:s13], [sflag:$0x1] =	stream.linear.gather [hbm4b:s7+s3], $0xC8, $0x38;
	[tilespmem:$0xFBA0] =	vst v63  }
0x1c: {  	_ = 	snop  }
0x1d: {  	[tilespmem:s14], [sflag:$0x2] =	stream.linear.gather [hbm4b:s9+s3], $0xC8, $0x38;
	[tilespmem:$0xFBA0] =	vst v63  }
0x1e: {  	_ =	swait.ge [sflag:s15], $0xC8  }
.Ltmp2:
0x1f: {  	[sflag:s15] =	ssyncset.done $0x0;
	(pc) =	sbr.rel .LBB2_2-.Ltmp2, $4  }
0x20: {  	s1 =	simm.s32 $0x33A0;
	[sflag:s15] =	ssyncadd.s32 $0xFFFFFF38  }
0x21: {  	[tilespmem:s1], [sflag:$0x3] =	stream.indirect.gather [hbm4b:s4+s16], $0x40, s13, s16, $0xb8;
	[tilespmem:$0xFBA0] =	vst v63  }
0x22: {  	s20 =	simm.s32 $0x3280;
	s17 =	simm.s32 $0x53A0;
	s1 =	simm.s32 $0x0  }
0x23: {  	[tilespmem:s17], [sflag:$0x3] =	stream.indirect.gather [hbm4b:s4+s18], $0x40, s20, s18, $0xb8;
	[tilespmem:$0xFBA0] =	vst v63  }
.LBB2_5:
0x24: {  	v6 =	vld [tilespmem:s19+$0xF0]  }
0x25: {  	v7 =	vld [tilespmem:s19+$0x33A0];
	[tilespmem:s17+$0x9860] =	vst v5;
	v2 =	vadd.f32 v3, v2  }
0x26: {  	v28 =	vld [tilespmem:s19+$0x0]  }
0x27: {  	v0 =	vadd.f32 v4, v0;
	v5 =	vld [tilespmem:s19+$0x33B0];
	[tilespmem:s17+$0x9870] =	vst v2  }
0x28: {  	v2 =	vld [tilespmem:s19+$0x10]  }
0x29: {  	v29 =	vld [tilespmem:s19+$0x33C0];
	[tilespmem:s17+$0x9880] =	vst v0  }
0x2a: {  	v31 =	vld [tilespmem:s19+$0x20]  }
0x2b: {  	v32 =	vld [tilespmem:s19+$0x33D0]  }
0x2c: {  	v33 =	vld [tilespmem:s19+$0x30]  }
0x2d: {  	v34 =	vld [tilespmem:s19+$0x33E0]  }
0x2e: {  	v35 =	vld [tilespmem:s19+$0x40]  }
0x2f: {  	v36 =	vld [tilespmem:s19+$0x33F0]  }
0x30: {  	v37 =	vld [tilespmem:s19+$0x50]  }
0x31: {  	v38 =	vld [tilespmem:s19+$0x3400]  }
0x32: {  	v39 =	vld [tilespmem:s19+$0x60]  }
0x33: {  	v41 =	vld [tilespmem:s19+$0x3410]  }
0x34: {  	v42 =	vld [tilespmem:s19+$0x70]  }
0x35: {  	v44 =	vld [tilespmem:s19+$0x3420]  }
0x36: {  	v45 =	vld [tilespmem:s19+$0x80]  }
0x37: {  	v47 =	vld [tilespmem:s19+$0x3430]  }
0x38: {  	v48 =	vld [tilespmem:s19+$0x90];
	v30 =	vadd.f32 v6, v1  }
0x39: {  	v50 =	vld [tilespmem:s19+$0x3440];
	v3 =	vadd.f32 v28, v7  }
0x3a: {  	v51 =	vld [tilespmem:s19+$0xA0];
	[tilespmem:s19+$0x9890] =	vst v30;
	v2 =	vadd.f32 v2, v5  }
0x3b: {  	v53 =	vld [tilespmem:s19+$0x3450];
	[tilespmem:s19+$0x97A0] =	vst v3;
	v1 =	vadd.f32 v31, v29  }
0x3c: {  	v54 =	vld [tilespmem:s19+$0xB0];
	v0 =	vadd.f32 v33, v32;
	[tilespmem:s19+$0x97B0] =	vst v2  }
0x3d: {  	v56 =	vld [tilespmem:s19+$0x3460];
	v40 =	vadd.f32 v35, v34;
	[tilespmem:s19+$0x97C0] =	vst v1  }
0x3e: {  	v59 =	vld [tilespmem:s19+$0x3470];
	v43 =	vadd.f32 v37, v36;
	[tilespmem:s19+$0x97D0] =	vst v0  }
0x3f: {  	v60 =	vld [tilespmem:s19+$0xD0];
	v46 =	vadd.f32 v39, v38;
	[tilespmem:s19+$0x97E0] =	vst v40  }
0x40: {  	v57 =	vld [tilespmem:s19+$0xC0];
	v49 =	vadd.f32 v42, v41;
	[tilespmem:s19+$0x97F0] =	vst v43  }
0x41: {  	v61 =	vld [tilespmem:s19+$0x3480];
	v52 =	vadd.f32 v45, v44;
	[tilespmem:s19+$0x9800] =	vst v46  }
0x42: {  	v62 =	vld [tilespmem:s19+$0xE0];
	v55 =	vadd.f32 v48, v47;
	[tilespmem:s19+$0x9810] =	vst v49  }
0x43: {  	v58 =	vadd.f32 v51, v50;
	[tilespmem:s19+$0x9820] =	vst v52  }
0x44: {  	v63 =	vadd.f32 v60, v59;
	[tilespmem:s19+$0x9830] =	vst v55  }
0x45: {  	v2 =	vadd.f32 v54, v53;
	[tilespmem:s19+$0x9840] =	vst v58  }
0x46: {  	s20 =	sadd.s32 s8, s1;
	v1 =	vadd.f32 v57, v56;
	[tilespmem:s19+$0x9870] =	vst v63  }
0x47: {  	p0 =	sgt.u32 s1, $0x7D;
	s17 =	smul.u32 $0xC80, s20;
	v0 =	vadd.f32 v62, v61;
	[tilespmem:s19+$0x9850] =	vst v2  }
0x48: {  	s20 =	sadd.s32 @!p0 s1, s10;
	[tilespmem:s19+$0x9860] =	vst v1  }
0x49: {  	s17 =	sadd.s32 s6, s17;
	[tilespmem:s19+$0x9880] =	vst v0;
	s19 =	smul.u32 @!p0 $0x19, s20  }
0x4a: {  	[hbm4b:s17+s22] =	stream.strided.scatter [tilespmem:s31], [sflag:$0x5], $0x3200, s16, s22, $0x38;
	[tilespmem:$0xFBA0] =	vst v63  }
0x4b: {  	s20 =	simm.s32 @!p0 $0x3200;
	s17 =	sadd.s32 @!p0 s2, s19;
	s19 =	simm.s32 @!p0 $0x0  }
0x4c: {  	[tilespmem:s20], [sflag:$0x1] =	stream.linear.gather @!p0 [hbm4b:s17+s19], $0xC8, $0x38;
	[tilespmem:$0xFBA0] =	vst v63  }
.LBB2_9:
0x4d: {  	s1 =	sadd.s32 $0x1, s1  }
0x4e: {  	p0 =	sne.s32 s1, $0x80  }
.Ltmp3:
0x4f: {  	_ = 	snop;
	(pc) =	sbr.rel @!p0 .LBB2_10-.Ltmp3, $1  }
0x50: {  	_ =	sdelay $0x3  }
.LBB2_2:
0x51: {  	s17 =	sand.u32 $0x1, s1  }
0x52: {  	p0 =	seq.s32 s17, $0x1  }
.Ltmp4:
0x53: {  	_ = 	snop;
	(pc) =	sbr.rel @!p0 .LBB2_3-.Ltmp4, $1  }
0x54: {  	_ =	sdelay $0x3  }
0x55: {  	p0 =	seq.s32 s1, $0x7F  }
0x56: {  	s17 =	simm.s32 @!p0 $0x1  }
0x57: {  	_ =	swait.ge @!p0 [sflag:s17], $0xC8  }
0x58: {  	s19 =	simm.s32 @!p0 $0x3200;
	[sflag:s17] =	ssyncset.done @!p0 $0x0  }
0x59: {  	s20 =	simm.s32 @!p0 $0x33A0;
	[sflag:s17] =	ssyncadd.s32 @!p0 $0xFFFFFF38;
	s17 =	simm.s32 @!p0 $0x80  }
0x5a: {  	[tilespmem:s20], [sflag:$0x3] =	stream.indirect.gather @!p0 [hbm4b:s4+s17], $0x40, s19, s17, $0xb8;
	[tilespmem:$0xFBA0] =	vst v63  }
0x5b: {  	s17 =	simm.s32 @!p0 $0x48;
	s19 =	simm.s32 @!p0 $0x3280;
	s20 =	simm.s32 @!p0 $0x53A0  }
0x5c: {  	[tilespmem:s20], [sflag:$0x3] =	stream.indirect.gather @!p0 [hbm4b:s4+s17], $0x40, s19, s17, $0xb8;
	[tilespmem:$0xFBA0] =	vst v63  }
0x5d: {  	_ =	swait.ge [sflag:s21], $0x3200  }
0x5e: {  	p0 =	slt.u32 s1, $0x2;
	[sflag:s21] =	ssyncset.done $0x0  }
0x5f: {  	s17 =	simm.s32 @!p0 $0x6;
	[sflag:s21] =	ssyncadd.s32 $0xFFFFCE00  }
0x60: {  	_ =	swait.ge @!p0 [sflag:s17], $0x3200  }
0x61: {  	[sflag:s17] =	ssyncset.done @!p0 $0x0  }
0x62: {  	[sflag:s17] =	ssyncadd.s32 @!p0 $0xFFFFCE00;
	s17 =	simm.s32 $0x0  }
0x63: {  	v0 =	vld [tilespmem:s17+$0x6690]  }
0x64: {  	v1 =	vld [tilespmem:s17+$0xF0]  }
0x65: {  	v2 =	vld [tilespmem:s17+$0x65A0]  }
0x66: {  	v3 =	vld [tilespmem:s17+$0x0]  }
0x67: {  	v4 =	vld [tilespmem:s17+$0x65B0]  }
0x68: {  	v5 =	vld [tilespmem:s17+$0x10]  }
0x69: {  	v6 =	vld [tilespmem:s17+$0x65C0]  }
0x6a: {  	v7 =	vld [tilespmem:s17+$0x65D0]  }
0x6b: {  	v0 =	vadd.f32 v1, v0;
	v1 =	vld [tilespmem:s17+$0x20]  }
0x6c: {  	v2 =	vadd.f32 v3, v2;
	v3 =	vld [tilespmem:s17+$0x65E0]  }
0x6d: {  	[tilespmem:s17+$0xCA90] =	vst v0;
	v0 =	vld [tilespmem:s17+$0x30]  }
0x6e: {  	[tilespmem:s17+$0xC9A0] =	vst v2;
	v2 =	vadd.f32 v5, v4;
	v4 =	vld [tilespmem:s17+$0x40]  }
0x6f: {  	v5 =	vld [tilespmem:s17+$0x50]  }
0x70: {  	[tilespmem:s17+$0xC9B0] =	vst v2;
	v2 =	vld [tilespmem:s17+$0x65F0];
	v1 =	vadd.f32 v1, v6  }
0x71: {  	v6 =	vld [tilespmem:s17+$0x60]  }
0x72: {  	[tilespmem:s17+$0xC9C0] =	vst v1;
	v0 =	vadd.f32 v0, v7;
	v1 =	vld [tilespmem:s17+$0x6600]  }
0x73: {  	v7 =	vld [tilespmem:s17+$0xB0]  }
0x74: {  	[tilespmem:s17+$0xC9D0] =	vst v0;
	v0 =	vadd.f32 v4, v3;
	v3 =	vld [tilespmem:s17+$0x6610]  }
0x75: {  	v4 =	vld [tilespmem:s17+$0x70]  }
0x76: {  	[tilespmem:s17+$0xC9E0] =	vst v0;
	v0 =	vadd.f32 v5, v2;
	v2 =	vld [tilespmem:s17+$0x6620]  }
0x77: {  	v5 =	vld [tilespmem:s17+$0x80]  }
0x78: {  	[tilespmem:s17+$0xC9F0] =	vst v0;
	v0 =	vadd.f32 v6, v1;
	v1 =	vld [tilespmem:s17+$0x6630]  }
0x79: {  	v6 =	vld [tilespmem:s17+$0x90]  }
0x7a: {  	[tilespmem:s17+$0xCA00] =	vst v0;
	v0 =	vadd.f32 v4, v3;
	v3 =	vld [tilespmem:s17+$0x6640]  }
0x7b: {  	v4 =	vld [tilespmem:s17+$0xA0]  }
0x7c: {  	[tilespmem:s17+$0xCA10] =	vst v0;
	v0 =	vadd.f32 v5, v2;
	v5 =	vld [tilespmem:s17+$0x6650]  }
0x7d: {  	v8 =	vld [tilespmem:s17+$0xC0]  }
0x7e: {  	[tilespmem:s17+$0xCA20] =	vst v0;
	v0 =	vadd.f32 v6, v1;
	v6 =	vld [tilespmem:s17+$0x6660]  }
0x7f: {  	v2 =	vld [tilespmem:s17+$0x6670]  }
0x80: {  	[tilespmem:s17+$0xCA30] =	vst v0;
	v0 =	vadd.f32 v4, v3;
	v3 =	vld [tilespmem:s17+$0xD0]  }
0x81: {  	v4 =	vld [tilespmem:s17+$0xE0];
	v5 =	vadd.f32 v7, v5  }
0x82: {  	s19 =	simm.s32 $0x100;
	[tilespmem:s17+$0xCA40] =	vst v0;
	v0 =	vld [tilespmem:s17+$0x6680]  }
0x83: {  	s20 =	simm.s32 $0x800;
	v1 =	vld [tilespmem:s19+$0x6690];
	[tilespmem:s17+$0xCA50] =	vst v5;
	v5 =	vadd.f32 v8, v6  }
.LBB2_7:
0x84: {  	p0 =	sne.s32 s20, $0xC400;
	v6 =	vld [tilespmem:s19+$0xF0]  }
0x85: {  	v7 =	vld [tilespmem:s19+$0x65A0];
	[tilespmem:s17+$0xCA60] =	vst v5;
	v2 =	vadd.f32 v3, v2  }
0x86: {  	v3 =	vld [tilespmem:s19+$0x0]  }
0x87: {  	v5 =	vld [tilespmem:s19+$0x65B0];
	[tilespmem:s17+$0xCA70] =	vst v2;
	v0 =	vadd.f32 v4, v0  }
0x88: {  	v2 =	vld [tilespmem:s19+$0x10]  }
0x89: {  	v4 =	vld [tilespmem:s19+$0x65C0];
	v1 =	vadd.f32 v6, v1;
	[tilespmem:s17+$0xCA80] =	vst v0;
	s17 =	smov.u32 s19  }
0x8a: {  	v0 =	vld [tilespmem:s17+$0x20]  }
0x8b: {  	v3 =	vadd.f32 v3, v7;
	v6 =	vld [tilespmem:s17+$0x65D0];
	[tilespmem:s17+$0xCA90] =	vst v1  }
0x8c: {  	v1 =	vld [tilespmem:s17+$0x30]  }
0x8d: {  	[tilespmem:s17+$0xC9A0] =	vst v3;
	v2 =	vadd.f32 v2, v5;
	v3 =	vld [tilespmem:s17+$0x65E0]  }
0x8e: {  	v5 =	vld [tilespmem:s17+$0x40]  }
0x8f: {  	[tilespmem:s17+$0xC9B0] =	vst v2;
	v0 =	vadd.f32 v0, v4;
	v2 =	vld [tilespmem:s17+$0x65F0]  }
0x90: {  	v4 =	vld [tilespmem:s17+$0x50]  }
0x91: {  	[tilespmem:s17+$0xC9C0] =	vst v0;
	v0 =	vadd.f32 v1, v6;
	v1 =	vld [tilespmem:s17+$0x6600]  }
0x92: {  	v6 =	vld [tilespmem:s17+$0x60]  }
0x93: {  	[tilespmem:s17+$0xC9D0] =	vst v0;
	v0 =	vadd.f32 v5, v3;
	v3 =	vld [tilespmem:s17+$0x6610]  }
0x94: {  	v5 =	vld [tilespmem:s17+$0x70]  }
0x95: {  	[tilespmem:s17+$0xC9E0] =	vst v0;
	v0 =	vadd.f32 v4, v2;
	v2 =	vld [tilespmem:s17+$0x6620]  }
0x96: {  	v4 =	vld [tilespmem:s17+$0x80]  }
0x97: {  	[tilespmem:s17+$0xC9F0] =	vst v0;
	v0 =	vadd.f32 v6, v1;
	v1 =	vld [tilespmem:s17+$0x6630]  }
0x98: {  	v6 =	vld [tilespmem:s17+$0x90]  }
0x99: {  	[tilespmem:s17+$0xCA00] =	vst v0;
	v0 =	vadd.f32 v5, v3;
	v3 =	vld [tilespmem:s17+$0x6640]  }
0x9a: {  	v5 =	vld [tilespmem:s17+$0xA0]  }
0x9b: {  	[tilespmem:s17+$0xCA10] =	vst v0;
	v0 =	vadd.f32 v4, v2;
	v4 =	vld [tilespmem:s17+$0x6650]  }
0x9c: {  	v7 =	vld [tilespmem:s17+$0xB0]  }
0x9d: {  	[tilespmem:s17+$0xCA20] =	vst v0;
	v0 =	vadd.f32 v6, v1;
	v6 =	vld [tilespmem:s17+$0x6660]  }
0x9e: {  	v8 =	vld [tilespmem:s17+$0xC0]  }
.Ltmp5:
0x9f: {  	[tilespmem:s17+$0xCA30] =	vst v0;
	v0 =	vadd.f32 v5, v3;
	v2 =	vld [tilespmem:s17+$0x6670];
	(pc) =	sbr.rel @p0 .LBB2_7-.Ltmp5, $4  }
0xa0: {  	v3 =	vld [tilespmem:s17+$0xD0]  }
0xa1: {  	[tilespmem:s17+$0xCA40] =	vst v0;
	v5 =	vadd.f32 v7, v4;
	v0 =	vld [tilespmem:s17+$0x6680]  }
0xa2: {  	s19 =	sshra.s32 s20, $0x2;
	v4 =	vld [tilespmem:s17+$0xE0]  }
0xa3: {  	s20 =	sadd.s32 $0x400, s20;
	v1 =	vld [tilespmem:s19+$0x6690];
	[tilespmem:s17+$0xCA50] =	vst v5;
	v5 =	vadd.f32 v8, v6  }
0xa4: {  	v6 =	vld [tilespmem:s19+$0xF0]  }
0xa5: {  	v7 =	vld [tilespmem:s19+$0x65A0];
	[tilespmem:s17+$0xCA60] =	vst v5;
	v2 =	vadd.f32 v3, v2  }
0xa6: {  	v28 =	vld [tilespmem:s19+$0x0]  }
0xa7: {  	v5 =	vld [tilespmem:s19+$0x65B0];
	[tilespmem:s17+$0xCA70] =	vst v2;
	v0 =	vadd.f32 v4, v0  }
0xa8: {  	v2 =	vld [tilespmem:s19+$0x10]  }
0xa9: {  	v29 =	vld [tilespmem:s19+$0x65C0];
	[tilespmem:s17+$0xCA80] =	vst v0  }
0xaa: {  	v31 =	vld [tilespmem:s19+$0x20]  }
0xab: {  	v32 =	vld [tilespmem:s19+$0x65D0]  }
0xac: {  	v33 =	vld [tilespmem:s19+$0x30]  }
0xad: {  	v34 =	vld [tilespmem:s19+$0x65E0]  }
0xae: {  	v35 =	vld [tilespmem:s19+$0x40]  }
0xaf: {  	v36 =	vld [tilespmem:s19+$0x65F0]  }
0xb0: {  	v37 =	vld [tilespmem:s19+$0x50]  }
0xb1: {  	v38 =	vld [tilespmem:s19+$0x6600]  }
0xb2: {  	v39 =	vld [tilespmem:s19+$0x60]  }
0xb3: {  	v41 =	vld [tilespmem:s19+$0x6610]  }
0xb4: {  	v42 =	vld [tilespmem:s19+$0x70]  }
0xb5: {  	v44 =	vld [tilespmem:s19+$0x6620]  }
0xb6: {  	v45 =	vld [tilespmem:s19+$0x80]  }
0xb7: {  	v47 =	vld [tilespmem:s19+$0x6630]  }
0xb8: {  	v30 =	vadd.f32 v6, v1;
	v48 =	vld [tilespmem:s19+$0x90]  }
0xb9: {  	v50 =	vld [tilespmem:s19+$0x6640];
	v3 =	vadd.f32 v28, v7  }
0xba: {  	v51 =	vld [tilespmem:s19+$0xA0];
	[tilespmem:s19+$0xCA90] =	vst v30;
	v2 =	vadd.f32 v2, v5  }
0xbb: {  	v53 =	vld [tilespmem:s19+$0x6650];
	[tilespmem:s19+$0xC9A0] =	vst v3;
	v1 =	vadd.f32 v31, v29  }
0xbc: {  	v54 =	vld [tilespmem:s19+$0xB0];
	[tilespmem:s19+$0xC9B0] =	vst v2;
	v0 =	vadd.f32 v33, v32  }
0xbd: {  	v56 =	vld [tilespmem:s19+$0x6660];
	v40 =	vadd.f32 v35, v34;
	[tilespmem:s19+$0xC9C0] =	vst v1  }
0xbe: {  	v57 =	vld [tilespmem:s19+$0xC0];
	v43 =	vadd.f32 v37, v36;
	[tilespmem:s19+$0xC9D0] =	vst v0  }
0xbf: {  	v59 =	vld [tilespmem:s19+$0x6670];
	v46 =	vadd.f32 v39, v38;
	[tilespmem:s19+$0xC9E0] =	vst v40  }
0xc0: {  	v60 =	vld [tilespmem:s19+$0xD0];
	v49 =	vadd.f32 v42, v41;
	[tilespmem:s19+$0xC9F0] =	vst v43  }
0xc1: {  	v61 =	vld [tilespmem:s19+$0x6680];
	v52 =	vadd.f32 v45, v44;
	[tilespmem:s19+$0xCA00] =	vst v46  }
0xc2: {  	v62 =	vld [tilespmem:s19+$0xE0];
	v55 =	vadd.f32 v48, v47;
	[tilespmem:s19+$0xCA10] =	vst v49  }
0xc3: {  	v58 =	vadd.f32 v51, v50;
	[tilespmem:s19+$0xCA20] =	vst v52  }
0xc4: {  	v2 =	vadd.f32 v54, v53;
	[tilespmem:s19+$0xCA30] =	vst v55  }
0xc5: {  	v63 =	vadd.f32 v60, v59;
	[tilespmem:s19+$0xCA40] =	vst v58  }
0xc6: {  	s20 =	sadd.s32 s8, s1;
	v1 =	vadd.f32 v57, v56;
	[tilespmem:s19+$0xCA50] =	vst v2  }
0xc7: {  	p0 =	sgt.u32 s1, $0x7D;
	s17 =	smul.u32 $0xC80, s20;
	v0 =	vadd.f32 v62, v61;
	[tilespmem:s19+$0xCA70] =	vst v63  }
.Ltmp6:
0xc8: {  	s20 =	sadd.s32 @!p0 s1, s10;
	[tilespmem:s19+$0xCA60] =	vst v1;
	(pc) =	sbr.rel .LBB2_9-.Ltmp6, $4  }
0xc9: {  	s17 =	sadd.s32 s6, s17;
	[tilespmem:s19+$0xCA80] =	vst v0;
	s19 =	smul.u32 @!p0 $0x19, s20  }
0xca: {  	[hbm4b:s17+s22] =	stream.strided.scatter [tilespmem:s23], [sflag:$0x6], $0x3200, s16, s22, $0x38;
	[tilespmem:$0xFBA0] =	vst v63  }
0xcb: {  	s20 =	simm.s32 @!p0 $0x32D0;
	s17 =	sadd.s32 @!p0 s2, s19;
	s19 =	simm.s32 @!p0 $0x0  }
0xcc: {  	[tilespmem:s20], [sflag:$0x2] =	stream.linear.gather @!p0 [hbm4b:s17+s19], $0xC8, $0x38;
	[tilespmem:$0xFBA0] =	vst v63  }
.LBB2_3:
0xcd: {  	_ =	swait.ge [sflag:s25], $0xC8  }
0xce: {  	[sflag:s25] =	ssyncset.done $0x0  }
0xcf: {  	[sflag:s25] =	ssyncadd.s32 $0xFFFFFF38  }
0xd0: {  	[tilespmem:s26], [sflag:$0x4] =	stream.indirect.gather [hbm4b:s4+s16], $0x40, s14, s16, $0xb8;
	[tilespmem:$0xFBA0] =	vst v63  }
0xd1: {  	_ = 	snop  }
0xd2: {  	[tilespmem:s29], [sflag:$0x4] =	stream.indirect.gather [hbm4b:s4+s18], $0x40, s28, s18, $0xb8;
	[tilespmem:$0xFBA0] =	vst v63  }
0xd3: {  	_ =	swait.ge [sflag:s30], $0x3200  }
0xd4: {  	p0 =	slt.u32 s1, $0x2;
	[sflag:s30] =	ssyncset.done $0x0  }
0xd5: {  	s17 =	simm.s32 @!p0 $0x5;
	[sflag:s30] =	ssyncadd.s32 $0xFFFFCE00  }
0xd6: {  	_ =	swait.ge @!p0 [sflag:s17], $0x3200  }
0xd7: {  	[sflag:s17] =	ssyncset.done @!p0 $0x0  }
0xd8: {  	[sflag:s17] =	ssyncadd.s32 @!p0 $0xFFFFCE00;
	s17 =	simm.s32 $0x0  }
0xd9: {  	v0 =	vld [tilespmem:s17+$0x3490]  }
0xda: {  	v1 =	vld [tilespmem:s17+$0xF0]  }
0xdb: {  	v2 =	vld [tilespmem:s17+$0x33A0]  }
0xdc: {  	v3 =	vld [tilespmem:s17+$0x0]  }
0xdd: {  	v4 =	vld [tilespmem:s17+$0x33B0]  }
0xde: {  	v5 =	vld [tilespmem:s17+$0x10]  }
0xdf: {  	v6 =	vld [tilespmem:s17+$0x33C0]  }
0xe0: {  	v7 =	vld [tilespmem:s17+$0x33D0]  }
0xe1: {  	v0 =	vadd.f32 v1, v0;
	v1 =	vld [tilespmem:s17+$0x20]  }
0xe2: {  	v2 =	vadd.f32 v3, v2;
	v3 =	vld [tilespmem:s17+$0x33E0]  }
0xe3: {  	[tilespmem:s17+$0x9890] =	vst v0;
	v0 =	vld [tilespmem:s17+$0x30]  }
0xe4: {  	[tilespmem:s17+$0x97A0] =	vst v2;
	v2 =	vadd.f32 v5, v4;
	v4 =	vld [tilespmem:s17+$0x40]  }
0xe5: {  	v5 =	vld [tilespmem:s17+$0x50]  }
0xe6: {  	[tilespmem:s17+$0x97B0] =	vst v2;
	v2 =	vld [tilespmem:s17+$0x33F0];
	v1 =	vadd.f32 v1, v6  }
0xe7: {  	v6 =	vld [tilespmem:s17+$0x60]  }
0xe8: {  	[tilespmem:s17+$0x97C0] =	vst v1;
	v0 =	vadd.f32 v0, v7;
	v1 =	vld [tilespmem:s17+$0x3400]  }
0xe9: {  	v7 =	vld [tilespmem:s17+$0xB0]  }
0xea: {  	[tilespmem:s17+$0x97D0] =	vst v0;
	v0 =	vadd.f32 v4, v3;
	v3 =	vld [tilespmem:s17+$0x3410]  }
0xeb: {  	v4 =	vld [tilespmem:s17+$0x70]  }
0xec: {  	[tilespmem:s17+$0x97E0] =	vst v0;
	v0 =	vadd.f32 v5, v2;
	v2 =	vld [tilespmem:s17+$0x3420]  }
0xed: {  	v5 =	vld [tilespmem:s17+$0x80]  }
0xee: {  	[tilespmem:s17+$0x97F0] =	vst v0;
	v0 =	vadd.f32 v6, v1;
	v1 =	vld [tilespmem:s17+$0x3430]  }
0xef: {  	v6 =	vld [tilespmem:s17+$0x90]  }
0xf0: {  	[tilespmem:s17+$0x9800] =	vst v0;
	v0 =	vadd.f32 v4, v3;
	v3 =	vld [tilespmem:s17+$0x3440]  }
0xf1: {  	v4 =	vld [tilespmem:s17+$0xA0]  }
0xf2: {  	[tilespmem:s17+$0x9810] =	vst v0;
	v0 =	vadd.f32 v5, v2;
	v5 =	vld [tilespmem:s17+$0x3450]  }
0xf3: {  	v8 =	vld [tilespmem:s17+$0xC0]  }
0xf4: {  	[tilespmem:s17+$0x9820] =	vst v0;
	v0 =	vadd.f32 v6, v1;
	v6 =	vld [tilespmem:s17+$0x3460]  }
0xf5: {  	v2 =	vld [tilespmem:s17+$0x3470]  }
0xf6: {  	[tilespmem:s17+$0x9830] =	vst v0;
	v0 =	vadd.f32 v4, v3;
	v3 =	vld [tilespmem:s17+$0xD0]  }
0xf7: {  	v4 =	vld [tilespmem:s17+$0xE0];
	v5 =	vadd.f32 v7, v5  }
0xf8: {  	s19 =	simm.s32 $0x100;
	[tilespmem:s17+$0x9840] =	vst v0;
	v0 =	vld [tilespmem:s17+$0x3480]  }
0xf9: {  	s20 =	simm.s32 $0x800;
	v1 =	vld [tilespmem:s19+$0x3490];
	[tilespmem:s17+$0x9850] =	vst v5;
	v5 =	vadd.f32 v8, v6  }
.LBB2_4:
0xfa: {  	p0 =	sne.s32 s20, $0xC400;
	v6 =	vld [tilespmem:s19+$0xF0]  }
0xfb: {  	v2 =	vadd.f32 v3, v2;
	v7 =	vld [tilespmem:s19+$0x33A0];
	[tilespmem:s17+$0x9860] =	vst v5  }
0xfc: {  	v3 =	vld [tilespmem:s19+$0x0]  }
0xfd: {  	v0 =	vadd.f32 v4, v0;
	v5 =	vld [tilespmem:s19+$0x33B0];
	[tilespmem:s17+$0x9870] =	vst v2  }
0xfe: {  	v2 =	vld [tilespmem:s19+$0x10]  }
0xff: {  	v4 =	vld [tilespmem:s19+$0x33C0];
	v1 =	vadd.f32 v6, v1;
	[tilespmem:s17+$0x9880] =	vst v0;
	s17 =	smov.u32 s19  }
0x100: {  	v0 =	vld [tilespmem:s17+$0x20]  }
0x101: {  	v3 =	vadd.f32 v3, v7;
	v6 =	vld [tilespmem:s17+$0x33D0];
	[tilespmem:s17+$0x9890] =	vst v1  }
0x102: {  	v1 =	vld [tilespmem:s17+$0x30]  }
0x103: {  	[tilespmem:s17+$0x97A0] =	vst v3;
	v2 =	vadd.f32 v2, v5;
	v3 =	vld [tilespmem:s17+$0x33E0]  }
0x104: {  	v5 =	vld [tilespmem:s17+$0x40]  }
0x105: {  	[tilespmem:s17+$0x97B0] =	vst v2;
	v0 =	vadd.f32 v0, v4;
	v2 =	vld [tilespmem:s17+$0x33F0]  }
0x106: {  	v4 =	vld [tilespmem:s17+$0x50]  }
0x107: {  	[tilespmem:s17+$0x97C0] =	vst v0;
	v0 =	vadd.f32 v1, v6;
	v1 =	vld [tilespmem:s17+$0x3400]  }
0x108: {  	v6 =	vld [tilespmem:s17+$0x60]  }
0x109: {  	[tilespmem:s17+$0x97D0] =	vst v0;
	v0 =	vadd.f32 v5, v3;
	v3 =	vld [tilespmem:s17+$0x3410]  }
0x10a: {  	v5 =	vld [tilespmem:s17+$0x70]  }
0x10b: {  	[tilespmem:s17+$0x97E0] =	vst v0;
	v0 =	vadd.f32 v4, v2;
	v2 =	vld [tilespmem:s17+$0x3420]  }
0x10c: {  	v4 =	vld [tilespmem:s17+$0x80]  }
0x10d: {  	[tilespmem:s17+$0x97F0] =	vst v0;
	v0 =	vadd.f32 v6, v1;
	v1 =	vld [tilespmem:s17+$0x3430]  }
0x10e: {  	v6 =	vld [tilespmem:s17+$0x90]  }
0x10f: {  	[tilespmem:s17+$0x9800] =	vst v0;
	v0 =	vadd.f32 v5, v3;
	v3 =	vld [tilespmem:s17+$0x3440]  }
0x110: {  	v5 =	vld [tilespmem:s17+$0xA0]  }
0x111: {  	[tilespmem:s17+$0x9810] =	vst v0;
	v0 =	vadd.f32 v4, v2;
	v4 =	vld [tilespmem:s17+$0x3450]  }
0x112: {  	v7 =	vld [tilespmem:s17+$0xB0]  }
0x113: {  	[tilespmem:s17+$0x9820] =	vst v0;
	v0 =	vadd.f32 v6, v1;
	v6 =	vld [tilespmem:s17+$0x3460]  }
0x114: {  	v8 =	vld [tilespmem:s17+$0xC0]  }
.Ltmp7:
0x115: {  	[tilespmem:s17+$0x9830] =	vst v0;
	v0 =	vadd.f32 v5, v3;
	v2 =	vld [tilespmem:s17+$0x3470];
	(pc) =	sbr.rel @p0 .LBB2_4-.Ltmp7, $4  }
0x116: {  	v3 =	vld [tilespmem:s17+$0xD0]  }
0x117: {  	[tilespmem:s17+$0x9840] =	vst v0;
	v5 =	vadd.f32 v7, v4;
	v0 =	vld [tilespmem:s17+$0x3480]  }
0x118: {  	s19 =	sshra.s32 s20, $0x2;
	v4 =	vld [tilespmem:s17+$0xE0]  }
0x119: {  	s20 =	sadd.s32 $0x400, s20;
	v1 =	vld [tilespmem:s19+$0x3490];
	[tilespmem:s17+$0x9850] =	vst v5;
	v5 =	vadd.f32 v8, v6  }
.Ltmp8:
0x11a: {  	_ = 	snop;
	(pc) =	sbr.rel .LBB2_5-.Ltmp8, $1  }
0x11b: {  	_ =	sdelay $0x3  }
.LBB2_11:
0x11c: {  	_ =	sfence.sel $0x180000  }
0x11d: {  	[bflag:$0x0] =	sbarrier.arrive $0xFFFF  }
0x11e: {  	_ =	strace $0x90000047  }
0x11f: {  	s0 =	stileid.u32;
	[bflag:$0x2] =	sbarrier.arrive $0xFFFF  }
0x120: {  	p0 =	sne.s32 s0, $0x0;
	s0 =	rddreg [dreg:$0x2]  }
0x121: {  	s0 =	sadd.s32 @!p0 $0x100000, s0  }
0x122: {  	[sflag:s0] =	ssyncadd.tile.s32 @!p0 $0x1;
	_ =	shalt  }
.Lfunc_end2:
_tile_overlayer_lowered:
.L_overlay_start_2:
0x123: {  	(tag) =	ssettag $0x2  }
0x124: {  	s0 =	rddreg [dreg:$0x0];
	s2 =	stileid.u32  }
0x125: {  	s1 =	rddreg [dreg:$0x1];
	p0 =	sne.s32 s2, $0x0  }
0x126: {  	s3 =	rddreg [dreg:$0x2];
	[bflag:$0x3] =	sbarrier.arrive $0xFFFF;
	s2 =	simm.s32 @!p0 $0x1C07  }
0x127: {  	[timem:s3], [sflag:s2] =	dma.local @!p0 [hbm:s0], s1  }
0x128: {  	s0 =	simm.s32 @!p0 $0x7  }
0x129: {  	_ =	swait.ge @!p0 [sflag:s0], s1  }
0x12a: {  	s1 =	ssub.s32 @!p0 $0x0, s1;
	[sflag:s0] =	ssyncset.done @!p0 $0x0  }
0x12b: {  	[sflag:s0] =	ssyncadd.s32 @!p0 s1  }
0x12c: {  	[bflag:$0x3] =	sbarrier.arrive $0xFFFF  }
0x12d: {  	_ =	shalt  }

// kernel: sparse-core-data-format-call.cloned.1.call-start
scs
called_computation_lowered:
.L_overlay_start_0:
0x0: {  	s2 =	sld [smem:$0x3FD9]  }
0x1: {  	s3 =	sld [smem:$0x3FFE];
	_ =	sdelay $0x1  }
0x2: {  	s1 =	srdreg.scid  }
0x3: {  	s0 =	sand.u32 $0x1, s1  }
0x4: {  	s18 =	sshll.u32 s0, $0xA;
	s2 =	sadd.s32 s3, s2  }
0x5: {  	s2 =	sadd.s32 s2, s18  }
0x6: {  	[smem:$0x3FC5] =	sst s2  }
0x7: {  	_ = 	snop  }
0x8: {  	s2 =	sld [smem:$0x3FD0];
	(tm) =	ssettm $0x1  }
0x9: {  	s19 =	sld [smem:$0x3FFB];
	_ =	sdelay $0x3  }
0xa: {  	_ =	strace s19  }
0xb: {  	s3 =	sld [smem:$0x3FFC];
	_ =	sdelay $0x3  }
0xc: {  	_ =	strace s3  }
0xd: {  	s3 =	sld [smem:$0x3FFD];
	_ =	sdelay $0x3  }
0xe: {  	_ =	strace s3  }
0xf: {  	_ =	strace $0x8FFFFFFF  }
0x10: {  	s20 =	sld [smem:$0x3FDB];
	_ =	sdelay $0x1  }
0x11: {  	s4 =	simm.s32 $_scs_section_size  }
0x12: {  	s5 =	simm.s32 $_size__tile_overlayer_lowered;
	s6 =	simm.s32 $_tile_overlayer_lowered  }
0x13: {  	s23 =	simm.s32 $0x1BFF;
	s22 =	sshll.u32 s6, $0x1;
	s3 =	sadd.s32 s4, s20  }
0x14: {  	s7 =	simm.s32 $0x0;
	s21 =	sshll.u32 s5, $0x1;
	s5 =	sadd.s32 s22, s3  }
0x15: {  	[timem:s7], [sflag:s23] =	dma.local [hbm:s5], s21  }
0x16: {  	_ =	swait.ge [sflag:s23], s21  }
0x17: {  	s4 =	ssub.s32 $0x0, s21;
	[sflag:s23] =	ssyncset.done $0x0  }
0x18: {  	[sflag:s23] =	ssyncadd.s32 s4;
	_ =	sdelay $0x1  }
0x19: {  	s24 =	simm.s32 $0x1B8B  }
0x1a: {  	_ =	swait.ge [sflag:s24], $0x1  }
0x1b: {  	[sflag:s24] =	ssyncset.done $0x0  }
0x1c: {  	s26 =	simm.s32 $0x1B8E;
	s25 =	sld [smem:$0x3FFE];
	[sflag:s24] =	ssyncadd.s32 $0xFFFFFFFF  }
0x1d: {  	s27 =	simm.s32 $execute0_lowered;
	[smem:$0x3FD2] =	sst s26  }
0x1e: {  	s5 =	sshll.u32 s27, $0x1;
	_ =	strace $0x80000049;
	[dreg:$0x1] =	wrdreg $0xFFFFFFFF  }
0x1f: {  	s28 =	simm.s32 $_size_execute0_lowered;
	s3 =	sadd.s32 s3, s5;
	[dreg:$0x0] =	wrdreg $0x0  }
0x20: {  	s5 =	sshll.u32 s28, $0x1;
	[dreg:$0x2] =	wrdreg s3  }
0x21: {  	[dreg:$0x3] =	wrdreg s5  }
0x22: {  	[dreg:$0x4] =	wrdreg $0xC0  }
0x23: {  	_ =	task [dreg:s7], $0x5FFFF  }
0x24: {  	[dreg:$0x1] =	wrdreg $0xFFFFFFFF  }
0x25: {  	[dreg:$0x0] =	wrdreg $0x60  }
0x26: {  	[dreg:$0x2] =	wrdreg s25  }
0x27: {  	[dreg:$0x3] =	wrdreg s2  }
0x28: {  	[dreg:$0x4] =	wrdreg $0x9  }
0x29: {  	_ =	task.clear_ibuf [dreg:s7], $0x5FFFF;
	_ =	strace $0x90000049  }
0x2a: {  	s29 =	simm.s32 $0x9;
	_ =	strace $0x8000004B  }
0x2b: {  	_ =	swait.ge [sflag:s29], $0x1  }
0x2c: {  	[sflag:s29] =	ssyncadd.s32 $0xFFFFFFFF  }
0x2d: {  	_ =	strace $0x9000004B  }
0x2e: {  	_ =	sfence  }
0x2f: {  	s30 =	sld [smem:$0x0];
	_ =	sdelay $0x2  }
0x30: {  	s31 =	sshll.u32 s1, $0xD;
	s1 =	sshrl.u32 s1, $0x2  }
0x31: {  	s3 =	sand.u32 $0x4000, s31;
	s1 =	sadd.s32 s1, s30  }
0x32: {  	s0 =	sor.u32 s3, s0;
	s1 =	sshll.u32 s1, $0x11  }
0x33: {  	s0 =	sor.u32 s1, s0  }
0x34: {  	s0 =	sadd.s32 $0x8F2B, s0  }
0x35: {  	[sflag:s0] =	ssyncadd.remote.s32 $0x1  }
0x36: {  	_ =	sfence.sel $0xFFFF  }
0x37: {  	[dreg:$0x0] =	wrdreg $0xFFFFFFFF;
	(pc) =	sbr.abs _section_cstart, $3  }
0x38: {  	[dreg:$0x1] =	wrdreg $0xFFFFFFFF  }
0x39: {  	_ =	task.clear_ibuf [dreg:s7], $0x2FFFF;
	_ =	strace $0x9FFFFFFF  }
0x3a: {  	(tm) =	ssettm $0x7FFFFFFF  }
0x3b: {  	_ =	shalt  }
tec
execute0_lowered:
.L_overlay_start_1:
0x0: {  	(tag) =	ssettag $0x1  }
0x1: {  	s0 =	srdreg.scid  }
0x2: {  	s1 =	sshll.u32 s0, $0x4  }
0x3: {  	s0 =	stileid.u32;
	s1 =	sand.u32 $0x10, s1  }
0x4: {  	s1 =	sor.u32 s0, s1  }
0x5: {  	s6 =	rddreg [dreg:$0x0];
	s4 =	simm.s32 $0x1;
	s2 =	sshll.u32 s1, $0x7  }
0x6: {  	s7 =	simm.s32 $0x2;
	s12 =	simm.s32 $0x0;
	s1 =	ssub.s32 $0x1000, s2  }
0x7: {  	s8 =	simm.s32 $0x8000;
	s13 =	simm.s32 $0x0;
	s3 =	sand.u32 $0xF80, s1  }
0x8: {  	s9 =	simm.s32 $0x0;
	s5 =	sshrl.u32 s1, $0xC;
	p0 =	sne.s32 s3, $0x0  }
.Ltmp0:
0x9: {  	s1 =	rddreg [dreg:$0x2];
	s4 =	simm.s32 @!p0 $0x0;
	(pc) =	sbr.rel .LBB1_1-.Ltmp0, $4  }
0xa: {  	s11 =	simm.s32 $0x0;
	s3 =	rddreg [dreg:$0x1];
	s5 =	sadd.s32 s4, s5  }
0xb: {  	_ =	strace $0x8000004A;
	s4 =	simm.s32 $0x1;
	s5 =	smul.u32 $0xC8, s5  }
0xc: {  	s6 =	sadd.s32 $0x7A2400, s6;
	s10 =	smov.u32 s2;
	[sflag:s4] =	ssyncpa.u1 $0x0  }
0xd: {  	p0 =	por $0x0, $0x0;
	[sflag:s7] =	ssyncpa.u1 $0x0;
	s7 =	sor.u32 $0x1, s5  }
.LBB1_4:
0xe: {  	s16 =	sshll.u32 s13, $0x3;
	s17 =	sand.u32 $0x78, s13  }
0xf: {  	s30 =	sand.u32 $0x7E00, s13;
	s12 =	sshll.u32 s12, $0xF;
	s16 =	sand.u32 $0xC00, s16  }
0x10: {  	[tilespmem:s15+$0x810 ss:$0x81] =	vst.msk $0xffff, v2;
	s31 =	sand.u32 $0x7, s13;
	s16 =	sor.u32 s17, s16;
	s17 =	sadd.s32 s3, s30  }
0x11: {  	[tilespmem:s15+$0x1020 ss:$0x81] =	vst.msk $0xffff, v0;
	s13 =	sshll.u32 s31, $0x12;
	s12 =	sadd.s32 s12, s17;
	s16 =	sshrl.u32 s16, $0x3  }
0x12: {  	[tilespmem:s15+$0x0 ss:$0x81] =	vst.msk $0xffff, v1;
	s13 =	sor.u32 $0x400, s13;
	s12 =	sadd.s32 s16, s12  }
0x13: {  	[hbm4b:s12+s13] =	stream.strided.scatter [tilespmem:s14], [sflag:$0x2], $0x2000, s8, s13, $0x20;
	[tilespmem:$0x8080] =	vst v63  }
.LBB1_5:
0x14: {  	s14 =	sadd.s32 $0x1, s9  }
0x15: {  	s12 =	sadd.s32 $0x1000, s10;
	s16 =	smov.u32 s10;
	p2 =	sgt.s32 s14, $0xC7  }
0x16: {  	s16 =	smov.u32 @p2 s12  }
0x17: {  	s14 =	simm.s32 @p2 $0x0;
	p2 =	sgt.s32 s16, $0xFFF  }
0x18: {  	s16 =	smov.u32 @p2 s2;
	p2 =	sne.s32 s11, s7  }
.Ltmp1:
0x19: {  	p1 =	slt.u32 s11, $0x2;
	(pc) =	sbr.rel @!p2 .LBB1_6-.Ltmp1, $4  }
0x1a: {  	s15 =	simm.s32 @!p1 $0x2  }
0x1b: {  	s13 =	smov.u32 s10;
	p0 =	por !p0, !p0;
	_ =	swait.ge @!p1 [sflag:s15], $0x2000  }
0x1c: {  	s12 =	smov.u32 s9;
	[sflag:s15] =	ssyncset.done @!p1 $0x0;
	s9 =	smov.u32 s14  }
0x1d: {  	s11 =	sadd.s32 $0x1, s11;
	[sflag:s15] =	ssyncadd.s32 @!p1 $0xFFFFE000;
	s10 =	smov.u32 s16  }
.LBB1_1:
0x1e: {  	p1 =	sge.u32 s11, s5  }
0x1f: {  	s14 =	sand.u32 @!p1 $0x1FFFFFF, s9  }
0x20: {  	s15 =	smulhi.u32 @!p1 $0x147AE15, s14;
	_ =	sdelay $0x1  }
0x21: {  	s15 =	smul.u32 @!p1 $0xC8, s15  }
0x22: {  	s16 =	sxor.u32 @!p1 $0xFFFFFFFF, s11;
	s17 =	smul.u32 @!p1 $0xC80, s10  }
0x23: {  	s31 =	sadd.s32 $0xFFFFFFFF, s11;
	s16 =	sshll.u32 @!p1 s16, $0xD;
	s14 =	ssub.s32 @!p1 s14, s15  }
0x24: {  	s15 =	sand.u32 @!p1 $0x2000, s16;
	s16 =	sadd.s32 @!p1 s6, s17;
	s14 =	sshll.u32 @!p1 s14, $0x4  }
0x25: {  	s17 =	simm.s32 @!p1 $0x6400;
	s14 =	sadd.s32 @!p1 s14, s16;
	s16 =	simm.s32 @!p1 $0x40  }
0x26: {  	[tilespmem:s15], [sflag:$0x1] =	stream.strided.gather @!p1 [hbm4b:s14+s16], $0x2000, s17, s16, $0x38;
	[tilespmem:$0x8080] =	vst v63  }
0x27: {  	p1 =	sge.u32 s31, s5  }
.Ltmp2:
0x28: {  	_ = 	snop;
	(pc) =	sbr.rel @p1 .LBB1_5-.Ltmp2, $1  }
0x29: {  	_ =	sdelay $0x3  }
0x2a: {  	s14 =	simm.s32 $0x1  }
0x2b: {  	_ =	swait.ge [sflag:s4], $0x2000;
	s14 =	simm.s32 @!p0 $0x0  }
0x2c: {  	[sflag:s4] =	ssyncset.done $0x0;
	s15 =	sshll.u32 s14, $0xD  }
0x2d: {  	[sflag:s4] =	ssyncadd.s32 $0xFFFFE000;
	s18 =	sor.u32 $0x20, s15  }
0x2e: {  	s14 =	smul.u32 $0x8100, s14;
	v3 =	vld [tilespmem:s18+$0x10]  }
0x2f: {  	s30 =	sand.u32 $0x1, s11;
	v2 =	vld [tilespmem:s18+$0xFFFFFFF0]  }
0x30: {  	s15 =	smul.u32 $0x8100, s30;
	s14 =	sshrl.u32 s14, $0x2;
	v0 =	vld [tilespmem:s18+$0x0]  }
0x31: {  	v1 =	vld [tilespmem:s18+$0xFFFFFFE0];
	s16 =	sor.u32 $0x4000, s14  }
0x32: {  	s31 =	sshrl.u32 s15, $0x2;
	s15 =	sadd.s32 $0x0, s16  }
0x33: {  	s17 =	simm.s32 $0x4;
	s18 =	sadd.s32 $0x40, s18;
	s14 =	sor.u32 $0x4000, s31;
	[tilespmem:s15+$0x1830 ss:$0x81] =	vst.msk $0xffff, v3  }
.LBB1_3:
0x34: {  	v3 =	vld [tilespmem:s18+$0x10];
	p1 =	sne.s32 s17, $0x1FC;
	[tilespmem:s15+$0x810 ss:$0x81] =	vst.msk $0xffff, v2;
	s19 =	smov.u32 s17;
	s17 =	sadd.s32 $0x4, s17  }
.Ltmp3:
0x35: {  	v2 =	vld [tilespmem:s18+$0xFFFFFFF0];
	[tilespmem:s15+$0x1020 ss:$0x81] =	vst.msk $0xffff, v0;
	(pc) =	sbr.rel @p1 .LBB1_3-.Ltmp3, $4  }
0x36: {  	v0 =	vld [tilespmem:s18+$0x0];
	[tilespmem:s15+$0x0 ss:$0x81] =	vst.msk $0xffff, v1  }
0x37: {  	s15 =	sshra.s32 s19, $0x2;
	v1 =	vld [tilespmem:s18+$0xFFFFFFE0]  }
0x38: {  	s15 =	sadd.s32 s15, s16  }
0x39: {  	s18 =	sadd.s32 $0x40, s18;
	[tilespmem:s15+$0x1830 ss:$0x81] =	vst.msk $0xffff, v3  }
.Ltmp4:
0x3a: {  	_ = 	snop;
	(pc) =	sbr.rel .LBB1_4-.Ltmp4, $1  }
0x3b: {  	_ =	sdelay $0x3  }
.LBB1_6:
0x3c: {  	_ =	sfence.sel $0x180000  }
0x3d: {  	s2 =	simm.s32 $0x1;
	[bflag:$0x0] =	sbarrier.arrive $0xFFFF  }
0x3e: {  	s31 =	simm.s32 $0x2;
	[sflag:s2] =	ssyncpa.u1 $0x1  }
0x3f: {  	[sflag:s31] =	ssyncpa.u1 $0x1  }
0x40: {  	p0 =	sne.s32 s0, $0x0;
	_ =	strace $0x9000004A  }
0x41: {  	s0 =	sadd.s32 @!p0 $0x100000, s1;
	[bflag:$0x2] =	sbarrier.arrive $0xFFFF  }
0x42: {  	[sflag:s0] =	ssyncadd.tile.s32 @!p0 $0x1;
	_ =	shalt  }
.Lfunc_end1:
_tile_overlayer_lowered:
.L_overlay_start_2:
0x43: {  	(tag) =	ssettag $0x2  }
0x44: {  	s0 =	rddreg [dreg:$0x0];
	s2 =	stileid.u32  }
0x45: {  	s1 =	rddreg [dreg:$0x1];
	p0 =	sne.s32 s2, $0x0  }
0x46: {  	s3 =	rddreg [dreg:$0x2];
	[bflag:$0x3] =	sbarrier.arrive $0xFFFF;
	s2 =	simm.s32 @!p0 $0x1C01  }
0x47: {  	[timem:s3], [sflag:s2] =	dma.local @!p0 [hbm:s0], s1  }
0x48: {  	s0 =	simm.s32 @!p0 $0x1  }
0x49: {  	_ =	swait.ge @!p0 [sflag:s0], s1  }
0x4a: {  	s1 =	ssub.s32 @!p0 $0x0, s1;
	[sflag:s0] =	ssyncset.done @!p0 $0x0  }
0x4b: {  	[sflag:s0] =	ssyncadd.s32 @!p0 s1  }
0x4c: {  	[bflag:$0x3] =	sbarrier.arrive $0xFFFF  }
0x4d: {  	_ =	shalt  }

</sc_bundles>
